<compile_context>
chip_gen: v7x
topology: tpu7x:2x2x1
jax: 0.10.2.dev20260603
libtpu: 0.0.44.dev20260713+nightly
codegen_flags: <defaults>
</compile_context>

<pallas_src>
import functools

import jax
import jax.numpy as jnp
from jax import lax
from jax.experimental import pallas as pl
from jax.experimental.pallas import tpu as pltpu
from jax.experimental.pallas import tpu_sc as plsc

_NC = 2
_NS = 16
_NW = _NC * _NS
_L = 16
_PAD = 16


def _combine_body(bias_ref, fc_ref, emb_ref, out_ref):
    e = emb_ref[...]
    out_ref[...] = (fc_ref[...] - 0.5 * jnp.sum(e * e, axis=1)
                    + bias_ref[0, 0])


def _make_combined_table(fc_weight, embedding_weight, bias, n_fields):
    v, d = embedding_weight.shape
    rb = 8192
    n_blocks = -(-v // rb)
    v_pad = n_blocks * rb
    bias_over_f = (bias.astype(jnp.float32) / n_fields).reshape(1, 1)
    return pl.pallas_call(
        _combine_body,
        grid=(n_blocks,),
        in_specs=[
            pl.BlockSpec(memory_space=pltpu.SMEM),
            pl.BlockSpec((rb,), lambda i: (i,)),
            pl.BlockSpec((rb, d), lambda i: (i, 0)),
        ],
        out_specs=pl.BlockSpec((rb,), lambda i: (i,)),
        out_shape=jax.ShapeDtypeStruct((v_pad,), jnp.float32),
    )(bias_over_f, fc_weight.reshape(v), embedding_weight)


def _expand_c_kernel(c, *, v):
    rows_pw = v // _NW
    assert rows_pw % 8 == 0
    mesh = plsc.VectorSubcoreMesh(
        core_axis_name="c", subcore_axis_name="s",
        num_cores=_NC, num_subcores=_NS,
    )

    @functools.partial(
        pl.kernel,
        out_type=jax.ShapeDtypeStruct((v, _PAD), jnp.float32),
        mesh=mesh,
        compiler_params=pltpu.CompilerParams(use_tc_tiling_on_sc=False),
        scratch_types=[
            pltpu.VMEM((rows_pw,), jnp.float32),
            pltpu.VMEM((rows_pw, _PAD), jnp.float32),
            pltpu.SemaphoreType.DMA,
        ],
    )
    def body(c_hbm, out_hbm, c_v, e_v, sem):
        cid = lax.axis_index("c")
        sid = lax.axis_index("s")
        wid = sid * _NC + cid
        base = wid * rows_pw

        pltpu.async_copy(c_hbm.at[pl.ds(base, rows_pw)], c_v, sem).wait()

        assert rows_pw % _L == 0

        def expand_group(g, carry):
            vals = c_v[pl.ds(g * _L, _L)]
            for k in range(_L):
                e_v[g * _L + k, pl.ds(0, _L)] = jnp.full(
                    (_L,), vals[k], jnp.float32)
            return carry

        lax.fori_loop(0, rows_pw // _L, expand_group, 0)
        pltpu.sync_copy(e_v, out_hbm.at[pl.ds(base, rows_pw), :])

    return body(c)


def _fm_sc_kernel(x3, c_tab, emb, *, batch, n_fields, d):
    bpw = batch // _NW
    nch = bpw // 128
    mesh = plsc.VectorSubcoreMesh(
        core_axis_name="c", subcore_axis_name="s",
        num_cores=_NC, num_subcores=_NS,
    )

    @functools.partial(
        pl.kernel,
        out_type=(
            jax.ShapeDtypeStruct((batch, d), jnp.float32),
            jax.ShapeDtypeStruct((batch, _PAD), jnp.float32),
        ),
        mesh=mesh,
        compiler_params=pltpu.CompilerParams(use_tc_tiling_on_sc=False),
        scratch_types=[
            pltpu.VMEM((n_fields, nch, 128), jnp.int32),
            pltpu.VMEM((bpw, d), jnp.float32),
            pltpu.VMEM((bpw, _PAD), jnp.float32),
            pltpu.SemaphoreType.DMA,
            pltpu.SemaphoreType.DMA,
        ],
    )
    def body(x3_hbm, c_hbm, emb_hbm, s_hbm, zacc_hbm,
             idx_v, s_v, acc_v, sem, sem_c):
        cid = lax.axis_index("c")
        sid = lax.axis_index("s")
        wid = sid * _NC + cid
        base = wid * bpw
        cb = wid * nch

        idx_cps = [
            pltpu.async_copy(x3_hbm.at[f, pl.ds(cb, nch), :], idx_v.at[f], sem)
            for f in range(n_fields)
        ]

        zeros = jnp.zeros((_L,), jnp.float32)

        def zero_row(i, carry):
            for j in range(d // _L):
                s_v[i, pl.ds(j * _L, _L)] = zeros
            return carry

        lax.fori_loop(0, bpw, zero_row, 0)

        def zero_acc(i, carry):
            acc_v[i, pl.ds(0, _L)] = zeros
            return carry

        lax.fori_loop(0, bpw, zero_acc, 0)
        for cp in idx_cps:
            cp.wait()

        def drain_one():
            for ch in range(nch):
                pltpu.make_async_copy(
                    emb_hbm.at[pl.ds(0, 128)],
                    s_v.at[pl.ds(ch * 128, 128)], sem).wait()
                pltpu.make_async_copy(
                    c_hbm.at[pl.ds(0, 128)],
                    acc_v.at[pl.ds(ch * 128, 128)], sem_c).wait()

        def gather_field(f, carry):
            @pl.when(f > 0)
            def _():
                drain_one()
            for ch in range(nch):
                pltpu.async_copy(
                    emb_hbm.at[idx_v.at[f, ch]],
                    s_v.at[pl.ds(ch * 128, 128)],
                    sem, add=True)
                pltpu.async_copy(
                    c_hbm.at[idx_v.at[f, ch]],
                    acc_v.at[pl.ds(ch * 128, 128)],
                    sem_c, add=True)
            return carry

        lax.fori_loop(0, n_fields, gather_field, 0)
        drain_one()

        pltpu.sync_copy(s_v, s_hbm.at[pl.ds(base, bpw), :])
        pltpu.sync_copy(acc_v, zacc_hbm.at[pl.ds(base, bpw), :])

    return body(x3, c_tab, emb)


def _epilogue_body(s_ref, zacc_ref, out_ref):
    s = s_ref[...]
    z = zacc_ref[:, :1] + 0.5 * jnp.sum(s * s, axis=1, keepdims=True)
    out_ref[...] = 1.0 / (1.0 + jnp.exp(-z))


def _epilogue(s, zacc, *, batch, d):
    rb = 2048
    assert batch % rb == 0
    out = pl.pallas_call(
        _epilogue_body,
        grid=(batch // rb,),
        in_specs=[
            pl.BlockSpec((rb, d), lambda i: (i, 0)),
            pl.BlockSpec((rb, _PAD), lambda i: (i, 0)),
        ],
        out_specs=pl.BlockSpec((rb, 1), lambda i: (i, 0)),
        out_shape=jax.ShapeDtypeStruct((batch, 1), jnp.float32),
    )(s, zacc)
    return out.reshape(batch)


def kernel(x, fc_weight, bias, embedding_weight):
    batch, n_fields = x.shape
    v, d = embedding_weight.shape
    assert batch % (_NW * 128) == 0 and d % _L == 0

    c_pad = _make_combined_table(fc_weight, embedding_weight, bias, n_fields)
    v_pad = c_pad.shape[0]
    assert v_pad % (_NW * 8) == 0
    c_tab = _expand_c_kernel(c_pad, v=v_pad)
    x3 = x.astype(jnp.int32).T.reshape(n_fields, batch // 128, 128)
    s, zacc = _fm_sc_kernel(x3, c_tab, embedding_weight,
                            batch=batch, n_fields=n_fields, d=d)
    return _epilogue(s, zacc, batch=batch, d=d)

# --- scband reference (transcript-rebuilt; emitter-appended) ---
"""Pipeline reference for scband-factorization-machine-model-9861244912017 (READ-ONLY COPY).

The authoritative reference and input builder live on the scoring server;
editing this copy changes nothing except your own understanding.
"""

import jax, jax.numpy as jnp
import numpy as np

NUM_FEATS = 100000
EMBED_DIM = 128
OUTPUT_DIM = 1
BATCH = 16384
N_FIELDS = 26


def setup_inputs(seed: int = 0) -> dict:
    key = jax.random.key(seed)
    k1, k2, k3 = jax.random.split(key, 3)
    x = jax.random.randint(k1, (BATCH, N_FIELDS), 0, NUM_FEATS, dtype=jnp.int64 if jax.config.jax_enable_x64 else jnp.int32)
    # nn.Embedding default init: N(0, 1) for fc
    fc_weight = jax.random.normal(k2, (NUM_FEATS, OUTPUT_DIM), dtype=jnp.float32)
    bias = jnp.zeros((OUTPUT_DIM,), dtype=jnp.float32)
    # xavier_uniform_ for embedding: bound = sqrt(6/(fan_in+fan_out))
    bound = float(np.sqrt(6.0 / (NUM_FEATS + EMBED_DIM)))
    embedding_weight = jax.random.uniform(k3, (NUM_FEATS, EMBED_DIM), dtype=jnp.float32, minval=-bound, maxval=bound)
    return {"x": x, "fc_weight": fc_weight, "bias": bias, "embedding_weight": embedding_weight}


def reference(x, fc_weight, bias, embedding_weight):
    # offsets: num_feats is a scalar -> np.cumsum(num_feats)[:-1] is empty -> offsets = [0]
    offsets = jnp.array([0], dtype=x.dtype)
    x = x + offsets[None, :]
    # linear term: sum over fields of fc embedding + bias -> [B, output_dim]
    linear_term = jnp.sum(jnp.take(fc_weight, x, axis=0), axis=1) + bias
    # pairwise interaction term
    x_embedding = jnp.take(embedding_weight, x, axis=0)  # [B, F, d]
    square_of_sum = jnp.sum(x_embedding, axis=1) ** 2    # [B, d]
    sum_of_square = jnp.sum(x_embedding ** 2, axis=1)    # [B, d]
    interaction = square_of_sum - sum_of_square
    interaction = jnp.sum(interaction, axis=1, keepdims=True)  # reduce_sum=True
    interaction = 0.5 * interaction
    out = linear_term + interaction  # [B, 1]
    return jax.nn.sigmoid(jnp.squeeze(out, axis=1))  # [B]

if __name__ == "__main__":
    import jax
    _d = setup_inputs()
    print(jax.jit(kernel)(*tuple(_d.values())))

</pallas_src>

<mosaic_0001>
#map = affine_map<(d0, d1) -> (0, 0, 0)>
#map1 = affine_map<(d0, d1) -> (0, 0)>
module attributes {stable_mosaic.version = 14 : i64} {
  func.func @body(%arg0: i32, %arg1: i32, %arg2: memref<26x128x128xi32, #tpu.memory_space<hbm>>, %arg3: memref<106496x16xf32, #tpu.memory_space<hbm>>, %arg4: memref<100000x128xf32, #tpu.memory_space<hbm>>, %arg5: memref<16384x128xf32, #tpu.memory_space<hbm>>, %arg6: memref<16384x16xf32, #tpu.memory_space<hbm>>, %arg7: memref<26x4x128xi32, #tpu.memory_space<vmem>>, %arg8: memref<512x128xf32, #tpu.memory_space<vmem>>, %arg9: memref<512x16xf32, #tpu.memory_space<vmem>>, %arg10: memref<!tpu.dma_semaphore, #tpu.memory_space<semaphore_mem>>, %arg11: memref<!tpu.dma_semaphore, #tpu.memory_space<semaphore_mem>>) attributes {dimension_semantics = [#tpu.dimension_semantics<core_parallel>, #tpu.dimension_semantics<subcore_parallel>], iteration_bounds = array<i64: 2, 16>, scalar_prefetch = 0 : i64, scratch_operands = 5 : i64, tpu.core_type = #tpu.core_type<sc_vector_subcore>, window_params = [{transform_indices = #map}, {transform_indices = #map1}, {transform_indices = #map1}, {transform_indices = #map1}, {transform_indices = #map1}]} {
    %mul3A = arith.constant 2 : i32
    %mul3A_0 = arith.muli %arg1, %mul3A : i32
    %add3A = arith.addi %mul3A_0, %arg0 : i32
    %mul3A_1 = arith.constant 512 : i32
    %mul3A_2 = arith.muli %add3A, %mul3A_1 : i32
    %mul3A_3 = arith.constant 4 : i32
    %mul3A_4 = arith.muli %add3A, %mul3A_3 : i32
    %dma_start3A = arith.constant 0 : i32
    %dma_start3A_5 = arith.constant 0 : i32
    %dma_start3A_6 = arith.constant 0 : i32
    %dma_start3A_7 = arith.constant 0 : i32
    %dma_start3A_8 = tpu.memref_slice %arg7[%dma_start3A_5, %dma_start3A_6, %dma_start3A_7] : memref<26x4x128xi32, #tpu.memory_space<vmem>> -> memref<1x4x128xi32, #tpu.memory_space<vmem>>
    %dma_start3A_9 = tpu.memref_squeeze %dma_start3A_8 : memref<1x4x128xi32, #tpu.memory_space<vmem>> -> memref<4x128xi32, #tpu.memory_space<vmem>>
    %dma_start3A_10 = arith.constant 0 : i32
    %dma_start3A_11 = tpu.memref_slice %arg2[%dma_start3A, %mul3A_4, %dma_start3A_10] : memref<26x128x128xi32, #tpu.memory_space<hbm>> -> memref<1x4x128xi32, #tpu.memory_space<hbm>>
    %dma_start3A_12 = tpu.memref_squeeze %dma_start3A_11 : memref<1x4x128xi32, #tpu.memory_space<hbm>> -> memref<4x128xi32, #tpu.memory_space<hbm>>
    %dma_start3A_13 = arith.constant 0 : i32
    %dma_start3A_14 = arith.constant 0 : i32
    %dma_start3A_15 = tpu.memref_slice %arg7[%dma_start3A_5, %dma_start3A_13, %dma_start3A_14] : memref<26x4x128xi32, #tpu.memory_space<vmem>> -> memref<1x4x128xi32, #tpu.memory_space<vmem>>
    %dma_start3A_16 = tpu.memref_squeeze %dma_start3A_15 : memref<1x4x128xi32, #tpu.memory_space<vmem>> -> memref<4x128xi32, #tpu.memory_space<vmem>>
    %dma_start3A_17 = arith.constant 0 : i32
    %dma_start3A_18 = tpu.memref_slice %arg2[%dma_start3A, %mul3A_4, %dma_start3A_17] : memref<26x128x128xi32, #tpu.memory_space<hbm>> -> memref<1x4x128xi32, #tpu.memory_space<hbm>>
    %dma_start3A_19 = tpu.memref_squeeze %dma_start3A_18 : memref<1x4x128xi32, #tpu.memory_space<hbm>> -> memref<4x128xi32, #tpu.memory_space<hbm>>
    tpu.enqueue_dma source(%dma_start3A_19 : memref<4x128xi32, #tpu.memory_space<hbm>>) target(%dma_start3A_16 : memref<4x128xi32, #tpu.memory_space<vmem>>) target_semaphore(%arg10 : memref<!tpu.dma_semaphore, #tpu.memory_space<semaphore_mem>>)
    %dma_start3A_20 = arith.constant 1 : i32
    %dma_start3A_21 = arith.constant 1 : i32
    %dma_start3A_22 = arith.constant 0 : i32
    %dma_start3A_23 = arith.constant 0 : i32
    %dma_start3A_24 = tpu.memref_slice %arg7[%dma_start3A_21, %dma_start3A_22, %dma_start3A_23] : memref<26x4x128xi32, #tpu.memory_space<vmem>> -> memref<1x4x128xi32, #tpu.memory_space<vmem>>
    %dma_start3A_25 = tpu.memref_squeeze %dma_start3A_24 : memref<1x4x128xi32, #tpu.memory_space<vmem>> -> memref<4x128xi32, #tpu.memory_space<vmem>>
    %dma_start3A_26 = arith.constant 0 : i32
    %dma_start3A_27 = tpu.memref_slice %arg2[%dma_start3A_20, %mul3A_4, %dma_start3A_26] : memref<26x128x128xi32, #tpu.memory_space<hbm>> -> memref<1x4x128xi32, #tpu.memory_space<hbm>>
    %dma_start3A_28 = tpu.memref_squeeze %dma_start3A_27 : memref<1x4x128xi32, #tpu.memory_space<hbm>> -> memref<4x128xi32, #tpu.memory_space<hbm>>
    %dma_start3A_29 = arith.constant 0 : i32
    %dma_start3A_30 = arith.constant 0 : i32
    %dma_start3A_31 = tpu.memref_slice %arg7[%dma_start3A_21, %dma_start3A_29, %dma_start3A_30] : memref<26x4x128xi32, #tpu.memory_space<vmem>> -> memref<1x4x128xi32, #tpu.memory_space<vmem>>
    %dma_start3A_32 = tpu.memref_squeeze %dma_start3A_31 : memref<1x4x128xi32, #tpu.memory_space<vmem>> -> memref<4x128xi32, #tpu.memory_space<vmem>>
    %dma_start3A_33 = arith.constant 0 : i32
    %dma_start3A_34 = tpu.memref_slice %arg2[%dma_start3A_20, %mul3A_4, %dma_start3A_33] : memref<26x128x128xi32, #tpu.memory_space<hbm>> -> memref<1x4x128xi32, #tpu.memory_space<hbm>>
    %dma_start3A_35 = tpu.memref_squeeze %dma_start3A_34 : memref<1x4x128xi32, #tpu.memory_space<hbm>> -> memref<4x128xi32, #tpu.memory_space<hbm>>
    tpu.enqueue_dma source(%dma_start3A_35 : memref<4x128xi32, #tpu.memory_space<hbm>>) target(%dma_start3A_32 : memref<4x128xi32, #tpu.memory_space<vmem>>) target_semaphore(%arg10 : memref<!tpu.dma_semaphore, #tpu.memory_space<semaphore_mem>>)
    %dma_start3A_36 = arith.constant 2 : i32
    %dma_start3A_37 = arith.constant 2 : i32
    %dma_start3A_38 = arith.constant 0 : i32
    %dma_start3A_39 = arith.constant 0 : i32
    %dma_start3A_40 = tpu.memref_slice %arg7[%dma_start3A_37, %dma_start3A_38, %dma_start3A_39] : memref<26x4x128xi32, #tpu.memory_space<vmem>> -> memref<1x4x128xi32, #tpu.memory_space<vmem>>
    %dma_start3A_41 = tpu.memref_squeeze %dma_start3A_40 : memref<1x4x128xi32, #tpu.memory_space<vmem>> -> memref<4x128xi32, #tpu.memory_space<vmem>>
    %dma_start3A_42 = arith.constant 0 : i32
    %dma_start3A_43 = tpu.memref_slice %arg2[%dma_start3A_36, %mul3A_4, %dma_start3A_42] : memref<26x128x128xi32, #tpu.memory_space<hbm>> -> memref<1x4x128xi32, #tpu.memory_space<hbm>>
    %dma_start3A_44 = tpu.memref_squeeze %dma_start3A_43 : memref<1x4x128xi32, #tpu.memory_space<hbm>> -> memref<4x128xi32, #tpu.memory_space<hbm>>
    %dma_start3A_45 = arith.constant 0 : i32
    %dma_start3A_46 = arith.constant 0 : i32
    %dma_start3A_47 = tpu.memref_slice %arg7[%dma_start3A_37, %dma_start3A_45, %dma_start3A_46] : memref<26x4x128xi32, #tpu.memory_space<vmem>> -> memref<1x4x128xi32, #tpu.memory_space<vmem>>
    %dma_start3A_48 = tpu.memref_squeeze %dma_start3A_47 : memref<1x4x128xi32, #tpu.memory_space<vmem>> -> memref<4x128xi32, #tpu.memory_space<vmem>>
    %dma_start3A_49 = arith.constant 0 : i32
    %dma_start3A_50 = tpu.memref_slice %arg2[%dma_start3A_36, %mul3A_4, %dma_start3A_49] : memref<26x128x128xi32, #tpu.memory_space<hbm>> -> memref<1x4x128xi32, #tpu.memory_space<hbm>>
    %dma_start3A_51 = tpu.memref_squeeze %dma_start3A_50 : memref<1x4x128xi32, #tpu.memory_space<hbm>> -> memref<4x128xi32, #tpu.memory_space<hbm>>
    tpu.enqueue_dma source(%dma_start3A_51 : memref<4x128xi32, #tpu.memory_space<hbm>>) target(%dma_start3A_48 : memref<4x128xi32, #tpu.memory_space<vmem>>) target_semaphore(%arg10 : memref<!tpu.dma_semaphore, #tpu.memory_space<semaphore_mem>>)
    %dma_start3A_52 = arith.constant 3 : i32
    %dma_start3A_53 = arith.constant 3 : i32
    %dma_start3A_54 = arith.constant 0 : i32
    %dma_start3A_55 = arith.constant 0 : i32
    %dma_start3A_56 = tpu.memref_slice %arg7[%dma_start3A_53, %dma_start3A_54, %dma_start3A_55] : memref<26x4x128xi32, #tpu.memory_space<vmem>> -> memref<1x4x128xi32, #tpu.memory_space<vmem>>
    %dma_start3A_57 = tpu.memref_squeeze %dma_start3A_56 : memref<1x4x128xi32, #tpu.memory_space<vmem>> -> memref<4x128xi32, #tpu.memory_space<vmem>>
    %dma_start3A_58 = arith.constant 0 : i32
    %dma_start3A_59 = tpu.memref_slice %arg2[%dma_start3A_52, %mul3A_4, %dma_start3A_58] : memref<26x128x128xi32, #tpu.memory_space<hbm>> -> memref<1x4x128xi32, #tpu.memory_space<hbm>>
    %dma_start3A_60 = tpu.memref_squeeze %dma_start3A_59 : memref<1x4x128xi32, #tpu.memory_space<hbm>> -> memref<4x128xi32, #tpu.memory_space<hbm>>
    %dma_start3A_61 = arith.constant 0 : i32
    %dma_start3A_62 = arith.constant 0 : i32
    %dma_start3A_63 = tpu.memref_slice %arg7[%dma_start3A_53, %dma_start3A_61, %dma_start3A_62] : memref<26x4x128xi32, #tpu.memory_space<vmem>> -> memref<1x4x128xi32, #tpu.memory_space<vmem>>
    %dma_start3A_64 = tpu.memref_squeeze %dma_start3A_63 : memref<1x4x128xi32, #tpu.memory_space<vmem>> -> memref<4x128xi32, #tpu.memory_space<vmem>>
    %dma_start3A_65 = arith.constant 0 : i32
    %dma_start3A_66 = tpu.memref_slice %arg2[%dma_start3A_52, %mul3A_4, %dma_start3A_65] : memref<26x128x128xi32, #tpu.memory_space<hbm>> -> memref<1x4x128xi32, #tpu.memory_space<hbm>>
    %dma_start3A_67 = tpu.memref_squeeze %dma_start3A_66 : memref<1x4x128xi32, #tpu.memory_space<hbm>> -> memref<4x128xi32, #tpu.memory_space<hbm>>
    tpu.enqueue_dma source(%dma_start3A_67 : memref<4x128xi32, #tpu.memory_space<hbm>>) target(%dma_start3A_64 : memref<4x128xi32, #tpu.memory_space<vmem>>) target_semaphore(%arg10 : memref<!tpu.dma_semaphore, #tpu.memory_space<semaphore_mem>>)
    %dma_start3A_68 = arith.constant 4 : i32
    %dma_start3A_69 = arith.constant 4 : i32
    %dma_start3A_70 = arith.constant 0 : i32
    %dma_start3A_71 = arith.constant 0 : i32
    %dma_start3A_72 = tpu.memref_slice %arg7[%dma_start3A_69, %dma_start3A_70, %dma_start3A_71] : memref<26x4x128xi32, #tpu.memory_space<vmem>> -> memref<1x4x128xi32, #tpu.memory_space<vmem>>
    %dma_start3A_73 = tpu.memref_squeeze %dma_start3A_72 : memref<1x4x128xi32, #tpu.memory_space<vmem>> -> memref<4x128xi32, #tpu.memory_space<vmem>>
    %dma_start3A_74 = arith.constant 0 : i32
    %dma_start3A_75 = tpu.memref_slice %arg2[%dma_start3A_68, %mul3A_4, %dma_start3A_74] : memref<26x128x128xi32, #tpu.memory_space<hbm>> -> memref<1x4x128xi32, #tpu.memory_space<hbm>>
    %dma_start3A_76 = tpu.memref_squeeze %dma_start3A_75 : memref<1x4x128xi32, #tpu.memory_space<hbm>> -> memref<4x128xi32, #tpu.memory_space<hbm>>
    %dma_start3A_77 = arith.constant 0 : i32
    %dma_start3A_78 = arith.constant 0 : i32
    %dma_start3A_79 = tpu.memref_slice %arg7[%dma_start3A_69, %dma_start3A_77, %dma_start3A_78] : memref<26x4x128xi32, #tpu.memory_space<vmem>> -> memref<1x4x128xi32, #tpu.memory_space<vmem>>
    %dma_start3A_80 = tpu.memref_squeeze %dma_start3A_79 : memref<1x4x128xi32, #tpu.memory_space<vmem>> -> memref<4x128xi32, #tpu.memory_space<vmem>>
    %dma_start3A_81 = arith.constant 0 : i32
    %dma_start3A_82 = tpu.memref_slice %arg2[%dma_start3A_68, %mul3A_4, %dma_start3A_81] : memref<26x128x128xi32, #tpu.memory_space<hbm>> -> memref<1x4x128xi32, #tpu.memory_space<hbm>>
    %dma_start3A_83 = tpu.memref_squeeze %dma_start3A_82 : memref<1x4x128xi32, #tpu.memory_space<hbm>> -> memref<4x128xi32, #tpu.memory_space<hbm>>
    tpu.enqueue_dma source(%dma_start3A_83 : memref<4x128xi32, #tpu.memory_space<hbm>>) target(%dma_start3A_80 : memref<4x128xi32, #tpu.memory_space<vmem>>) target_semaphore(%arg10 : memref<!tpu.dma_semaphore, #tpu.memory_space<semaphore_mem>>)
    %dma_start3A_84 = arith.constant 5 : i32
    %dma_start3A_85 = arith.constant 5 : i32
    %dma_start3A_86 = arith.constant 0 : i32
    %dma_start3A_87 = arith.constant 0 : i32
    %dma_start3A_88 = tpu.memref_slice %arg7[%dma_start3A_85, %dma_start3A_86, %dma_start3A_87] : memref<26x4x128xi32, #tpu.memory_space<vmem>> -> memref<1x4x128xi32, #tpu.memory_space<vmem>>
    %dma_start3A_89 = tpu.memref_squeeze %dma_start3A_88 : memref<1x4x128xi32, #tpu.memory_space<vmem>> -> memref<4x128xi32, #tpu.memory_space<vmem>>
    %dma_start3A_90 = arith.constant 0 : i32
    %dma_start3A_91 = tpu.memref_slice %arg2[%dma_start3A_84, %mul3A_4, %dma_start3A_90] : memref<26x128x128xi32, #tpu.memory_space<hbm>> -> memref<1x4x128xi32, #tpu.memory_space<hbm>>
    %dma_start3A_92 = tpu.memref_squeeze %dma_start3A_91 : memref<1x4x128xi32, #tpu.memory_space<hbm>> -> memref<4x128xi32, #tpu.memory_space<hbm>>
    %dma_start3A_93 = arith.constant 0 : i32
    %dma_start3A_94 = arith.constant 0 : i32
    %dma_start3A_95 = tpu.memref_slice %arg7[%dma_start3A_85, %dma_start3A_93, %dma_start3A_94] : memref<26x4x128xi32, #tpu.memory_space<vmem>> -> memref<1x4x128xi32, #tpu.memory_space<vmem>>
    %dma_start3A_96 = tpu.memref_squeeze %dma_start3A_95 : memref<1x4x128xi32, #tpu.memory_space<vmem>> -> memref<4x128xi32, #tpu.memory_space<vmem>>
    %dma_start3A_97 = arith.constant 0 : i32
    %dma_start3A_98 = tpu.memref_slice %arg2[%dma_start3A_84, %mul3A_4, %dma_start3A_97] : memref<26x128x128xi32, #tpu.memory_space<hbm>> -> memref<1x4x128xi32, #tpu.memory_space<hbm>>
    %dma_start3A_99 = tpu.memref_squeeze %dma_start3A_98 : memref<1x4x128xi32, #tpu.memory_space<hbm>> -> memref<4x128xi32, #tpu.memory_space<hbm>>
    tpu.enqueue_dma source(%dma_start3A_99 : memref<4x128xi32, #tpu.memory_space<hbm>>) target(%dma_start3A_96 : memref<4x128xi32, #tpu.memory_space<vmem>>) target_semaphore(%arg10 : memref<!tpu.dma_semaphore, #tpu.memory_space<semaphore_mem>>)
    %dma_start3A_100 = arith.constant 6 : i32
    %dma_start3A_101 = arith.constant 6 : i32
    %dma_start3A_102 = arith.constant 0 : i32
    %dma_start3A_103 = arith.constant 0 : i32
    %dma_start3A_104 = tpu.memref_slice %arg7[%dma_start3A_101, %dma_start3A_102, %dma_start3A_103] : memref<26x4x128xi32, #tpu.memory_space<vmem>> -> memref<1x4x128xi32, #tpu.memory_space<vmem>>
    %dma_start3A_105 = tpu.memref_squeeze %dma_start3A_104 : memref<1x4x128xi32, #tpu.memory_space<vmem>> -> memref<4x128xi32, #tpu.memory_space<vmem>>
    %dma_start3A_106 = arith.constant 0 : i32
    %dma_start3A_107 = tpu.memref_slice %arg2[%dma_start3A_100, %mul3A_4, %dma_start3A_106] : memref<26x128x128xi32, #tpu.memory_space<hbm>> -> memref<1x4x128xi32, #tpu.memory_space<hbm>>
    %dma_start3A_108 = tpu.memref_squeeze %dma_start3A_107 : memref<1x4x128xi32, #tpu.memory_space<hbm>> -> memref<4x128xi32, #tpu.memory_space<hbm>>
    %dma_start3A_109 = arith.constant 0 : i32
    %dma_start3A_110 = arith.constant 0 : i32
    %dma_start3A_111 = tpu.memref_slice %arg7[%dma_start3A_101, %dma_start3A_109, %dma_start3A_110] : memref<26x4x128xi32, #tpu.memory_space<vmem>> -> memref<1x4x128xi32, #tpu.memory_space<vmem>>
    %dma_start3A_112 = tpu.memref_squeeze %dma_start3A_111 : memref<1x4x128xi32, #tpu.memory_space<vmem>> -> memref<4x128xi32, #tpu.memory_space<vmem>>
    %dma_start3A_113 = arith.constant 0 : i32
    %dma_start3A_114 = tpu.memref_slice %arg2[%dma_start3A_100, %mul3A_4, %dma_start3A_113] : memref<26x128x128xi32, #tpu.memory_space<hbm>> -> memref<1x4x128xi32, #tpu.memory_space<hbm>>
    %dma_start3A_115 = tpu.memref_squeeze %dma_start3A_114 : memref<1x4x128xi32, #tpu.memory_space<hbm>> -> memref<4x128xi32, #tpu.memory_space<hbm>>
    tpu.enqueue_dma source(%dma_start3A_115 : memref<4x128xi32, #tpu.memory_space<hbm>>) target(%dma_start3A_112 : memref<4x128xi32, #tpu.memory_space<vmem>>) target_semaphore(%arg10 : memref<!tpu.dma_semaphore, #tpu.memory_space<semaphore_mem>>)
    %dma_start3A_116 = arith.constant 7 : i32
    %dma_start3A_117 = arith.constant 7 : i32
    %dma_start3A_118 = arith.constant 0 : i32
    %dma_start3A_119 = arith.constant 0 : i32
    %dma_start3A_120 = tpu.memref_slice %arg7[%dma_start3A_117, %dma_start3A_118, %dma_start3A_119] : memref<26x4x128xi32, #tpu.memory_space<vmem>> -> memref<1x4x128xi32, #tpu.memory_space<vmem>>
    %dma_start3A_121 = tpu.memref_squeeze %dma_start3A_120 : memref<1x4x128xi32, #tpu.memory_space<vmem>> -> memref<4x128xi32, #tpu.memory_space<vmem>>
    %dma_start3A_122 = arith.constant 0 : i32
    %dma_start3A_123 = tpu.memref_slice %arg2[%dma_start3A_116, %mul3A_4, %dma_start3A_122] : memref<26x128x128xi32, #tpu.memory_space<hbm>> -> memref<1x4x128xi32, #tpu.memory_space<hbm>>
    %dma_start3A_124 = tpu.memref_squeeze %dma_start3A_123 : memref<1x4x128xi32, #tpu.memory_space<hbm>> -> memref<4x128xi32, #tpu.memory_space<hbm>>
    %dma_start3A_125 = arith.constant 0 : i32
    %dma_start3A_126 = arith.constant 0 : i32
    %dma_start3A_127 = tpu.memref_slice %arg7[%dma_start3A_117, %dma_start3A_125, %dma_start3A_126] : memref<26x4x128xi32, #tpu.memory_space<vmem>> -> memref<1x4x128xi32, #tpu.memory_space<vmem>>
    %dma_start3A_128 = tpu.memref_squeeze %dma_start3A_127 : memref<1x4x128xi32, #tpu.memory_space<vmem>> -> memref<4x128xi32, #tpu.memory_space<vmem>>
    %dma_start3A_129 = arith.constant 0 : i32
    %dma_start3A_130 = tpu.memref_slice %arg2[%dma_start3A_116, %mul3A_4, %dma_start3A_129] : memref<26x128x128xi32, #tpu.memory_space<hbm>> -> memref<1x4x128xi32, #tpu.memory_space<hbm>>
    %dma_start3A_131 = tpu.memref_squeeze %dma_start3A_130 : memref<1x4x128xi32, #tpu.memory_space<hbm>> -> memref<4x128xi32, #tpu.memory_space<hbm>>
    tpu.enqueue_dma source(%dma_start3A_131 : memref<4x128xi32, #tpu.memory_space<hbm>>) target(%dma_start3A_128 : memref<4x128xi32, #tpu.memory_space<vmem>>) target_semaphore(%arg10 : memref<!tpu.dma_semaphore, #tpu.memory_space<semaphore_mem>>)
    %dma_start3A_132 = arith.constant 8 : i32
    %dma_start3A_133 = arith.constant 8 : i32
    %dma_start3A_134 = arith.constant 0 : i32
    %dma_start3A_135 = arith.constant 0 : i32
    %dma_start3A_136 = tpu.memref_slice %arg7[%dma_start3A_133, %dma_start3A_134, %dma_start3A_135] : memref<26x4x128xi32, #tpu.memory_space<vmem>> -> memref<1x4x128xi32, #tpu.memory_space<vmem>>
    %dma_start3A_137 = tpu.memref_squeeze %dma_start3A_136 : memref<1x4x128xi32, #tpu.memory_space<vmem>> -> memref<4x128xi32, #tpu.memory_space<vmem>>
    %dma_start3A_138 = arith.constant 0 : i32
    %dma_start3A_139 = tpu.memref_slice %arg2[%dma_start3A_132, %mul3A_4, %dma_start3A_138] : memref<26x128x128xi32, #tpu.memory_space<hbm>> -> memref<1x4x128xi32, #tpu.memory_space<hbm>>
    %dma_start3A_140 = tpu.memref_squeeze %dma_start3A_139 : memref<1x4x128xi32, #tpu.memory_space<hbm>> -> memref<4x128xi32, #tpu.memory_space<hbm>>
    %dma_start3A_141 = arith.constant 0 : i32
    %dma_start3A_142 = arith.constant 0 : i32
    %dma_start3A_143 = tpu.memref_slice %arg7[%dma_start3A_133, %dma_start3A_141, %dma_start3A_142] : memref<26x4x128xi32, #tpu.memory_space<vmem>> -> memref<1x4x128xi32, #tpu.memory_space<vmem>>
    %dma_start3A_144 = tpu.memref_squeeze %dma_start3A_143 : memref<1x4x128xi32, #tpu.memory_space<vmem>> -> memref<4x128xi32, #tpu.memory_space<vmem>>
    %dma_start3A_145 = arith.constant 0 : i32
    %dma_start3A_146 = tpu.memref_slice %arg2[%dma_start3A_132, %mul3A_4, %dma_start3A_145] : memref<26x128x128xi32, #tpu.memory_space<hbm>> -> memref<1x4x128xi32, #tpu.memory_space<hbm>>
    %dma_start3A_147 = tpu.memref_squeeze %dma_start3A_146 : memref<1x4x128xi32, #tpu.memory_space<hbm>> -> memref<4x128xi32, #tpu.memory_space<hbm>>
    tpu.enqueue_dma source(%dma_start3A_147 : memref<4x128xi32, #tpu.memory_space<hbm>>) target(%dma_start3A_144 : memref<4x128xi32, #tpu.memory_space<vmem>>) target_semaphore(%arg10 : memref<!tpu.dma_semaphore, #tpu.memory_space<semaphore_mem>>)
    %dma_start3A_148 = arith.constant 9 : i32
    %dma_start3A_149 = arith.constant 9 : i32
    %dma_start3A_150 = arith.constant 0 : i32
    %dma_start3A_151 = arith.constant 0 : i32
    %dma_start3A_152 = tpu.memref_slice %arg7[%dma_start3A_149, %dma_start3A_150, %dma_start3A_151] : memref<26x4x128xi32, #tpu.memory_space<vmem>> -> memref<1x4x128xi32, #tpu.memory_space<vmem>>
    %dma_start3A_153 = tpu.memref_squeeze %dma_start3A_152 : memref<1x4x128xi32, #tpu.memory_space<vmem>> -> memref<4x128xi32, #tpu.memory_space<vmem>>
    %dma_start3A_154 = arith.constant 0 : i32
    %dma_start3A_155 = tpu.memref_slice %arg2[%dma_start3A_148, %mul3A_4, %dma_start3A_154] : memref<26x128x128xi32, #tpu.memory_space<hbm>> -> memref<1x4x128xi32, #tpu.memory_space<hbm>>
    %dma_start3A_156 = tpu.memref_squeeze %dma_start3A_155 : memref<1x4x128xi32, #tpu.memory_space<hbm>> -> memref<4x128xi32, #tpu.memory_space<hbm>>
    %dma_start3A_157 = arith.constant 0 : i32
    %dma_start3A_158 = arith.constant 0 : i32
    %dma_start3A_159 = tpu.memref_slice %arg7[%dma_start3A_149, %dma_start3A_157, %dma_start3A_158] : memref<26x4x128xi32, #tpu.memory_space<vmem>> -> memref<1x4x128xi32, #tpu.memory_space<vmem>>
    %dma_start3A_160 = tpu.memref_squeeze %dma_start3A_159 : memref<1x4x128xi32, #tpu.memory_space<vmem>> -> memref<4x128xi32, #tpu.memory_space<vmem>>
    %dma_start3A_161 = arith.constant 0 : i32
    %dma_start3A_162 = tpu.memref_slice %arg2[%dma_start3A_148, %mul3A_4, %dma_start3A_161] : memref<26x128x128xi32, #tpu.memory_space<hbm>> -> memref<1x4x128xi32, #tpu.memory_space<hbm>>
    %dma_start3A_163 = tpu.memref_squeeze %dma_start3A_162 : memref<1x4x128xi32, #tpu.memory_space<hbm>> -> memref<4x128xi32, #tpu.memory_space<hbm>>
    tpu.enqueue_dma source(%dma_start3A_163 : memref<4x128xi32, #tpu.memory_space<hbm>>) target(%dma_start3A_160 : memref<4x128xi32, #tpu.memory_space<vmem>>) target_semaphore(%arg10 : memref<!tpu.dma_semaphore, #tpu.memory_space<semaphore_mem>>)
    %dma_start3A_164 = arith.constant 10 : i32
    %dma_start3A_165 = arith.constant 10 : i32
    %dma_start3A_166 = arith.constant 0 : i32
    %dma_start3A_167 = arith.constant 0 : i32
    %dma_start3A_168 = tpu.memref_slice %arg7[%dma_start3A_165, %dma_start3A_166, %dma_start3A_167] : memref<26x4x128xi32, #tpu.memory_space<vmem>> -> memref<1x4x128xi32, #tpu.memory_space<vmem>>
    %dma_start3A_169 = tpu.memref_squeeze %dma_start3A_168 : memref<1x4x128xi32, #tpu.memory_space<vmem>> -> memref<4x128xi32, #tpu.memory_space<vmem>>
    %dma_start3A_170 = arith.constant 0 : i32
    %dma_start3A_171 = tpu.memref_slice %arg2[%dma_start3A_164, %mul3A_4, %dma_start3A_170] : memref<26x128x128xi32, #tpu.memory_space<hbm>> -> memref<1x4x128xi32, #tpu.memory_space<hbm>>
    %dma_start3A_172 = tpu.memref_squeeze %dma_start3A_171 : memref<1x4x128xi32, #tpu.memory_space<hbm>> -> memref<4x128xi32, #tpu.memory_space<hbm>>
    %dma_start3A_173 = arith.constant 0 : i32
    %dma_start3A_174 = arith.constant 0 : i32
    %dma_start3A_175 = tpu.memref_slice %arg7[%dma_start3A_165, %dma_start3A_173, %dma_start3A_174] : memref<26x4x128xi32, #tpu.memory_space<vmem>> -> memref<1x4x128xi32, #tpu.memory_space<vmem>>
    %dma_start3A_176 = tpu.memref_squeeze %dma_start3A_175 : memref<1x4x128xi32, #tpu.memory_space<vmem>> -> memref<4x128xi32, #tpu.memory_space<vmem>>
    %dma_start3A_177 = arith.constant 0 : i32
    %dma_start3A_178 = tpu.memref_slice %arg2[%dma_start3A_164, %mul3A_4, %dma_start3A_177] : memref<26x128x128xi32, #tpu.memory_space<hbm>> -> memref<1x4x128xi32, #tpu.memory_space<hbm>>
    %dma_start3A_179 = tpu.memref_squeeze %dma_start3A_178 : memref<1x4x128xi32, #tpu.memory_space<hbm>> -> memref<4x128xi32, #tpu.memory_space<hbm>>
    tpu.enqueue_dma source(%dma_start3A_179 : memref<4x128xi32, #tpu.memory_space<hbm>>) target(%dma_start3A_176 : memref<4x128xi32, #tpu.memory_space<vmem>>) target_semaphore(%arg10 : memref<!tpu.dma_semaphore, #tpu.memory_space<semaphore_mem>>)
    %dma_start3A_180 = arith.constant 11 : i32
    %dma_start3A_181 = arith.constant 11 : i32
    %dma_start3A_182 = arith.constant 0 : i32
    %dma_start3A_183 = arith.constant 0 : i32
    %dma_start3A_184 = tpu.memref_slice %arg7[%dma_start3A_181, %dma_start3A_182, %dma_start3A_183] : memref<26x4x128xi32, #tpu.memory_space<vmem>> -> memref<1x4x128xi32, #tpu.memory_space<vmem>>
    %dma_start3A_185 = tpu.memref_squeeze %dma_start3A_184 : memref<1x4x128xi32, #tpu.memory_space<vmem>> -> memref<4x128xi32, #tpu.memory_space<vmem>>
    %dma_start3A_186 = arith.constant 0 : i32
    %dma_start3A_187 = tpu.memref_slice %arg2[%dma_start3A_180, %mul3A_4, %dma_start3A_186] : memref<26x128x128xi32, #tpu.memory_space<hbm>> -> memref<1x4x128xi32, #tpu.memory_space<hbm>>
    %dma_start3A_188 = tpu.memref_squeeze %dma_start3A_187 : memref<1x4x128xi32, #tpu.memory_space<hbm>> -> memref<4x128xi32, #tpu.memory_space<hbm>>
    %dma_start3A_189 = arith.constant 0 : i32
    %dma_start3A_190 = arith.constant 0 : i32
    %dma_start3A_191 = tpu.memref_slice %arg7[%dma_start3A_181, %dma_start3A_189, %dma_start3A_190] : memref<26x4x128xi32, #tpu.memory_space<vmem>> -> memref<1x4x128xi32, #tpu.memory_space<vmem>>
    %dma_start3A_192 = tpu.memref_squeeze %dma_start3A_191 : memref<1x4x128xi32, #tpu.memory_space<vmem>> -> memref<4x128xi32, #tpu.memory_space<vmem>>
    %dma_start3A_193 = arith.constant 0 : i32
    %dma_start3A_194 = tpu.memref_slice %arg2[%dma_start3A_180, %mul3A_4, %dma_start3A_193] : memref<26x128x128xi32, #tpu.memory_space<hbm>> -> memref<1x4x128xi32, #tpu.memory_space<hbm>>
    %dma_start3A_195 = tpu.memref_squeeze %dma_start3A_194 : memref<1x4x128xi32, #tpu.memory_space<hbm>> -> memref<4x128xi32, #tpu.memory_space<hbm>>
    tpu.enqueue_dma source(%dma_start3A_195 : memref<4x128xi32, #tpu.memory_space<hbm>>) target(%dma_start3A_192 : memref<4x128xi32, #tpu.memory_space<vmem>>) target_semaphore(%arg10 : memref<!tpu.dma_semaphore, #tpu.memory_space<semaphore_mem>>)
    %dma_start3A_196 = arith.constant 12 : i32
    %dma_start3A_197 = arith.constant 12 : i32
    %dma_start3A_198 = arith.constant 0 : i32
    %dma_start3A_199 = arith.constant 0 : i32
    %dma_start3A_200 = tpu.memref_slice %arg7[%dma_start3A_197, %dma_start3A_198, %dma_start3A_199] : memref<26x4x128xi32, #tpu.memory_space<vmem>> -> memref<1x4x128xi32, #tpu.memory_space<vmem>>
    %dma_start3A_201 = tpu.memref_squeeze %dma_start3A_200 : memref<1x4x128xi32, #tpu.memory_space<vmem>> -> memref<4x128xi32, #tpu.memory_space<vmem>>
    %dma_start3A_202 = arith.constant 0 : i32
    %dma_start3A_203 = tpu.memref_slice %arg2[%dma_start3A_196, %mul3A_4, %dma_start3A_202] : memref<26x128x128xi32, #tpu.memory_space<hbm>> -> memref<1x4x128xi32, #tpu.memory_space<hbm>>
    %dma_start3A_204 = tpu.memref_squeeze %dma_start3A_203 : memref<1x4x128xi32, #tpu.memory_space<hbm>> -> memref<4x128xi32, #tpu.memory_space<hbm>>
    %dma_start3A_205 = arith.constant 0 : i32
    %dma_start3A_206 = arith.constant 0 : i32
    %dma_start3A_207 = tpu.memref_slice %arg7[%dma_start3A_197, %dma_start3A_205, %dma_start3A_206] : memref<26x4x128xi32, #tpu.memory_space<vmem>> -> memref<1x4x128xi32, #tpu.memory_space<vmem>>
    %dma_start3A_208 = tpu.memref_squeeze %dma_start3A_207 : memref<1x4x128xi32, #tpu.memory_space<vmem>> -> memref<4x128xi32, #tpu.memory_space<vmem>>
    %dma_start3A_209 = arith.constant 0 : i32
    %dma_start3A_210 = tpu.memref_slice %arg2[%dma_start3A_196, %mul3A_4, %dma_start3A_209] : memref<26x128x128xi32, #tpu.memory_space<hbm>> -> memref<1x4x128xi32, #tpu.memory_space<hbm>>
    %dma_start3A_211 = tpu.memref_squeeze %dma_start3A_210 : memref<1x4x128xi32, #tpu.memory_space<hbm>> -> memref<4x128xi32, #tpu.memory_space<hbm>>
    tpu.enqueue_dma source(%dma_start3A_211 : memref<4x128xi32, #tpu.memory_space<hbm>>) target(%dma_start3A_208 : memref<4x128xi32, #tpu.memory_space<vmem>>) target_semaphore(%arg10 : memref<!tpu.dma_semaphore, #tpu.memory_space<semaphore_mem>>)
    %dma_start3A_212 = arith.constant 13 : i32
    %dma_start3A_213 = arith.constant 13 : i32
    %dma_start3A_214 = arith.constant 0 : i32
    %dma_start3A_215 = arith.constant 0 : i32
    %dma_start3A_216 = tpu.memref_slice %arg7[%dma_start3A_213, %dma_start3A_214, %dma_start3A_215] : memref<26x4x128xi32, #tpu.memory_space<vmem>> -> memref<1x4x128xi32, #tpu.memory_space<vmem>>
    %dma_start3A_217 = tpu.memref_squeeze %dma_start3A_216 : memref<1x4x128xi32, #tpu.memory_space<vmem>> -> memref<4x128xi32, #tpu.memory_space<vmem>>
    %dma_start3A_218 = arith.constant 0 : i32
    %dma_start3A_219 = tpu.memref_slice %arg2[%dma_start3A_212, %mul3A_4, %dma_start3A_218] : memref<26x128x128xi32, #tpu.memory_space<hbm>> -> memref<1x4x128xi32, #tpu.memory_space<hbm>>
    %dma_start3A_220 = tpu.memref_squeeze %dma_start3A_219 : memref<1x4x128xi32, #tpu.memory_space<hbm>> -> memref<4x128xi32, #tpu.memory_space<hbm>>
    %dma_start3A_221 = arith.constant 0 : i32
    %dma_start3A_222 = arith.constant 0 : i32
    %dma_start3A_223 = tpu.memref_slice %arg7[%dma_start3A_213, %dma_start3A_221, %dma_start3A_222] : memref<26x4x128xi32, #tpu.memory_space<vmem>> -> memref<1x4x128xi32, #tpu.memory_space<vmem>>
    %dma_start3A_224 = tpu.memref_squeeze %dma_start3A_223 : memref<1x4x128xi32, #tpu.memory_space<vmem>> -> memref<4x128xi32, #tpu.memory_space<vmem>>
    %dma_start3A_225 = arith.constant 0 : i32
    %dma_start3A_226 = tpu.memref_slice %arg2[%dma_start3A_212, %mul3A_4, %dma_start3A_225] : memref<26x128x128xi32, #tpu.memory_space<hbm>> -> memref<1x4x128xi32, #tpu.memory_space<hbm>>
    %dma_start3A_227 = tpu.memref_squeeze %dma_start3A_226 : memref<1x4x128xi32, #tpu.memory_space<hbm>> -> memref<4x128xi32, #tpu.memory_space<hbm>>
    tpu.enqueue_dma source(%dma_start3A_227 : memref<4x128xi32, #tpu.memory_space<hbm>>) target(%dma_start3A_224 : memref<4x128xi32, #tpu.memory_space<vmem>>) target_semaphore(%arg10 : memref<!tpu.dma_semaphore, #tpu.memory_space<semaphore_mem>>)
    %dma_start3A_228 = arith.constant 14 : i32
    %dma_start3A_229 = arith.constant 14 : i32
    %dma_start3A_230 = arith.constant 0 : i32
    %dma_start3A_231 = arith.constant 0 : i32
    %dma_start3A_232 = tpu.memref_slice %arg7[%dma_start3A_229, %dma_start3A_230, %dma_start3A_231] : memref<26x4x128xi32, #tpu.memory_space<vmem>> -> memref<1x4x128xi32, #tpu.memory_space<vmem>>
    %dma_start3A_233 = tpu.memref_squeeze %dma_start3A_232 : memref<1x4x128xi32, #tpu.memory_space<vmem>> -> memref<4x128xi32, #tpu.memory_space<vmem>>
    %dma_start3A_234 = arith.constant 0 : i32
    %dma_start3A_235 = tpu.memref_slice %arg2[%dma_start3A_228, %mul3A_4, %dma_start3A_234] : memref<26x128x128xi32, #tpu.memory_space<hbm>> -> memref<1x4x128xi32, #tpu.memory_space<hbm>>
    %dma_start3A_236 = tpu.memref_squeeze %dma_start3A_235 : memref<1x4x128xi32, #tpu.memory_space<hbm>> -> memref<4x128xi32, #tpu.memory_space<hbm>>
    %dma_start3A_237 = arith.constant 0 : i32
    %dma_start3A_238 = arith.constant 0 : i32
    %dma_start3A_239 = tpu.memref_slice %arg7[%dma_start3A_229, %dma_start3A_237, %dma_start3A_238] : memref<26x4x128xi32, #tpu.memory_space<vmem>> -> memref<1x4x128xi32, #tpu.memory_space<vmem>>
    %dma_start3A_240 = tpu.memref_squeeze %dma_start3A_239 : memref<1x4x128xi32, #tpu.memory_space<vmem>> -> memref<4x128xi32, #tpu.memory_space<vmem>>
    %dma_start3A_241 = arith.constant 0 : i32
    %dma_start3A_242 = tpu.memref_slice %arg2[%dma_start3A_228, %mul3A_4, %dma_start3A_241] : memref<26x128x128xi32, #tpu.memory_space<hbm>> -> memref<1x4x128xi32, #tpu.memory_space<hbm>>
    %dma_start3A_243 = tpu.memref_squeeze %dma_start3A_242 : memref<1x4x128xi32, #tpu.memory_space<hbm>> -> memref<4x128xi32, #tpu.memory_space<hbm>>
    tpu.enqueue_dma source(%dma_start3A_243 : memref<4x128xi32, #tpu.memory_space<hbm>>) target(%dma_start3A_240 : memref<4x128xi32, #tpu.memory_space<vmem>>) target_semaphore(%arg10 : memref<!tpu.dma_semaphore, #tpu.memory_space<semaphore_mem>>)
    %dma_start3A_244 = arith.constant 15 : i32
    %dma_start3A_245 = arith.constant 15 : i32
    %dma_start3A_246 = arith.constant 0 : i32
    %dma_start3A_247 = arith.constant 0 : i32
    %dma_start3A_248 = tpu.memref_slice %arg7[%dma_start3A_245, %dma_start3A_246, %dma_start3A_247] : memref<26x4x128xi32, #tpu.memory_space<vmem>> -> memref<1x4x128xi32, #tpu.memory_space<vmem>>
    %dma_start3A_249 = tpu.memref_squeeze %dma_start3A_248 : memref<1x4x128xi32, #tpu.memory_space<vmem>> -> memref<4x128xi32, #tpu.memory_space<vmem>>
    %dma_start3A_250 = arith.constant 0 : i32
    %dma_start3A_251 = tpu.memref_slice %arg2[%dma_start3A_244, %mul3A_4, %dma_start3A_250] : memref<26x128x128xi32, #tpu.memory_space<hbm>> -> memref<1x4x128xi32, #tpu.memory_space<hbm>>
    %dma_start3A_252 = tpu.memref_squeeze %dma_start3A_251 : memref<1x4x128xi32, #tpu.memory_space<hbm>> -> memref<4x128xi32, #tpu.memory_space<hbm>>
    %dma_start3A_253 = arith.constant 0 : i32
    %dma_start3A_254 = arith.constant 0 : i32
    %dma_start3A_255 = tpu.memref_slice %arg7[%dma_start3A_245, %dma_start3A_253, %dma_start3A_254] : memref<26x4x128xi32, #tpu.memory_space<vmem>> -> memref<1x4x128xi32, #tpu.memory_space<vmem>>
    %dma_start3A_256 = tpu.memref_squeeze %dma_start3A_255 : memref<1x4x128xi32, #tpu.memory_space<vmem>> -> memref<4x128xi32, #tpu.memory_space<vmem>>
    %dma_start3A_257 = arith.constant 0 : i32
    %dma_start3A_258 = tpu.memref_slice %arg2[%dma_start3A_244, %mul3A_4, %dma_start3A_257] : memref<26x128x128xi32, #tpu.memory_space<hbm>> -> memref<1x4x128xi32, #tpu.memory_space<hbm>>
    %dma_start3A_259 = tpu.memref_squeeze %dma_start3A_258 : memref<1x4x128xi32, #tpu.memory_space<hbm>> -> memref<4x128xi32, #tpu.memory_space<hbm>>
    tpu.enqueue_dma source(%dma_start3A_259 : memref<4x128xi32, #tpu.memory_space<hbm>>) target(%dma_start3A_256 : memref<4x128xi32, #tpu.memory_space<vmem>>) target_semaphore(%arg10 : memref<!tpu.dma_semaphore, #tpu.memory_space<semaphore_mem>>)
    %dma_start3A_260 = arith.constant 16 : i32
    %dma_start3A_261 = arith.constant 16 : i32
    %dma_start3A_262 = arith.constant 0 : i32
    %dma_start3A_263 = arith.constant 0 : i32
    %dma_start3A_264 = tpu.memref_slice %arg7[%dma_start3A_261, %dma_start3A_262, %dma_start3A_263] : memref<26x4x128xi32, #tpu.memory_space<vmem>> -> memref<1x4x128xi32, #tpu.memory_space<vmem>>
    %dma_start3A_265 = tpu.memref_squeeze %dma_start3A_264 : memref<1x4x128xi32, #tpu.memory_space<vmem>> -> memref<4x128xi32, #tpu.memory_space<vmem>>
    %dma_start3A_266 = arith.constant 0 : i32
    %dma_start3A_267 = tpu.memref_slice %arg2[%dma_start3A_260, %mul3A_4, %dma_start3A_266] : memref<26x128x128xi32, #tpu.memory_space<hbm>> -> memref<1x4x128xi32, #tpu.memory_space<hbm>>
    %dma_start3A_268 = tpu.memref_squeeze %dma_start3A_267 : memref<1x4x128xi32, #tpu.memory_space<hbm>> -> memref<4x128xi32, #tpu.memory_space<hbm>>
    %dma_start3A_269 = arith.constant 0 : i32
    %dma_start3A_270 = arith.constant 0 : i32
    %dma_start3A_271 = tpu.memref_slice %arg7[%dma_start3A_261, %dma_start3A_269, %dma_start3A_270] : memref<26x4x128xi32, #tpu.memory_space<vmem>> -> memref<1x4x128xi32, #tpu.memory_space<vmem>>
    %dma_start3A_272 = tpu.memref_squeeze %dma_start3A_271 : memref<1x4x128xi32, #tpu.memory_space<vmem>> -> memref<4x128xi32, #tpu.memory_space<vmem>>
    %dma_start3A_273 = arith.constant 0 : i32
    %dma_start3A_274 = tpu.memref_slice %arg2[%dma_start3A_260, %mul3A_4, %dma_start3A_273] : memref<26x128x128xi32, #tpu.memory_space<hbm>> -> memref<1x4x128xi32, #tpu.memory_space<hbm>>
    %dma_start3A_275 = tpu.memref_squeeze %dma_start3A_274 : memref<1x4x128xi32, #tpu.memory_space<hbm>> -> memref<4x128xi32, #tpu.memory_space<hbm>>
    tpu.enqueue_dma source(%dma_start3A_275 : memref<4x128xi32, #tpu.memory_space<hbm>>) target(%dma_start3A_272 : memref<4x128xi32, #tpu.memory_space<vmem>>) target_semaphore(%arg10 : memref<!tpu.dma_semaphore, #tpu.memory_space<semaphore_mem>>)
    %dma_start3A_276 = arith.constant 17 : i32
    %dma_start3A_277 = arith.constant 17 : i32
    %dma_start3A_278 = arith.constant 0 : i32
    %dma_start3A_279 = arith.constant 0 : i32
    %dma_start3A_280 = tpu.memref_slice %arg7[%dma_start3A_277, %dma_start3A_278, %dma_start3A_279] : memref<26x4x128xi32, #tpu.memory_space<vmem>> -> memref<1x4x128xi32, #tpu.memory_space<vmem>>
    %dma_start3A_281 = tpu.memref_squeeze %dma_start3A_280 : memref<1x4x128xi32, #tpu.memory_space<vmem>> -> memref<4x128xi32, #tpu.memory_space<vmem>>
    %dma_start3A_282 = arith.constant 0 : i32
    %dma_start3A_283 = tpu.memref_slice %arg2[%dma_start3A_276, %mul3A_4, %dma_start3A_282] : memref<26x128x128xi32, #tpu.memory_space<hbm>> -> memref<1x4x128xi32, #tpu.memory_space<hbm>>
    %dma_start3A_284 = tpu.memref_squeeze %dma_start3A_283 : memref<1x4x128xi32, #tpu.memory_space<hbm>> -> memref<4x128xi32, #tpu.memory_space<hbm>>
    %dma_start3A_285 = arith.constant 0 : i32
    %dma_start3A_286 = arith.constant 0 : i32
    %dma_start3A_287 = tpu.memref_slice %arg7[%dma_start3A_277, %dma_start3A_285, %dma_start3A_286] : memref<26x4x128xi32, #tpu.memory_space<vmem>> -> memref<1x4x128xi32, #tpu.memory_space<vmem>>
    %dma_start3A_288 = tpu.memref_squeeze %dma_start3A_287 : memref<1x4x128xi32, #tpu.memory_space<vmem>> -> memref<4x128xi32, #tpu.memory_space<vmem>>
    %dma_start3A_289 = arith.constant 0 : i32
    %dma_start3A_290 = tpu.memref_slice %arg2[%dma_start3A_276, %mul3A_4, %dma_start3A_289] : memref<26x128x128xi32, #tpu.memory_space<hbm>> -> memref<1x4x128xi32, #tpu.memory_space<hbm>>
    %dma_start3A_291 = tpu.memref_squeeze %dma_start3A_290 : memref<1x4x128xi32, #tpu.memory_space<hbm>> -> memref<4x128xi32, #tpu.memory_space<hbm>>
    tpu.enqueue_dma source(%dma_start3A_291 : memref<4x128xi32, #tpu.memory_space<hbm>>) target(%dma_start3A_288 : memref<4x128xi32, #tpu.memory_space<vmem>>) target_semaphore(%arg10 : memref<!tpu.dma_semaphore, #tpu.memory_space<semaphore_mem>>)
    %dma_start3A_292 = arith.constant 18 : i32
    %dma_start3A_293 = arith.constant 18 : i32
    %dma_start3A_294 = arith.constant 0 : i32
    %dma_start3A_295 = arith.constant 0 : i32
    %dma_start3A_296 = tpu.memref_slice %arg7[%dma_start3A_293, %dma_start3A_294, %dma_start3A_295] : memref<26x4x128xi32, #tpu.memory_space<vmem>> -> memref<1x4x128xi32, #tpu.memory_space<vmem>>
    %dma_start3A_297 = tpu.memref_squeeze %dma_start3A_296 : memref<1x4x128xi32, #tpu.memory_space<vmem>> -> memref<4x128xi32, #tpu.memory_space<vmem>>
    %dma_start3A_298 = arith.constant 0 : i32
    %dma_start3A_299 = tpu.memref_slice %arg2[%dma_start3A_292, %mul3A_4, %dma_start3A_298] : memref<26x128x128xi32, #tpu.memory_space<hbm>> -> memref<1x4x128xi32, #tpu.memory_space<hbm>>
    %dma_start3A_300 = tpu.memref_squeeze %dma_start3A_299 : memref<1x4x128xi32, #tpu.memory_space<hbm>> -> memref<4x128xi32, #tpu.memory_space<hbm>>
    %dma_start3A_301 = arith.constant 0 : i32
    %dma_start3A_302 = arith.constant 0 : i32
    %dma_start3A_303 = tpu.memref_slice %arg7[%dma_start3A_293, %dma_start3A_301, %dma_start3A_302] : memref<26x4x128xi32, #tpu.memory_space<vmem>> -> memref<1x4x128xi32, #tpu.memory_space<vmem>>
    %dma_start3A_304 = tpu.memref_squeeze %dma_start3A_303 : memref<1x4x128xi32, #tpu.memory_space<vmem>> -> memref<4x128xi32, #tpu.memory_space<vmem>>
    %dma_start3A_305 = arith.constant 0 : i32
    %dma_start3A_306 = tpu.memref_slice %arg2[%dma_start3A_292, %mul3A_4, %dma_start3A_305] : memref<26x128x128xi32, #tpu.memory_space<hbm>> -> memref<1x4x128xi32, #tpu.memory_space<hbm>>
    %dma_start3A_307 = tpu.memref_squeeze %dma_start3A_306 : memref<1x4x128xi32, #tpu.memory_space<hbm>> -> memref<4x128xi32, #tpu.memory_space<hbm>>
    tpu.enqueue_dma source(%dma_start3A_307 : memref<4x128xi32, #tpu.memory_space<hbm>>) target(%dma_start3A_304 : memref<4x128xi32, #tpu.memory_space<vmem>>) target_semaphore(%arg10 : memref<!tpu.dma_semaphore, #tpu.memory_space<semaphore_mem>>)
    %dma_start3A_308 = arith.constant 19 : i32
    %dma_start3A_309 = arith.constant 19 : i32
    %dma_start3A_310 = arith.constant 0 : i32
    %dma_start3A_311 = arith.constant 0 : i32
    %dma_start3A_312 = tpu.memref_slice %arg7[%dma_start3A_309, %dma_start3A_310, %dma_start3A_311] : memref<26x4x128xi32, #tpu.memory_space<vmem>> -> memref<1x4x128xi32, #tpu.memory_space<vmem>>
    %dma_start3A_313 = tpu.memref_squeeze %dma_start3A_312 : memref<1x4x128xi32, #tpu.memory_space<vmem>> -> memref<4x128xi32, #tpu.memory_space<vmem>>
    %dma_start3A_314 = arith.constant 0 : i32
    %dma_start3A_315 = tpu.memref_slice %arg2[%dma_start3A_308, %mul3A_4, %dma_start3A_314] : memref<26x128x128xi32, #tpu.memory_space<hbm>> -> memref<1x4x128xi32, #tpu.memory_space<hbm>>
    %dma_start3A_316 = tpu.memref_squeeze %dma_start3A_315 : memref<1x4x128xi32, #tpu.memory_space<hbm>> -> memref<4x128xi32, #tpu.memory_space<hbm>>
    %dma_start3A_317 = arith.constant 0 : i32
    %dma_start3A_318 = arith.constant 0 : i32
    %dma_start3A_319 = tpu.memref_slice %arg7[%dma_start3A_309, %dma_start3A_317, %dma_start3A_318] : memref<26x4x128xi32, #tpu.memory_space<vmem>> -> memref<1x4x128xi32, #tpu.memory_space<vmem>>
    %dma_start3A_320 = tpu.memref_squeeze %dma_start3A_319 : memref<1x4x128xi32, #tpu.memory_space<vmem>> -> memref<4x128xi32, #tpu.memory_space<vmem>>
    %dma_start3A_321 = arith.constant 0 : i32
    %dma_start3A_322 = tpu.memref_slice %arg2[%dma_start3A_308, %mul3A_4, %dma_start3A_321] : memref<26x128x128xi32, #tpu.memory_space<hbm>> -> memref<1x4x128xi32, #tpu.memory_space<hbm>>
    %dma_start3A_323 = tpu.memref_squeeze %dma_start3A_322 : memref<1x4x128xi32, #tpu.memory_space<hbm>> -> memref<4x128xi32, #tpu.memory_space<hbm>>
    tpu.enqueue_dma source(%dma_start3A_323 : memref<4x128xi32, #tpu.memory_space<hbm>>) target(%dma_start3A_320 : memref<4x128xi32, #tpu.memory_space<vmem>>) target_semaphore(%arg10 : memref<!tpu.dma_semaphore, #tpu.memory_space<semaphore_mem>>)
    %dma_start3A_324 = arith.constant 20 : i32
    %dma_start3A_325 = arith.constant 20 : i32
    %dma_start3A_326 = arith.constant 0 : i32
    %dma_start3A_327 = arith.constant 0 : i32
    %dma_start3A_328 = tpu.memref_slice %arg7[%dma_start3A_325, %dma_start3A_326, %dma_start3A_327] : memref<26x4x128xi32, #tpu.memory_space<vmem>> -> memref<1x4x128xi32, #tpu.memory_space<vmem>>
    %dma_start3A_329 = tpu.memref_squeeze %dma_start3A_328 : memref<1x4x128xi32, #tpu.memory_space<vmem>> -> memref<4x128xi32, #tpu.memory_space<vmem>>
    %dma_start3A_330 = arith.constant 0 : i32
    %dma_start3A_331 = tpu.memref_slice %arg2[%dma_start3A_324, %mul3A_4, %dma_start3A_330] : memref<26x128x128xi32, #tpu.memory_space<hbm>> -> memref<1x4x128xi32, #tpu.memory_space<hbm>>
    %dma_start3A_332 = tpu.memref_squeeze %dma_start3A_331 : memref<1x4x128xi32, #tpu.memory_space<hbm>> -> memref<4x128xi32, #tpu.memory_space<hbm>>
    %dma_start3A_333 = arith.constant 0 : i32
    %dma_start3A_334 = arith.constant 0 : i32
    %dma_start3A_335 = tpu.memref_slice %arg7[%dma_start3A_325, %dma_start3A_333, %dma_start3A_334] : memref<26x4x128xi32, #tpu.memory_space<vmem>> -> memref<1x4x128xi32, #tpu.memory_space<vmem>>
    %dma_start3A_336 = tpu.memref_squeeze %dma_start3A_335 : memref<1x4x128xi32, #tpu.memory_space<vmem>> -> memref<4x128xi32, #tpu.memory_space<vmem>>
    %dma_start3A_337 = arith.constant 0 : i32
    %dma_start3A_338 = tpu.memref_slice %arg2[%dma_start3A_324, %mul3A_4, %dma_start3A_337] : memref<26x128x128xi32, #tpu.memory_space<hbm>> -> memref<1x4x128xi32, #tpu.memory_space<hbm>>
    %dma_start3A_339 = tpu.memref_squeeze %dma_start3A_338 : memref<1x4x128xi32, #tpu.memory_space<hbm>> -> memref<4x128xi32, #tpu.memory_space<hbm>>
    tpu.enqueue_dma source(%dma_start3A_339 : memref<4x128xi32, #tpu.memory_space<hbm>>) target(%dma_start3A_336 : memref<4x128xi32, #tpu.memory_space<vmem>>) target_semaphore(%arg10 : memref<!tpu.dma_semaphore, #tpu.memory_space<semaphore_mem>>)
    %dma_start3A_340 = arith.constant 21 : i32
    %dma_start3A_341 = arith.constant 21 : i32
    %dma_start3A_342 = arith.constant 0 : i32
    %dma_start3A_343 = arith.constant 0 : i32
    %dma_start3A_344 = tpu.memref_slice %arg7[%dma_start3A_341, %dma_start3A_342, %dma_start3A_343] : memref<26x4x128xi32, #tpu.memory_space<vmem>> -> memref<1x4x128xi32, #tpu.memory_space<vmem>>
    %dma_start3A_345 = tpu.memref_squeeze %dma_start3A_344 : memref<1x4x128xi32, #tpu.memory_space<vmem>> -> memref<4x128xi32, #tpu.memory_space<vmem>>
    %dma_start3A_346 = arith.constant 0 : i32
    %dma_start3A_347 = tpu.memref_slice %arg2[%dma_start3A_340, %mul3A_4, %dma_start3A_346] : memref<26x128x128xi32, #tpu.memory_space<hbm>> -> memref<1x4x128xi32, #tpu.memory_space<hbm>>
    %dma_start3A_348 = tpu.memref_squeeze %dma_start3A_347 : memref<1x4x128xi32, #tpu.memory_space<hbm>> -> memref<4x128xi32, #tpu.memory_space<hbm>>
    %dma_start3A_349 = arith.constant 0 : i32
    %dma_start3A_350 = arith.constant 0 : i32
    %dma_start3A_351 = tpu.memref_slice %arg7[%dma_start3A_341, %dma_start3A_349, %dma_start3A_350] : memref<26x4x128xi32, #tpu.memory_space<vmem>> -> memref<1x4x128xi32, #tpu.memory_space<vmem>>
    %dma_start3A_352 = tpu.memref_squeeze %dma_start3A_351 : memref<1x4x128xi32, #tpu.memory_space<vmem>> -> memref<4x128xi32, #tpu.memory_space<vmem>>
    %dma_start3A_353 = arith.constant 0 : i32
    %dma_start3A_354 = tpu.memref_slice %arg2[%dma_start3A_340, %mul3A_4, %dma_start3A_353] : memref<26x128x128xi32, #tpu.memory_space<hbm>> -> memref<1x4x128xi32, #tpu.memory_space<hbm>>
    %dma_start3A_355 = tpu.memref_squeeze %dma_start3A_354 : memref<1x4x128xi32, #tpu.memory_space<hbm>> -> memref<4x128xi32, #tpu.memory_space<hbm>>
    tpu.enqueue_dma source(%dma_start3A_355 : memref<4x128xi32, #tpu.memory_space<hbm>>) target(%dma_start3A_352 : memref<4x128xi32, #tpu.memory_space<vmem>>) target_semaphore(%arg10 : memref<!tpu.dma_semaphore, #tpu.memory_space<semaphore_mem>>)
    %dma_start3A_356 = arith.constant 22 : i32
    %dma_start3A_357 = arith.constant 22 : i32
    %dma_start3A_358 = arith.constant 0 : i32
    %dma_start3A_359 = arith.constant 0 : i32
    %dma_start3A_360 = tpu.memref_slice %arg7[%dma_start3A_357, %dma_start3A_358, %dma_start3A_359] : memref<26x4x128xi32, #tpu.memory_space<vmem>> -> memref<1x4x128xi32, #tpu.memory_space<vmem>>
    %dma_start3A_361 = tpu.memref_squeeze %dma_start3A_360 : memref<1x4x128xi32, #tpu.memory_space<vmem>> -> memref<4x128xi32, #tpu.memory_space<vmem>>
    %dma_start3A_362 = arith.constant 0 : i32
    %dma_start3A_363 = tpu.memref_slice %arg2[%dma_start3A_356, %mul3A_4, %dma_start3A_362] : memref<26x128x128xi32, #tpu.memory_space<hbm>> -> memref<1x4x128xi32, #tpu.memory_space<hbm>>
    %dma_start3A_364 = tpu.memref_squeeze %dma_start3A_363 : memref<1x4x128xi32, #tpu.memory_space<hbm>> -> memref<4x128xi32, #tpu.memory_space<hbm>>
    %dma_start3A_365 = arith.constant 0 : i32
    %dma_start3A_366 = arith.constant 0 : i32
    %dma_start3A_367 = tpu.memref_slice %arg7[%dma_start3A_357, %dma_start3A_365, %dma_start3A_366] : memref<26x4x128xi32, #tpu.memory_space<vmem>> -> memref<1x4x128xi32, #tpu.memory_space<vmem>>
    %dma_start3A_368 = tpu.memref_squeeze %dma_start3A_367 : memref<1x4x128xi32, #tpu.memory_space<vmem>> -> memref<4x128xi32, #tpu.memory_space<vmem>>
    %dma_start3A_369 = arith.constant 0 : i32
    %dma_start3A_370 = tpu.memref_slice %arg2[%dma_start3A_356, %mul3A_4, %dma_start3A_369] : memref<26x128x128xi32, #tpu.memory_space<hbm>> -> memref<1x4x128xi32, #tpu.memory_space<hbm>>
    %dma_start3A_371 = tpu.memref_squeeze %dma_start3A_370 : memref<1x4x128xi32, #tpu.memory_space<hbm>> -> memref<4x128xi32, #tpu.memory_space<hbm>>
    tpu.enqueue_dma source(%dma_start3A_371 : memref<4x128xi32, #tpu.memory_space<hbm>>) target(%dma_start3A_368 : memref<4x128xi32, #tpu.memory_space<vmem>>) target_semaphore(%arg10 : memref<!tpu.dma_semaphore, #tpu.memory_space<semaphore_mem>>)
    %dma_start3A_372 = arith.constant 23 : i32
    %dma_start3A_373 = arith.constant 23 : i32
    %dma_start3A_374 = arith.constant 0 : i32
    %dma_start3A_375 = arith.constant 0 : i32
    %dma_start3A_376 = tpu.memref_slice %arg7[%dma_start3A_373, %dma_start3A_374, %dma_start3A_375] : memref<26x4x128xi32, #tpu.memory_space<vmem>> -> memref<1x4x128xi32, #tpu.memory_space<vmem>>
    %dma_start3A_377 = tpu.memref_squeeze %dma_start3A_376 : memref<1x4x128xi32, #tpu.memory_space<vmem>> -> memref<4x128xi32, #tpu.memory_space<vmem>>
    %dma_start3A_378 = arith.constant 0 : i32
    %dma_start3A_379 = tpu.memref_slice %arg2[%dma_start3A_372, %mul3A_4, %dma_start3A_378] : memref<26x128x128xi32, #tpu.memory_space<hbm>> -> memref<1x4x128xi32, #tpu.memory_space<hbm>>
    %dma_start3A_380 = tpu.memref_squeeze %dma_start3A_379 : memref<1x4x128xi32, #tpu.memory_space<hbm>> -> memref<4x128xi32, #tpu.memory_space<hbm>>
    %dma_start3A_381 = arith.constant 0 : i32
    %dma_start3A_382 = arith.constant 0 : i32
    %dma_start3A_383 = tpu.memref_slice %arg7[%dma_start3A_373, %dma_start3A_381, %dma_start3A_382] : memref<26x4x128xi32, #tpu.memory_space<vmem>> -> memref<1x4x128xi32, #tpu.memory_space<vmem>>
    %dma_start3A_384 = tpu.memref_squeeze %dma_start3A_383 : memref<1x4x128xi32, #tpu.memory_space<vmem>> -> memref<4x128xi32, #tpu.memory_space<vmem>>
    %dma_start3A_385 = arith.constant 0 : i32
    %dma_start3A_386 = tpu.memref_slice %arg2[%dma_start3A_372, %mul3A_4, %dma_start3A_385] : memref<26x128x128xi32, #tpu.memory_space<hbm>> -> memref<1x4x128xi32, #tpu.memory_space<hbm>>
    %dma_start3A_387 = tpu.memref_squeeze %dma_start3A_386 : memref<1x4x128xi32, #tpu.memory_space<hbm>> -> memref<4x128xi32, #tpu.memory_space<hbm>>
    tpu.enqueue_dma source(%dma_start3A_387 : memref<4x128xi32, #tpu.memory_space<hbm>>) target(%dma_start3A_384 : memref<4x128xi32, #tpu.memory_space<vmem>>) target_semaphore(%arg10 : memref<!tpu.dma_semaphore, #tpu.memory_space<semaphore_mem>>)
    %dma_start3A_388 = arith.constant 24 : i32
    %dma_start3A_389 = arith.constant 24 : i32
    %dma_start3A_390 = arith.constant 0 : i32
    %dma_start3A_391 = arith.constant 0 : i32
    %dma_start3A_392 = tpu.memref_slice %arg7[%dma_start3A_389, %dma_start3A_390, %dma_start3A_391] : memref<26x4x128xi32, #tpu.memory_space<vmem>> -> memref<1x4x128xi32, #tpu.memory_space<vmem>>
    %dma_start3A_393 = tpu.memref_squeeze %dma_start3A_392 : memref<1x4x128xi32, #tpu.memory_space<vmem>> -> memref<4x128xi32, #tpu.memory_space<vmem>>
    %dma_start3A_394 = arith.constant 0 : i32
    %dma_start3A_395 = tpu.memref_slice %arg2[%dma_start3A_388, %mul3A_4, %dma_start3A_394] : memref<26x128x128xi32, #tpu.memory_space<hbm>> -> memref<1x4x128xi32, #tpu.memory_space<hbm>>
    %dma_start3A_396 = tpu.memref_squeeze %dma_start3A_395 : memref<1x4x128xi32, #tpu.memory_space<hbm>> -> memref<4x128xi32, #tpu.memory_space<hbm>>
    %dma_start3A_397 = arith.constant 0 : i32
    %dma_start3A_398 = arith.constant 0 : i32
    %dma_start3A_399 = tpu.memref_slice %arg7[%dma_start3A_389, %dma_start3A_397, %dma_start3A_398] : memref<26x4x128xi32, #tpu.memory_space<vmem>> -> memref<1x4x128xi32, #tpu.memory_space<vmem>>
    %dma_start3A_400 = tpu.memref_squeeze %dma_start3A_399 : memref<1x4x128xi32, #tpu.memory_space<vmem>> -> memref<4x128xi32, #tpu.memory_space<vmem>>
    %dma_start3A_401 = arith.constant 0 : i32
    %dma_start3A_402 = tpu.memref_slice %arg2[%dma_start3A_388, %mul3A_4, %dma_start3A_401] : memref<26x128x128xi32, #tpu.memory_space<hbm>> -> memref<1x4x128xi32, #tpu.memory_space<hbm>>
    %dma_start3A_403 = tpu.memref_squeeze %dma_start3A_402 : memref<1x4x128xi32, #tpu.memory_space<hbm>> -> memref<4x128xi32, #tpu.memory_space<hbm>>
    tpu.enqueue_dma source(%dma_start3A_403 : memref<4x128xi32, #tpu.memory_space<hbm>>) target(%dma_start3A_400 : memref<4x128xi32, #tpu.memory_space<vmem>>) target_semaphore(%arg10 : memref<!tpu.dma_semaphore, #tpu.memory_space<semaphore_mem>>)
    %dma_start3A_404 = arith.constant 25 : i32
    %dma_start3A_405 = arith.constant 25 : i32
    %dma_start3A_406 = arith.constant 0 : i32
    %dma_start3A_407 = arith.constant 0 : i32
    %dma_start3A_408 = tpu.memref_slice %arg7[%dma_start3A_405, %dma_start3A_406, %dma_start3A_407] : memref<26x4x128xi32, #tpu.memory_space<vmem>> -> memref<1x4x128xi32, #tpu.memory_space<vmem>>
    %dma_start3A_409 = tpu.memref_squeeze %dma_start3A_408 : memref<1x4x128xi32, #tpu.memory_space<vmem>> -> memref<4x128xi32, #tpu.memory_space<vmem>>
    %dma_start3A_410 = arith.constant 0 : i32
    %dma_start3A_411 = tpu.memref_slice %arg2[%dma_start3A_404, %mul3A_4, %dma_start3A_410] : memref<26x128x128xi32, #tpu.memory_space<hbm>> -> memref<1x4x128xi32, #tpu.memory_space<hbm>>
    %dma_start3A_412 = tpu.memref_squeeze %dma_start3A_411 : memref<1x4x128xi32, #tpu.memory_space<hbm>> -> memref<4x128xi32, #tpu.memory_space<hbm>>
    %dma_start3A_413 = arith.constant 0 : i32
    %dma_start3A_414 = arith.constant 0 : i32
    %dma_start3A_415 = tpu.memref_slice %arg7[%dma_start3A_405, %dma_start3A_413, %dma_start3A_414] : memref<26x4x128xi32, #tpu.memory_space<vmem>> -> memref<1x4x128xi32, #tpu.memory_space<vmem>>
    %dma_start3A_416 = tpu.memref_squeeze %dma_start3A_415 : memref<1x4x128xi32, #tpu.memory_space<vmem>> -> memref<4x128xi32, #tpu.memory_space<vmem>>
    %dma_start3A_417 = arith.constant 0 : i32
    %dma_start3A_418 = tpu.memref_slice %arg2[%dma_start3A_404, %mul3A_4, %dma_start3A_417] : memref<26x128x128xi32, #tpu.memory_space<hbm>> -> memref<1x4x128xi32, #tpu.memory_space<hbm>>
    %dma_start3A_419 = tpu.memref_squeeze %dma_start3A_418 : memref<1x4x128xi32, #tpu.memory_space<hbm>> -> memref<4x128xi32, #tpu.memory_space<hbm>>
    tpu.enqueue_dma source(%dma_start3A_419 : memref<4x128xi32, #tpu.memory_space<hbm>>) target(%dma_start3A_416 : memref<4x128xi32, #tpu.memory_space<vmem>>) target_semaphore(%arg10 : memref<!tpu.dma_semaphore, #tpu.memory_space<semaphore_mem>>)
    %broadcast_in_dim3A = arith.constant 0.000000e+00 : f32
    %broadcast_in_dim3A_420 = vector.broadcast %broadcast_in_dim3A : f32 to vector<16xf32>
    %scan3A = arith.constant 0 : i32
    %scan3A_421 = arith.constant 0 : i32
    %scan3A_422 = arith.constant 512 : i32
    %scan3A_423 = arith.addi %scan3A_421, %scan3A_422 : i32
    %scan3A_424 = arith.constant 1 : i32
    scf.for %scan3A_949 = %scan3A_421 to %scan3A_423 step %scan3A_424  : i32 {
      %swap3A = arith.index_cast %scan3A_949 : i32 to index
      %swap3A_950 = arith.constant 0 : index
      %swap3A_951 = tpu.vector_load %arg8[%swap3A, %swap3A_950] {strides = array<i32>} : memref<512x128xf32, #tpu.memory_space<vmem>>, vector<1x16xf32>,
      %swap3A_952 = vector.shape_cast %swap3A_951 : vector<1x16xf32> to vector<16xf32>
      %swap3A_953 = vector.shape_cast %broadcast_in_dim3A_420 : vector<16xf32> to vector<1x16xf32>
      tpu.vector_store %arg8[%swap3A, %swap3A_950], %swap3A_953 {strides = array<i32>} : memref<512x128xf32, #tpu.memory_space<vmem>>, vector<1x16xf32>,
      %swap3A_954 = arith.index_cast %scan3A_949 : i32 to index
      %swap3A_955 = arith.constant 16 : index
      %swap3A_956 = tpu.vector_load %arg8[%swap3A_954, %swap3A_955] {strides = array<i32>} : memref<512x128xf32, #tpu.memory_space<vmem>>, vector<1x16xf32>,
      %swap3A_957 = vector.shape_cast %swap3A_956 : vector<1x16xf32> to vector<16xf32>
      %swap3A_958 = vector.shape_cast %broadcast_in_dim3A_420 : vector<16xf32> to vector<1x16xf32>
      tpu.vector_store %arg8[%swap3A_954, %swap3A_955], %swap3A_958 {strides = array<i32>} : memref<512x128xf32, #tpu.memory_space<vmem>>, vector<1x16xf32>,
      %swap3A_959 = arith.index_cast %scan3A_949 : i32 to index
      %swap3A_960 = arith.constant 32 : index
      %swap3A_961 = tpu.vector_load %arg8[%swap3A_959, %swap3A_960] {strides = array<i32>} : memref<512x128xf32, #tpu.memory_space<vmem>>, vector<1x16xf32>,
      %swap3A_962 = vector.shape_cast %swap3A_961 : vector<1x16xf32> to vector<16xf32>
      %swap3A_963 = vector.shape_cast %broadcast_in_dim3A_420 : vector<16xf32> to vector<1x16xf32>
      tpu.vector_store %arg8[%swap3A_959, %swap3A_960], %swap3A_963 {strides = array<i32>} : memref<512x128xf32, #tpu.memory_space<vmem>>, vector<1x16xf32>,
      %swap3A_964 = arith.index_cast %scan3A_949 : i32 to index
      %swap3A_965 = arith.constant 48 : index
      %swap3A_966 = tpu.vector_load %arg8[%swap3A_964, %swap3A_965] {strides = array<i32>} : memref<512x128xf32, #tpu.memory_space<vmem>>, vector<1x16xf32>,
      %swap3A_967 = vector.shape_cast %swap3A_966 : vector<1x16xf32> to vector<16xf32>
      %swap3A_968 = vector.shape_cast %broadcast_in_dim3A_420 : vector<16xf32> to vector<1x16xf32>
      tpu.vector_store %arg8[%swap3A_964, %swap3A_965], %swap3A_968 {strides = array<i32>} : memref<512x128xf32, #tpu.memory_space<vmem>>, vector<1x16xf32>,
      %swap3A_969 = arith.index_cast %scan3A_949 : i32 to index
      %swap3A_970 = arith.constant 64 : index
      %swap3A_971 = tpu.vector_load %arg8[%swap3A_969, %swap3A_970] {strides = array<i32>} : memref<512x128xf32, #tpu.memory_space<vmem>>, vector<1x16xf32>,
      %swap3A_972 = vector.shape_cast %swap3A_971 : vector<1x16xf32> to vector<16xf32>
      %swap3A_973 = vector.shape_cast %broadcast_in_dim3A_420 : vector<16xf32> to vector<1x16xf32>
      tpu.vector_store %arg8[%swap3A_969, %swap3A_970], %swap3A_973 {strides = array<i32>} : memref<512x128xf32, #tpu.memory_space<vmem>>, vector<1x16xf32>,
      %swap3A_974 = arith.index_cast %scan3A_949 : i32 to index
      %swap3A_975 = arith.constant 80 : index
      %swap3A_976 = tpu.vector_load %arg8[%swap3A_974, %swap3A_975] {strides = array<i32>} : memref<512x128xf32, #tpu.memory_space<vmem>>, vector<1x16xf32>,
      %swap3A_977 = vector.shape_cast %swap3A_976 : vector<1x16xf32> to vector<16xf32>
      %swap3A_978 = vector.shape_cast %broadcast_in_dim3A_420 : vector<16xf32> to vector<1x16xf32>
      tpu.vector_store %arg8[%swap3A_974, %swap3A_975], %swap3A_978 {strides = array<i32>} : memref<512x128xf32, #tpu.memory_space<vmem>>, vector<1x16xf32>,
      %swap3A_979 = arith.index_cast %scan3A_949 : i32 to index
      %swap3A_980 = arith.constant 96 : index
      %swap3A_981 = tpu.vector_load %arg8[%swap3A_979, %swap3A_980] {strides = array<i32>} : memref<512x128xf32, #tpu.memory_space<vmem>>, vector<1x16xf32>,
      %swap3A_982 = vector.shape_cast %swap3A_981 : vector<1x16xf32> to vector<16xf32>
      %swap3A_983 = vector.shape_cast %broadcast_in_dim3A_420 : vector<16xf32> to vector<1x16xf32>
      tpu.vector_store %arg8[%swap3A_979, %swap3A_980], %swap3A_983 {strides = array<i32>} : memref<512x128xf32, #tpu.memory_space<vmem>>, vector<1x16xf32>,
      %swap3A_984 = arith.index_cast %scan3A_949 : i32 to index
      %swap3A_985 = arith.constant 112 : index
      %swap3A_986 = tpu.vector_load %arg8[%swap3A_984, %swap3A_985] {strides = array<i32>} : memref<512x128xf32, #tpu.memory_space<vmem>>, vector<1x16xf32>,
      %swap3A_987 = vector.shape_cast %swap3A_986 : vector<1x16xf32> to vector<16xf32>
      %swap3A_988 = vector.shape_cast %broadcast_in_dim3A_420 : vector<16xf32> to vector<1x16xf32>
      tpu.vector_store %arg8[%swap3A_984, %swap3A_985], %swap3A_988 {strides = array<i32>} : memref<512x128xf32, #tpu.memory_space<vmem>>, vector<1x16xf32>,
    }
    %scan3A_425 = arith.constant 512 : i32
    %scan3A_426 = arith.constant 0 : i32
    %scan3A_427 = arith.constant 0 : i32
    %scan3A_428 = arith.constant 512 : i32
    %scan3A_429 = arith.addi %scan3A_427, %scan3A_428 : i32
    %scan3A_430 = arith.constant 1 : i32
    scf.for %scan3A_949 = %scan3A_427 to %scan3A_429 step %scan3A_430  : i32 {
      %swap3A = arith.index_cast %scan3A_949 : i32 to index
      %swap3A_950 = arith.constant 0 : index
      %swap3A_951 = tpu.vector_load %arg9[%swap3A, %swap3A_950] {strides = array<i32>} : memref<512x16xf32, #tpu.memory_space<vmem>>, vector<1x16xf32>,
      %swap3A_952 = vector.shape_cast %swap3A_951 : vector<1x16xf32> to vector<16xf32>
      %swap3A_953 = vector.shape_cast %broadcast_in_dim3A_420 : vector<16xf32> to vector<1x16xf32>
      tpu.vector_store %arg9[%swap3A, %swap3A_950], %swap3A_953 {strides = array<i32>} : memref<512x16xf32, #tpu.memory_space<vmem>>, vector<1x16xf32>,
    }
    %scan3A_431 = arith.constant 512 : i32
    %dma_wait3A = arith.constant 0 : i32
    %dma_wait3A_432 = arith.constant 0 : i32
    %dma_wait3A_433 = arith.constant 0 : i32
    %dma_wait3A_434 = arith.constant 0 : i32
    %dma_wait3A_435 = tpu.memref_slice %arg7[%dma_wait3A_432, %dma_wait3A_433, %dma_wait3A_434] : memref<26x4x128xi32, #tpu.memory_space<vmem>> -> memref<1x4x128xi32, #tpu.memory_space<vmem>>
    %dma_wait3A_436 = tpu.memref_squeeze %dma_wait3A_435 : memref<1x4x128xi32, #tpu.memory_space<vmem>> -> memref<4x128xi32, #tpu.memory_space<vmem>>
    %dma_wait3A_437 = arith.constant 0 : i32
    %dma_wait3A_438 = tpu.memref_slice %arg2[%dma_wait3A, %mul3A_4, %dma_wait3A_437] : memref<26x128x128xi32, #tpu.memory_space<hbm>> -> memref<1x4x128xi32, #tpu.memory_space<hbm>>
    %dma_wait3A_439 = tpu.memref_squeeze %dma_wait3A_438 : memref<1x4x128xi32, #tpu.memory_space<hbm>> -> memref<4x128xi32, #tpu.memory_space<hbm>>
    %dma_wait3A_440 = arith.constant 0 : i32
    %dma_wait3A_441 = arith.constant 0 : i32
    %dma_wait3A_442 = tpu.memref_slice %arg7[%dma_wait3A_432, %dma_wait3A_440, %dma_wait3A_441] : memref<26x4x128xi32, #tpu.memory_space<vmem>> -> memref<1x4x128xi32, #tpu.memory_space<vmem>>
    %dma_wait3A_443 = tpu.memref_squeeze %dma_wait3A_442 : memref<1x4x128xi32, #tpu.memory_space<vmem>> -> memref<4x128xi32, #tpu.memory_space<vmem>>
    %dma_wait3A_444 = arith.constant 0 : i32
    %dma_wait3A_445 = tpu.memref_slice %arg2[%dma_wait3A, %mul3A_4, %dma_wait3A_444] : memref<26x128x128xi32, #tpu.memory_space<hbm>> -> memref<1x4x128xi32, #tpu.memory_space<hbm>>
    %dma_wait3A_446 = tpu.memref_squeeze %dma_wait3A_445 : memref<1x4x128xi32, #tpu.memory_space<hbm>> -> memref<4x128xi32, #tpu.memory_space<hbm>>
    tpu.wait_dma2 semaphore(%arg10 : memref<!tpu.dma_semaphore, #tpu.memory_space<semaphore_mem>>) src(%dma_wait3A_446 : memref<4x128xi32, #tpu.memory_space<hbm>>) dst(%dma_wait3A_443 : memref<4x128xi32, #tpu.memory_space<vmem>>)
    %dma_wait3A_447 = arith.constant 1 : i32
    %dma_wait3A_448 = arith.constant 1 : i32
    %dma_wait3A_449 = arith.constant 0 : i32
    %dma_wait3A_450 = arith.constant 0 : i32
    %dma_wait3A_451 = tpu.memref_slice %arg7[%dma_wait3A_448, %dma_wait3A_449, %dma_wait3A_450] : memref<26x4x128xi32, #tpu.memory_space<vmem>> -> memref<1x4x128xi32, #tpu.memory_space<vmem>>
    %dma_wait3A_452 = tpu.memref_squeeze %dma_wait3A_451 : memref<1x4x128xi32, #tpu.memory_space<vmem>> -> memref<4x128xi32, #tpu.memory_space<vmem>>
    %dma_wait3A_453 = arith.constant 0 : i32
    %dma_wait3A_454 = tpu.memref_slice %arg2[%dma_wait3A_447, %mul3A_4, %dma_wait3A_453] : memref<26x128x128xi32, #tpu.memory_space<hbm>> -> memref<1x4x128xi32, #tpu.memory_space<hbm>>
    %dma_wait3A_455 = tpu.memref_squeeze %dma_wait3A_454 : memref<1x4x128xi32, #tpu.memory_space<hbm>> -> memref<4x128xi32, #tpu.memory_space<hbm>>
    %dma_wait3A_456 = arith.constant 0 : i32
    %dma_wait3A_457 = arith.constant 0 : i32
    %dma_wait3A_458 = tpu.memref_slice %arg7[%dma_wait3A_448, %dma_wait3A_456, %dma_wait3A_457] : memref<26x4x128xi32, #tpu.memory_space<vmem>> -> memref<1x4x128xi32, #tpu.memory_space<vmem>>
    %dma_wait3A_459 = tpu.memref_squeeze %dma_wait3A_458 : memref<1x4x128xi32, #tpu.memory_space<vmem>> -> memref<4x128xi32, #tpu.memory_space<vmem>>
    %dma_wait3A_460 = arith.constant 0 : i32
    %dma_wait3A_461 = tpu.memref_slice %arg2[%dma_wait3A_447, %mul3A_4, %dma_wait3A_460] : memref<26x128x128xi32, #tpu.memory_space<hbm>> -> memref<1x4x128xi32, #tpu.memory_space<hbm>>
    %dma_wait3A_462 = tpu.memref_squeeze %dma_wait3A_461 : memref<1x4x128xi32, #tpu.memory_space<hbm>> -> memref<4x128xi32, #tpu.memory_space<hbm>>
    tpu.wait_dma2 semaphore(%arg10 : memref<!tpu.dma_semaphore, #tpu.memory_space<semaphore_mem>>) src(%dma_wait3A_462 : memref<4x128xi32, #tpu.memory_space<hbm>>) dst(%dma_wait3A_459 : memref<4x128xi32, #tpu.memory_space<vmem>>)
    %dma_wait3A_463 = arith.constant 2 : i32
    %dma_wait3A_464 = arith.constant 2 : i32
    %dma_wait3A_465 = arith.constant 0 : i32
    %dma_wait3A_466 = arith.constant 0 : i32
    %dma_wait3A_467 = tpu.memref_slice %arg7[%dma_wait3A_464, %dma_wait3A_465, %dma_wait3A_466] : memref<26x4x128xi32, #tpu.memory_space<vmem>> -> memref<1x4x128xi32, #tpu.memory_space<vmem>>
    %dma_wait3A_468 = tpu.memref_squeeze %dma_wait3A_467 : memref<1x4x128xi32, #tpu.memory_space<vmem>> -> memref<4x128xi32, #tpu.memory_space<vmem>>
    %dma_wait3A_469 = arith.constant 0 : i32
    %dma_wait3A_470 = tpu.memref_slice %arg2[%dma_wait3A_463, %mul3A_4, %dma_wait3A_469] : memref<26x128x128xi32, #tpu.memory_space<hbm>> -> memref<1x4x128xi32, #tpu.memory_space<hbm>>
    %dma_wait3A_471 = tpu.memref_squeeze %dma_wait3A_470 : memref<1x4x128xi32, #tpu.memory_space<hbm>> -> memref<4x128xi32, #tpu.memory_space<hbm>>
    %dma_wait3A_472 = arith.constant 0 : i32
    %dma_wait3A_473 = arith.constant 0 : i32
    %dma_wait3A_474 = tpu.memref_slice %arg7[%dma_wait3A_464, %dma_wait3A_472, %dma_wait3A_473] : memref<26x4x128xi32, #tpu.memory_space<vmem>> -> memref<1x4x128xi32, #tpu.memory_space<vmem>>
    %dma_wait3A_475 = tpu.memref_squeeze %dma_wait3A_474 : memref<1x4x128xi32, #tpu.memory_space<vmem>> -> memref<4x128xi32, #tpu.memory_space<vmem>>
    %dma_wait3A_476 = arith.constant 0 : i32
    %dma_wait3A_477 = tpu.memref_slice %arg2[%dma_wait3A_463, %mul3A_4, %dma_wait3A_476] : memref<26x128x128xi32, #tpu.memory_space<hbm>> -> memref<1x4x128xi32, #tpu.memory_space<hbm>>
    %dma_wait3A_478 = tpu.memref_squeeze %dma_wait3A_477 : memref<1x4x128xi32, #tpu.memory_space<hbm>> -> memref<4x128xi32, #tpu.memory_space<hbm>>
    tpu.wait_dma2 semaphore(%arg10 : memref<!tpu.dma_semaphore, #tpu.memory_space<semaphore_mem>>) src(%dma_wait3A_478 : memref<4x128xi32, #tpu.memory_space<hbm>>) dst(%dma_wait3A_475 : memref<4x128xi32, #tpu.memory_space<vmem>>)
    %dma_wait3A_479 = arith.constant 3 : i32
    %dma_wait3A_480 = arith.constant 3 : i32
    %dma_wait3A_481 = arith.constant 0 : i32
    %dma_wait3A_482 = arith.constant 0 : i32
    %dma_wait3A_483 = tpu.memref_slice %arg7[%dma_wait3A_480, %dma_wait3A_481, %dma_wait3A_482] : memref<26x4x128xi32, #tpu.memory_space<vmem>> -> memref<1x4x128xi32, #tpu.memory_space<vmem>>
    %dma_wait3A_484 = tpu.memref_squeeze %dma_wait3A_483 : memref<1x4x128xi32, #tpu.memory_space<vmem>> -> memref<4x128xi32, #tpu.memory_space<vmem>>
    %dma_wait3A_485 = arith.constant 0 : i32
    %dma_wait3A_486 = tpu.memref_slice %arg2[%dma_wait3A_479, %mul3A_4, %dma_wait3A_485] : memref<26x128x128xi32, #tpu.memory_space<hbm>> -> memref<1x4x128xi32, #tpu.memory_space<hbm>>
    %dma_wait3A_487 = tpu.memref_squeeze %dma_wait3A_486 : memref<1x4x128xi32, #tpu.memory_space<hbm>> -> memref<4x128xi32, #tpu.memory_space<hbm>>
    %dma_wait3A_488 = arith.constant 0 : i32
    %dma_wait3A_489 = arith.constant 0 : i32
    %dma_wait3A_490 = tpu.memref_slice %arg7[%dma_wait3A_480, %dma_wait3A_488, %dma_wait3A_489] : memref<26x4x128xi32, #tpu.memory_space<vmem>> -> memref<1x4x128xi32, #tpu.memory_space<vmem>>
    %dma_wait3A_491 = tpu.memref_squeeze %dma_wait3A_490 : memref<1x4x128xi32, #tpu.memory_space<vmem>> -> memref<4x128xi32, #tpu.memory_space<vmem>>
    %dma_wait3A_492 = arith.constant 0 : i32
    %dma_wait3A_493 = tpu.memref_slice %arg2[%dma_wait3A_479, %mul3A_4, %dma_wait3A_492] : memref<26x128x128xi32, #tpu.memory_space<hbm>> -> memref<1x4x128xi32, #tpu.memory_space<hbm>>
    %dma_wait3A_494 = tpu.memref_squeeze %dma_wait3A_493 : memref<1x4x128xi32, #tpu.memory_space<hbm>> -> memref<4x128xi32, #tpu.memory_space<hbm>>
    tpu.wait_dma2 semaphore(%arg10 : memref<!tpu.dma_semaphore, #tpu.memory_space<semaphore_mem>>) src(%dma_wait3A_494 : memref<4x128xi32, #tpu.memory_space<hbm>>) dst(%dma_wait3A_491 : memref<4x128xi32, #tpu.memory_space<vmem>>)
    %dma_wait3A_495 = arith.constant 4 : i32
    %dma_wait3A_496 = arith.constant 4 : i32
    %dma_wait3A_497 = arith.constant 0 : i32
    %dma_wait3A_498 = arith.constant 0 : i32
    %dma_wait3A_499 = tpu.memref_slice %arg7[%dma_wait3A_496, %dma_wait3A_497, %dma_wait3A_498] : memref<26x4x128xi32, #tpu.memory_space<vmem>> -> memref<1x4x128xi32, #tpu.memory_space<vmem>>
    %dma_wait3A_500 = tpu.memref_squeeze %dma_wait3A_499 : memref<1x4x128xi32, #tpu.memory_space<vmem>> -> memref<4x128xi32, #tpu.memory_space<vmem>>
    %dma_wait3A_501 = arith.constant 0 : i32
    %dma_wait3A_502 = tpu.memref_slice %arg2[%dma_wait3A_495, %mul3A_4, %dma_wait3A_501] : memref<26x128x128xi32, #tpu.memory_space<hbm>> -> memref<1x4x128xi32, #tpu.memory_space<hbm>>
    %dma_wait3A_503 = tpu.memref_squeeze %dma_wait3A_502 : memref<1x4x128xi32, #tpu.memory_space<hbm>> -> memref<4x128xi32, #tpu.memory_space<hbm>>
    %dma_wait3A_504 = arith.constant 0 : i32
    %dma_wait3A_505 = arith.constant 0 : i32
    %dma_wait3A_506 = tpu.memref_slice %arg7[%dma_wait3A_496, %dma_wait3A_504, %dma_wait3A_505] : memref<26x4x128xi32, #tpu.memory_space<vmem>> -> memref<1x4x128xi32, #tpu.memory_space<vmem>>
    %dma_wait3A_507 = tpu.memref_squeeze %dma_wait3A_506 : memref<1x4x128xi32, #tpu.memory_space<vmem>> -> memref<4x128xi32, #tpu.memory_space<vmem>>
    %dma_wait3A_508 = arith.constant 0 : i32
    %dma_wait3A_509 = tpu.memref_slice %arg2[%dma_wait3A_495, %mul3A_4, %dma_wait3A_508] : memref<26x128x128xi32, #tpu.memory_space<hbm>> -> memref<1x4x128xi32, #tpu.memory_space<hbm>>
    %dma_wait3A_510 = tpu.memref_squeeze %dma_wait3A_509 : memref<1x4x128xi32, #tpu.memory_space<hbm>> -> memref<4x128xi32, #tpu.memory_space<hbm>>
    tpu.wait_dma2 semaphore(%arg10 : memref<!tpu.dma_semaphore, #tpu.memory_space<semaphore_mem>>) src(%dma_wait3A_510 : memref<4x128xi32, #tpu.memory_space<hbm>>) dst(%dma_wait3A_507 : memref<4x128xi32, #tpu.memory_space<vmem>>)
    %dma_wait3A_511 = arith.constant 5 : i32
    %dma_wait3A_512 = arith.constant 5 : i32
    %dma_wait3A_513 = arith.constant 0 : i32
    %dma_wait3A_514 = arith.constant 0 : i32
    %dma_wait3A_515 = tpu.memref_slice %arg7[%dma_wait3A_512, %dma_wait3A_513, %dma_wait3A_514] : memref<26x4x128xi32, #tpu.memory_space<vmem>> -> memref<1x4x128xi32, #tpu.memory_space<vmem>>
    %dma_wait3A_516 = tpu.memref_squeeze %dma_wait3A_515 : memref<1x4x128xi32, #tpu.memory_space<vmem>> -> memref<4x128xi32, #tpu.memory_space<vmem>>
    %dma_wait3A_517 = arith.constant 0 : i32
    %dma_wait3A_518 = tpu.memref_slice %arg2[%dma_wait3A_511, %mul3A_4, %dma_wait3A_517] : memref<26x128x128xi32, #tpu.memory_space<hbm>> -> memref<1x4x128xi32, #tpu.memory_space<hbm>>
    %dma_wait3A_519 = tpu.memref_squeeze %dma_wait3A_518 : memref<1x4x128xi32, #tpu.memory_space<hbm>> -> memref<4x128xi32, #tpu.memory_space<hbm>>
    %dma_wait3A_520 = arith.constant 0 : i32
    %dma_wait3A_521 = arith.constant 0 : i32
    %dma_wait3A_522 = tpu.memref_slice %arg7[%dma_wait3A_512, %dma_wait3A_520, %dma_wait3A_521] : memref<26x4x128xi32, #tpu.memory_space<vmem>> -> memref<1x4x128xi32, #tpu.memory_space<vmem>>
    %dma_wait3A_523 = tpu.memref_squeeze %dma_wait3A_522 : memref<1x4x128xi32, #tpu.memory_space<vmem>> -> memref<4x128xi32, #tpu.memory_space<vmem>>
    %dma_wait3A_524 = arith.constant 0 : i32
    %dma_wait3A_525 = tpu.memref_slice %arg2[%dma_wait3A_511, %mul3A_4, %dma_wait3A_524] : memref<26x128x128xi32, #tpu.memory_space<hbm>> -> memref<1x4x128xi32, #tpu.memory_space<hbm>>
    %dma_wait3A_526 = tpu.memref_squeeze %dma_wait3A_525 : memref<1x4x128xi32, #tpu.memory_space<hbm>> -> memref<4x128xi32, #tpu.memory_space<hbm>>
    tpu.wait_dma2 semaphore(%arg10 : memref<!tpu.dma_semaphore, #tpu.memory_space<semaphore_mem>>) src(%dma_wait3A_526 : memref<4x128xi32, #tpu.memory_space<hbm>>) dst(%dma_wait3A_523 : memref<4x128xi32, #tpu.memory_space<vmem>>)
    %dma_wait3A_527 = arith.constant 6 : i32
    %dma_wait3A_528 = arith.constant 6 : i32
    %dma_wait3A_529 = arith.constant 0 : i32
    %dma_wait3A_530 = arith.constant 0 : i32
    %dma_wait3A_531 = tpu.memref_slice %arg7[%dma_wait3A_528, %dma_wait3A_529, %dma_wait3A_530] : memref<26x4x128xi32, #tpu.memory_space<vmem>> -> memref<1x4x128xi32, #tpu.memory_space<vmem>>
    %dma_wait3A_532 = tpu.memref_squeeze %dma_wait3A_531 : memref<1x4x128xi32, #tpu.memory_space<vmem>> -> memref<4x128xi32, #tpu.memory_space<vmem>>
    %dma_wait3A_533 = arith.constant 0 : i32
    %dma_wait3A_534 = tpu.memref_slice %arg2[%dma_wait3A_527, %mul3A_4, %dma_wait3A_533] : memref<26x128x128xi32, #tpu.memory_space<hbm>> -> memref<1x4x128xi32, #tpu.memory_space<hbm>>
    %dma_wait3A_535 = tpu.memref_squeeze %dma_wait3A_534 : memref<1x4x128xi32, #tpu.memory_space<hbm>> -> memref<4x128xi32, #tpu.memory_space<hbm>>
    %dma_wait3A_536 = arith.constant 0 : i32
    %dma_wait3A_537 = arith.constant 0 : i32
    %dma_wait3A_538 = tpu.memref_slice %arg7[%dma_wait3A_528, %dma_wait3A_536, %dma_wait3A_537] : memref<26x4x128xi32, #tpu.memory_space<vmem>> -> memref<1x4x128xi32, #tpu.memory_space<vmem>>
    %dma_wait3A_539 = tpu.memref_squeeze %dma_wait3A_538 : memref<1x4x128xi32, #tpu.memory_space<vmem>> -> memref<4x128xi32, #tpu.memory_space<vmem>>
    %dma_wait3A_540 = arith.constant 0 : i32
    %dma_wait3A_541 = tpu.memref_slice %arg2[%dma_wait3A_527, %mul3A_4, %dma_wait3A_540] : memref<26x128x128xi32, #tpu.memory_space<hbm>> -> memref<1x4x128xi32, #tpu.memory_space<hbm>>
    %dma_wait3A_542 = tpu.memref_squeeze %dma_wait3A_541 : memref<1x4x128xi32, #tpu.memory_space<hbm>> -> memref<4x128xi32, #tpu.memory_space<hbm>>
    tpu.wait_dma2 semaphore(%arg10 : memref<!tpu.dma_semaphore, #tpu.memory_space<semaphore_mem>>) src(%dma_wait3A_542 : memref<4x128xi32, #tpu.memory_space<hbm>>) dst(%dma_wait3A_539 : memref<4x128xi32, #tpu.memory_space<vmem>>)
    %dma_wait3A_543 = arith.constant 7 : i32
    %dma_wait3A_544 = arith.constant 7 : i32
    %dma_wait3A_545 = arith.constant 0 : i32
    %dma_wait3A_546 = arith.constant 0 : i32
    %dma_wait3A_547 = tpu.memref_slice %arg7[%dma_wait3A_544, %dma_wait3A_545, %dma_wait3A_546] : memref<26x4x128xi32, #tpu.memory_space<vmem>> -> memref<1x4x128xi32, #tpu.memory_space<vmem>>
    %dma_wait3A_548 = tpu.memref_squeeze %dma_wait3A_547 : memref<1x4x128xi32, #tpu.memory_space<vmem>> -> memref<4x128xi32, #tpu.memory_space<vmem>>
    %dma_wait3A_549 = arith.constant 0 : i32
    %dma_wait3A_550 = tpu.memref_slice %arg2[%dma_wait3A_543, %mul3A_4, %dma_wait3A_549] : memref<26x128x128xi32, #tpu.memory_space<hbm>> -> memref<1x4x128xi32, #tpu.memory_space<hbm>>
    %dma_wait3A_551 = tpu.memref_squeeze %dma_wait3A_550 : memref<1x4x128xi32, #tpu.memory_space<hbm>> -> memref<4x128xi32, #tpu.memory_space<hbm>>
    %dma_wait3A_552 = arith.constant 0 : i32
    %dma_wait3A_553 = arith.constant 0 : i32
    %dma_wait3A_554 = tpu.memref_slice %arg7[%dma_wait3A_544, %dma_wait3A_552, %dma_wait3A_553] : memref<26x4x128xi32, #tpu.memory_space<vmem>> -> memref<1x4x128xi32, #tpu.memory_space<vmem>>
    %dma_wait3A_555 = tpu.memref_squeeze %dma_wait3A_554 : memref<1x4x128xi32, #tpu.memory_space<vmem>> -> memref<4x128xi32, #tpu.memory_space<vmem>>
    %dma_wait3A_556 = arith.constant 0 : i32
    %dma_wait3A_557 = tpu.memref_slice %arg2[%dma_wait3A_543, %mul3A_4, %dma_wait3A_556] : memref<26x128x128xi32, #tpu.memory_space<hbm>> -> memref<1x4x128xi32, #tpu.memory_space<hbm>>
    %dma_wait3A_558 = tpu.memref_squeeze %dma_wait3A_557 : memref<1x4x128xi32, #tpu.memory_space<hbm>> -> memref<4x128xi32, #tpu.memory_space<hbm>>
    tpu.wait_dma2 semaphore(%arg10 : memref<!tpu.dma_semaphore, #tpu.memory_space<semaphore_mem>>) src(%dma_wait3A_558 : memref<4x128xi32, #tpu.memory_space<hbm>>) dst(%dma_wait3A_555 : memref<4x128xi32, #tpu.memory_space<vmem>>)
    %dma_wait3A_559 = arith.constant 8 : i32
    %dma_wait3A_560 = arith.constant 8 : i32
    %dma_wait3A_561 = arith.constant 0 : i32
    %dma_wait3A_562 = arith.constant 0 : i32
    %dma_wait3A_563 = tpu.memref_slice %arg7[%dma_wait3A_560, %dma_wait3A_561, %dma_wait3A_562] : memref<26x4x128xi32, #tpu.memory_space<vmem>> -> memref<1x4x128xi32, #tpu.memory_space<vmem>>
    %dma_wait3A_564 = tpu.memref_squeeze %dma_wait3A_563 : memref<1x4x128xi32, #tpu.memory_space<vmem>> -> memref<4x128xi32, #tpu.memory_space<vmem>>
    %dma_wait3A_565 = arith.constant 0 : i32
    %dma_wait3A_566 = tpu.memref_slice %arg2[%dma_wait3A_559, %mul3A_4, %dma_wait3A_565] : memref<26x128x128xi32, #tpu.memory_space<hbm>> -> memref<1x4x128xi32, #tpu.memory_space<hbm>>
    %dma_wait3A_567 = tpu.memref_squeeze %dma_wait3A_566 : memref<1x4x128xi32, #tpu.memory_space<hbm>> -> memref<4x128xi32, #tpu.memory_space<hbm>>
    %dma_wait3A_568 = arith.constant 0 : i32
    %dma_wait3A_569 = arith.constant 0 : i32
    %dma_wait3A_570 = tpu.memref_slice %arg7[%dma_wait3A_560, %dma_wait3A_568, %dma_wait3A_569] : memref<26x4x128xi32, #tpu.memory_space<vmem>> -> memref<1x4x128xi32, #tpu.memory_space<vmem>>
    %dma_wait3A_571 = tpu.memref_squeeze %dma_wait3A_570 : memref<1x4x128xi32, #tpu.memory_space<vmem>> -> memref<4x128xi32, #tpu.memory_space<vmem>>
    %dma_wait3A_572 = arith.constant 0 : i32
    %dma_wait3A_573 = tpu.memref_slice %arg2[%dma_wait3A_559, %mul3A_4, %dma_wait3A_572] : memref<26x128x128xi32, #tpu.memory_space<hbm>> -> memref<1x4x128xi32, #tpu.memory_space<hbm>>
    %dma_wait3A_574 = tpu.memref_squeeze %dma_wait3A_573 : memref<1x4x128xi32, #tpu.memory_space<hbm>> -> memref<4x128xi32, #tpu.memory_space<hbm>>
    tpu.wait_dma2 semaphore(%arg10 : memref<!tpu.dma_semaphore, #tpu.memory_space<semaphore_mem>>) src(%dma_wait3A_574 : memref<4x128xi32, #tpu.memory_space<hbm>>) dst(%dma_wait3A_571 : memref<4x128xi32, #tpu.memory_space<vmem>>)
    %dma_wait3A_575 = arith.constant 9 : i32
    %dma_wait3A_576 = arith.constant 9 : i32
    %dma_wait3A_577 = arith.constant 0 : i32
    %dma_wait3A_578 = arith.constant 0 : i32
    %dma_wait3A_579 = tpu.memref_slice %arg7[%dma_wait3A_576, %dma_wait3A_577, %dma_wait3A_578] : memref<26x4x128xi32, #tpu.memory_space<vmem>> -> memref<1x4x128xi32, #tpu.memory_space<vmem>>
    %dma_wait3A_580 = tpu.memref_squeeze %dma_wait3A_579 : memref<1x4x128xi32, #tpu.memory_space<vmem>> -> memref<4x128xi32, #tpu.memory_space<vmem>>
    %dma_wait3A_581 = arith.constant 0 : i32
    %dma_wait3A_582 = tpu.memref_slice %arg2[%dma_wait3A_575, %mul3A_4, %dma_wait3A_581] : memref<26x128x128xi32, #tpu.memory_space<hbm>> -> memref<1x4x128xi32, #tpu.memory_space<hbm>>
    %dma_wait3A_583 = tpu.memref_squeeze %dma_wait3A_582 : memref<1x4x128xi32, #tpu.memory_space<hbm>> -> memref<4x128xi32, #tpu.memory_space<hbm>>
    %dma_wait3A_584 = arith.constant 0 : i32
    %dma_wait3A_585 = arith.constant 0 : i32
    %dma_wait3A_586 = tpu.memref_slice %arg7[%dma_wait3A_576, %dma_wait3A_584, %dma_wait3A_585] : memref<26x4x128xi32, #tpu.memory_space<vmem>> -> memref<1x4x128xi32, #tpu.memory_space<vmem>>
    %dma_wait3A_587 = tpu.memref_squeeze %dma_wait3A_586 : memref<1x4x128xi32, #tpu.memory_space<vmem>> -> memref<4x128xi32, #tpu.memory_space<vmem>>
    %dma_wait3A_588 = arith.constant 0 : i32
    %dma_wait3A_589 = tpu.memref_slice %arg2[%dma_wait3A_575, %mul3A_4, %dma_wait3A_588] : memref<26x128x128xi32, #tpu.memory_space<hbm>> -> memref<1x4x128xi32, #tpu.memory_space<hbm>>
    %dma_wait3A_590 = tpu.memref_squeeze %dma_wait3A_589 : memref<1x4x128xi32, #tpu.memory_space<hbm>> -> memref<4x128xi32, #tpu.memory_space<hbm>>
    tpu.wait_dma2 semaphore(%arg10 : memref<!tpu.dma_semaphore, #tpu.memory_space<semaphore_mem>>) src(%dma_wait3A_590 : memref<4x128xi32, #tpu.memory_space<hbm>>) dst(%dma_wait3A_587 : memref<4x128xi32, #tpu.memory_space<vmem>>)
    %dma_wait3A_591 = arith.constant 10 : i32
    %dma_wait3A_592 = arith.constant 10 : i32
    %dma_wait3A_593 = arith.constant 0 : i32
    %dma_wait3A_594 = arith.constant 0 : i32
    %dma_wait3A_595 = tpu.memref_slice %arg7[%dma_wait3A_592, %dma_wait3A_593, %dma_wait3A_594] : memref<26x4x128xi32, #tpu.memory_space<vmem>> -> memref<1x4x128xi32, #tpu.memory_space<vmem>>
    %dma_wait3A_596 = tpu.memref_squeeze %dma_wait3A_595 : memref<1x4x128xi32, #tpu.memory_space<vmem>> -> memref<4x128xi32, #tpu.memory_space<vmem>>
    %dma_wait3A_597 = arith.constant 0 : i32
    %dma_wait3A_598 = tpu.memref_slice %arg2[%dma_wait3A_591, %mul3A_4, %dma_wait3A_597] : memref<26x128x128xi32, #tpu.memory_space<hbm>> -> memref<1x4x128xi32, #tpu.memory_space<hbm>>
    %dma_wait3A_599 = tpu.memref_squeeze %dma_wait3A_598 : memref<1x4x128xi32, #tpu.memory_space<hbm>> -> memref<4x128xi32, #tpu.memory_space<hbm>>
    %dma_wait3A_600 = arith.constant 0 : i32
    %dma_wait3A_601 = arith.constant 0 : i32
    %dma_wait3A_602 = tpu.memref_slice %arg7[%dma_wait3A_592, %dma_wait3A_600, %dma_wait3A_601] : memref<26x4x128xi32, #tpu.memory_space<vmem>> -> memref<1x4x128xi32, #tpu.memory_space<vmem>>
    %dma_wait3A_603 = tpu.memref_squeeze %dma_wait3A_602 : memref<1x4x128xi32, #tpu.memory_space<vmem>> -> memref<4x128xi32, #tpu.memory_space<vmem>>
    %dma_wait3A_604 = arith.constant 0 : i32
    %dma_wait3A_605 = tpu.memref_slice %arg2[%dma_wait3A_591, %mul3A_4, %dma_wait3A_604] : memref<26x128x128xi32, #tpu.memory_space<hbm>> -> memref<1x4x128xi32, #tpu.memory_space<hbm>>
    %dma_wait3A_606 = tpu.memref_squeeze %dma_wait3A_605 : memref<1x4x128xi32, #tpu.memory_space<hbm>> -> memref<4x128xi32, #tpu.memory_space<hbm>>
    tpu.wait_dma2 semaphore(%arg10 : memref<!tpu.dma_semaphore, #tpu.memory_space<semaphore_mem>>) src(%dma_wait3A_606 : memref<4x128xi32, #tpu.memory_space<hbm>>) dst(%dma_wait3A_603 : memref<4x128xi32, #tpu.memory_space<vmem>>)
    %dma_wait3A_607 = arith.constant 11 : i32
    %dma_wait3A_608 = arith.constant 11 : i32
    %dma_wait3A_609 = arith.constant 0 : i32
    %dma_wait3A_610 = arith.constant 0 : i32
    %dma_wait3A_611 = tpu.memref_slice %arg7[%dma_wait3A_608, %dma_wait3A_609, %dma_wait3A_610] : memref<26x4x128xi32, #tpu.memory_space<vmem>> -> memref<1x4x128xi32, #tpu.memory_space<vmem>>
    %dma_wait3A_612 = tpu.memref_squeeze %dma_wait3A_611 : memref<1x4x128xi32, #tpu.memory_space<vmem>> -> memref<4x128xi32, #tpu.memory_space<vmem>>
    %dma_wait3A_613 = arith.constant 0 : i32
    %dma_wait3A_614 = tpu.memref_slice %arg2[%dma_wait3A_607, %mul3A_4, %dma_wait3A_613] : memref<26x128x128xi32, #tpu.memory_space<hbm>> -> memref<1x4x128xi32, #tpu.memory_space<hbm>>
    %dma_wait3A_615 = tpu.memref_squeeze %dma_wait3A_614 : memref<1x4x128xi32, #tpu.memory_space<hbm>> -> memref<4x128xi32, #tpu.memory_space<hbm>>
    %dma_wait3A_616 = arith.constant 0 : i32
    %dma_wait3A_617 = arith.constant 0 : i32
    %dma_wait3A_618 = tpu.memref_slice %arg7[%dma_wait3A_608, %dma_wait3A_616, %dma_wait3A_617] : memref<26x4x128xi32, #tpu.memory_space<vmem>> -> memref<1x4x128xi32, #tpu.memory_space<vmem>>
    %dma_wait3A_619 = tpu.memref_squeeze %dma_wait3A_618 : memref<1x4x128xi32, #tpu.memory_space<vmem>> -> memref<4x128xi32, #tpu.memory_space<vmem>>
    %dma_wait3A_620 = arith.constant 0 : i32
    %dma_wait3A_621 = tpu.memref_slice %arg2[%dma_wait3A_607, %mul3A_4, %dma_wait3A_620] : memref<26x128x128xi32, #tpu.memory_space<hbm>> -> memref<1x4x128xi32, #tpu.memory_space<hbm>>
    %dma_wait3A_622 = tpu.memref_squeeze %dma_wait3A_621 : memref<1x4x128xi32, #tpu.memory_space<hbm>> -> memref<4x128xi32, #tpu.memory_space<hbm>>
    tpu.wait_dma2 semaphore(%arg10 : memref<!tpu.dma_semaphore, #tpu.memory_space<semaphore_mem>>) src(%dma_wait3A_622 : memref<4x128xi32, #tpu.memory_space<hbm>>) dst(%dma_wait3A_619 : memref<4x128xi32, #tpu.memory_space<vmem>>)
    %dma_wait3A_623 = arith.constant 12 : i32
    %dma_wait3A_624 = arith.constant 12 : i32
    %dma_wait3A_625 = arith.constant 0 : i32
    %dma_wait3A_626 = arith.constant 0 : i32
    %dma_wait3A_627 = tpu.memref_slice %arg7[%dma_wait3A_624, %dma_wait3A_625, %dma_wait3A_626] : memref<26x4x128xi32, #tpu.memory_space<vmem>> -> memref<1x4x128xi32, #tpu.memory_space<vmem>>
    %dma_wait3A_628 = tpu.memref_squeeze %dma_wait3A_627 : memref<1x4x128xi32, #tpu.memory_space<vmem>> -> memref<4x128xi32, #tpu.memory_space<vmem>>
    %dma_wait3A_629 = arith.constant 0 : i32
    %dma_wait3A_630 = tpu.memref_slice %arg2[%dma_wait3A_623, %mul3A_4, %dma_wait3A_629] : memref<26x128x128xi32, #tpu.memory_space<hbm>> -> memref<1x4x128xi32, #tpu.memory_space<hbm>>
    %dma_wait3A_631 = tpu.memref_squeeze %dma_wait3A_630 : memref<1x4x128xi32, #tpu.memory_space<hbm>> -> memref<4x128xi32, #tpu.memory_space<hbm>>
    %dma_wait3A_632 = arith.constant 0 : i32
    %dma_wait3A_633 = arith.constant 0 : i32
    %dma_wait3A_634 = tpu.memref_slice %arg7[%dma_wait3A_624, %dma_wait3A_632, %dma_wait3A_633] : memref<26x4x128xi32, #tpu.memory_space<vmem>> -> memref<1x4x128xi32, #tpu.memory_space<vmem>>
    %dma_wait3A_635 = tpu.memref_squeeze %dma_wait3A_634 : memref<1x4x128xi32, #tpu.memory_space<vmem>> -> memref<4x128xi32, #tpu.memory_space<vmem>>
    %dma_wait3A_636 = arith.constant 0 : i32
    %dma_wait3A_637 = tpu.memref_slice %arg2[%dma_wait3A_623, %mul3A_4, %dma_wait3A_636] : memref<26x128x128xi32, #tpu.memory_space<hbm>> -> memref<1x4x128xi32, #tpu.memory_space<hbm>>
    %dma_wait3A_638 = tpu.memref_squeeze %dma_wait3A_637 : memref<1x4x128xi32, #tpu.memory_space<hbm>> -> memref<4x128xi32, #tpu.memory_space<hbm>>
    tpu.wait_dma2 semaphore(%arg10 : memref<!tpu.dma_semaphore, #tpu.memory_space<semaphore_mem>>) src(%dma_wait3A_638 : memref<4x128xi32, #tpu.memory_space<hbm>>) dst(%dma_wait3A_635 : memref<4x128xi32, #tpu.memory_space<vmem>>)
    %dma_wait3A_639 = arith.constant 13 : i32
    %dma_wait3A_640 = arith.constant 13 : i32
    %dma_wait3A_641 = arith.constant 0 : i32
    %dma_wait3A_642 = arith.constant 0 : i32
    %dma_wait3A_643 = tpu.memref_slice %arg7[%dma_wait3A_640, %dma_wait3A_641, %dma_wait3A_642] : memref<26x4x128xi32, #tpu.memory_space<vmem>> -> memref<1x4x128xi32, #tpu.memory_space<vmem>>
    %dma_wait3A_644 = tpu.memref_squeeze %dma_wait3A_643 : memref<1x4x128xi32, #tpu.memory_space<vmem>> -> memref<4x128xi32, #tpu.memory_space<vmem>>
    %dma_wait3A_645 = arith.constant 0 : i32
    %dma_wait3A_646 = tpu.memref_slice %arg2[%dma_wait3A_639, %mul3A_4, %dma_wait3A_645] : memref<26x128x128xi32, #tpu.memory_space<hbm>> -> memref<1x4x128xi32, #tpu.memory_space<hbm>>
    %dma_wait3A_647 = tpu.memref_squeeze %dma_wait3A_646 : memref<1x4x128xi32, #tpu.memory_space<hbm>> -> memref<4x128xi32, #tpu.memory_space<hbm>>
    %dma_wait3A_648 = arith.constant 0 : i32
    %dma_wait3A_649 = arith.constant 0 : i32
    %dma_wait3A_650 = tpu.memref_slice %arg7[%dma_wait3A_640, %dma_wait3A_648, %dma_wait3A_649] : memref<26x4x128xi32, #tpu.memory_space<vmem>> -> memref<1x4x128xi32, #tpu.memory_space<vmem>>
    %dma_wait3A_651 = tpu.memref_squeeze %dma_wait3A_650 : memref<1x4x128xi32, #tpu.memory_space<vmem>> -> memref<4x128xi32, #tpu.memory_space<vmem>>
    %dma_wait3A_652 = arith.constant 0 : i32
    %dma_wait3A_653 = tpu.memref_slice %arg2[%dma_wait3A_639, %mul3A_4, %dma_wait3A_652] : memref<26x128x128xi32, #tpu.memory_space<hbm>> -> memref<1x4x128xi32, #tpu.memory_space<hbm>>
    %dma_wait3A_654 = tpu.memref_squeeze %dma_wait3A_653 : memref<1x4x128xi32, #tpu.memory_space<hbm>> -> memref<4x128xi32, #tpu.memory_space<hbm>>
    tpu.wait_dma2 semaphore(%arg10 : memref<!tpu.dma_semaphore, #tpu.memory_space<semaphore_mem>>) src(%dma_wait3A_654 : memref<4x128xi32, #tpu.memory_space<hbm>>) dst(%dma_wait3A_651 : memref<4x128xi32, #tpu.memory_space<vmem>>)
    %dma_wait3A_655 = arith.constant 14 : i32
    %dma_wait3A_656 = arith.constant 14 : i32
    %dma_wait3A_657 = arith.constant 0 : i32
    %dma_wait3A_658 = arith.constant 0 : i32
    %dma_wait3A_659 = tpu.memref_slice %arg7[%dma_wait3A_656, %dma_wait3A_657, %dma_wait3A_658] : memref<26x4x128xi32, #tpu.memory_space<vmem>> -> memref<1x4x128xi32, #tpu.memory_space<vmem>>
    %dma_wait3A_660 = tpu.memref_squeeze %dma_wait3A_659 : memref<1x4x128xi32, #tpu.memory_space<vmem>> -> memref<4x128xi32, #tpu.memory_space<vmem>>
    %dma_wait3A_661 = arith.constant 0 : i32
    %dma_wait3A_662 = tpu.memref_slice %arg2[%dma_wait3A_655, %mul3A_4, %dma_wait3A_661] : memref<26x128x128xi32, #tpu.memory_space<hbm>> -> memref<1x4x128xi32, #tpu.memory_space<hbm>>
    %dma_wait3A_663 = tpu.memref_squeeze %dma_wait3A_662 : memref<1x4x128xi32, #tpu.memory_space<hbm>> -> memref<4x128xi32, #tpu.memory_space<hbm>>
    %dma_wait3A_664 = arith.constant 0 : i32
    %dma_wait3A_665 = arith.constant 0 : i32
    %dma_wait3A_666 = tpu.memref_slice %arg7[%dma_wait3A_656, %dma_wait3A_664, %dma_wait3A_665] : memref<26x4x128xi32, #tpu.memory_space<vmem>> -> memref<1x4x128xi32, #tpu.memory_space<vmem>>
    %dma_wait3A_667 = tpu.memref_squeeze %dma_wait3A_666 : memref<1x4x128xi32, #tpu.memory_space<vmem>> -> memref<4x128xi32, #tpu.memory_space<vmem>>
    %dma_wait3A_668 = arith.constant 0 : i32
    %dma_wait3A_669 = tpu.memref_slice %arg2[%dma_wait3A_655, %mul3A_4, %dma_wait3A_668] : memref<26x128x128xi32, #tpu.memory_space<hbm>> -> memref<1x4x128xi32, #tpu.memory_space<hbm>>
    %dma_wait3A_670 = tpu.memref_squeeze %dma_wait3A_669 : memref<1x4x128xi32, #tpu.memory_space<hbm>> -> memref<4x128xi32, #tpu.memory_space<hbm>>
    tpu.wait_dma2 semaphore(%arg10 : memref<!tpu.dma_semaphore, #tpu.memory_space<semaphore_mem>>) src(%dma_wait3A_670 : memref<4x128xi32, #tpu.memory_space<hbm>>) dst(%dma_wait3A_667 : memref<4x128xi32, #tpu.memory_space<vmem>>)
    %dma_wait3A_671 = arith.constant 15 : i32
    %dma_wait3A_672 = arith.constant 15 : i32
    %dma_wait3A_673 = arith.constant 0 : i32
    %dma_wait3A_674 = arith.constant 0 : i32
    %dma_wait3A_675 = tpu.memref_slice %arg7[%dma_wait3A_672, %dma_wait3A_673, %dma_wait3A_674] : memref<26x4x128xi32, #tpu.memory_space<vmem>> -> memref<1x4x128xi32, #tpu.memory_space<vmem>>
    %dma_wait3A_676 = tpu.memref_squeeze %dma_wait3A_675 : memref<1x4x128xi32, #tpu.memory_space<vmem>> -> memref<4x128xi32, #tpu.memory_space<vmem>>
    %dma_wait3A_677 = arith.constant 0 : i32
    %dma_wait3A_678 = tpu.memref_slice %arg2[%dma_wait3A_671, %mul3A_4, %dma_wait3A_677] : memref<26x128x128xi32, #tpu.memory_space<hbm>> -> memref<1x4x128xi32, #tpu.memory_space<hbm>>
    %dma_wait3A_679 = tpu.memref_squeeze %dma_wait3A_678 : memref<1x4x128xi32, #tpu.memory_space<hbm>> -> memref<4x128xi32, #tpu.memory_space<hbm>>
    %dma_wait3A_680 = arith.constant 0 : i32
    %dma_wait3A_681 = arith.constant 0 : i32
    %dma_wait3A_682 = tpu.memref_slice %arg7[%dma_wait3A_672, %dma_wait3A_680, %dma_wait3A_681] : memref<26x4x128xi32, #tpu.memory_space<vmem>> -> memref<1x4x128xi32, #tpu.memory_space<vmem>>
    %dma_wait3A_683 = tpu.memref_squeeze %dma_wait3A_682 : memref<1x4x128xi32, #tpu.memory_space<vmem>> -> memref<4x128xi32, #tpu.memory_space<vmem>>
    %dma_wait3A_684 = arith.constant 0 : i32
    %dma_wait3A_685 = tpu.memref_slice %arg2[%dma_wait3A_671, %mul3A_4, %dma_wait3A_684] : memref<26x128x128xi32, #tpu.memory_space<hbm>> -> memref<1x4x128xi32, #tpu.memory_space<hbm>>
    %dma_wait3A_686 = tpu.memref_squeeze %dma_wait3A_685 : memref<1x4x128xi32, #tpu.memory_space<hbm>> -> memref<4x128xi32, #tpu.memory_space<hbm>>
    tpu.wait_dma2 semaphore(%arg10 : memref<!tpu.dma_semaphore, #tpu.memory_space<semaphore_mem>>) src(%dma_wait3A_686 : memref<4x128xi32, #tpu.memory_space<hbm>>) dst(%dma_wait3A_683 : memref<4x128xi32, #tpu.memory_space<vmem>>)
    %dma_wait3A_687 = arith.constant 16 : i32
    %dma_wait3A_688 = arith.constant 16 : i32
    %dma_wait3A_689 = arith.constant 0 : i32
    %dma_wait3A_690 = arith.constant 0 : i32
    %dma_wait3A_691 = tpu.memref_slice %arg7[%dma_wait3A_688, %dma_wait3A_689, %dma_wait3A_690] : memref<26x4x128xi32, #tpu.memory_space<vmem>> -> memref<1x4x128xi32, #tpu.memory_space<vmem>>
    %dma_wait3A_692 = tpu.memref_squeeze %dma_wait3A_691 : memref<1x4x128xi32, #tpu.memory_space<vmem>> -> memref<4x128xi32, #tpu.memory_space<vmem>>
    %dma_wait3A_693 = arith.constant 0 : i32
    %dma_wait3A_694 = tpu.memref_slice %arg2[%dma_wait3A_687, %mul3A_4, %dma_wait3A_693] : memref<26x128x128xi32, #tpu.memory_space<hbm>> -> memref<1x4x128xi32, #tpu.memory_space<hbm>>
    %dma_wait3A_695 = tpu.memref_squeeze %dma_wait3A_694 : memref<1x4x128xi32, #tpu.memory_space<hbm>> -> memref<4x128xi32, #tpu.memory_space<hbm>>
    %dma_wait3A_696 = arith.constant 0 : i32
    %dma_wait3A_697 = arith.constant 0 : i32
    %dma_wait3A_698 = tpu.memref_slice %arg7[%dma_wait3A_688, %dma_wait3A_696, %dma_wait3A_697] : memref<26x4x128xi32, #tpu.memory_space<vmem>> -> memref<1x4x128xi32, #tpu.memory_space<vmem>>
    %dma_wait3A_699 = tpu.memref_squeeze %dma_wait3A_698 : memref<1x4x128xi32, #tpu.memory_space<vmem>> -> memref<4x128xi32, #tpu.memory_space<vmem>>
    %dma_wait3A_700 = arith.constant 0 : i32
    %dma_wait3A_701 = tpu.memref_slice %arg2[%dma_wait3A_687, %mul3A_4, %dma_wait3A_700] : memref<26x128x128xi32, #tpu.memory_space<hbm>> -> memref<1x4x128xi32, #tpu.memory_space<hbm>>
    %dma_wait3A_702 = tpu.memref_squeeze %dma_wait3A_701 : memref<1x4x128xi32, #tpu.memory_space<hbm>> -> memref<4x128xi32, #tpu.memory_space<hbm>>
    tpu.wait_dma2 semaphore(%arg10 : memref<!tpu.dma_semaphore, #tpu.memory_space<semaphore_mem>>) src(%dma_wait3A_702 : memref<4x128xi32, #tpu.memory_space<hbm>>) dst(%dma_wait3A_699 : memref<4x128xi32, #tpu.memory_space<vmem>>)
    %dma_wait3A_703 = arith.constant 17 : i32
    %dma_wait3A_704 = arith.constant 17 : i32
    %dma_wait3A_705 = arith.constant 0 : i32
    %dma_wait3A_706 = arith.constant 0 : i32
    %dma_wait3A_707 = tpu.memref_slice %arg7[%dma_wait3A_704, %dma_wait3A_705, %dma_wait3A_706] : memref<26x4x128xi32, #tpu.memory_space<vmem>> -> memref<1x4x128xi32, #tpu.memory_space<vmem>>
    %dma_wait3A_708 = tpu.memref_squeeze %dma_wait3A_707 : memref<1x4x128xi32, #tpu.memory_space<vmem>> -> memref<4x128xi32, #tpu.memory_space<vmem>>
    %dma_wait3A_709 = arith.constant 0 : i32
    %dma_wait3A_710 = tpu.memref_slice %arg2[%dma_wait3A_703, %mul3A_4, %dma_wait3A_709] : memref<26x128x128xi32, #tpu.memory_space<hbm>> -> memref<1x4x128xi32, #tpu.memory_space<hbm>>
    %dma_wait3A_711 = tpu.memref_squeeze %dma_wait3A_710 : memref<1x4x128xi32, #tpu.memory_space<hbm>> -> memref<4x128xi32, #tpu.memory_space<hbm>>
    %dma_wait3A_712 = arith.constant 0 : i32
    %dma_wait3A_713 = arith.constant 0 : i32
    %dma_wait3A_714 = tpu.memref_slice %arg7[%dma_wait3A_704, %dma_wait3A_712, %dma_wait3A_713] : memref<26x4x128xi32, #tpu.memory_space<vmem>> -> memref<1x4x128xi32, #tpu.memory_space<vmem>>
    %dma_wait3A_715 = tpu.memref_squeeze %dma_wait3A_714 : memref<1x4x128xi32, #tpu.memory_space<vmem>> -> memref<4x128xi32, #tpu.memory_space<vmem>>
    %dma_wait3A_716 = arith.constant 0 : i32
    %dma_wait3A_717 = tpu.memref_slice %arg2[%dma_wait3A_703, %mul3A_4, %dma_wait3A_716] : memref<26x128x128xi32, #tpu.memory_space<hbm>> -> memref<1x4x128xi32, #tpu.memory_space<hbm>>
    %dma_wait3A_718 = tpu.memref_squeeze %dma_wait3A_717 : memref<1x4x128xi32, #tpu.memory_space<hbm>> -> memref<4x128xi32, #tpu.memory_space<hbm>>
    tpu.wait_dma2 semaphore(%arg10 : memref<!tpu.dma_semaphore, #tpu.memory_space<semaphore_mem>>) src(%dma_wait3A_718 : memref<4x128xi32, #tpu.memory_space<hbm>>) dst(%dma_wait3A_715 : memref<4x128xi32, #tpu.memory_space<vmem>>)
    %dma_wait3A_719 = arith.constant 18 : i32
    %dma_wait3A_720 = arith.constant 18 : i32
    %dma_wait3A_721 = arith.constant 0 : i32
    %dma_wait3A_722 = arith.constant 0 : i32
    %dma_wait3A_723 = tpu.memref_slice %arg7[%dma_wait3A_720, %dma_wait3A_721, %dma_wait3A_722] : memref<26x4x128xi32, #tpu.memory_space<vmem>> -> memref<1x4x128xi32, #tpu.memory_space<vmem>>
    %dma_wait3A_724 = tpu.memref_squeeze %dma_wait3A_723 : memref<1x4x128xi32, #tpu.memory_space<vmem>> -> memref<4x128xi32, #tpu.memory_space<vmem>>
    %dma_wait3A_725 = arith.constant 0 : i32
    %dma_wait3A_726 = tpu.memref_slice %arg2[%dma_wait3A_719, %mul3A_4, %dma_wait3A_725] : memref<26x128x128xi32, #tpu.memory_space<hbm>> -> memref<1x4x128xi32, #tpu.memory_space<hbm>>
    %dma_wait3A_727 = tpu.memref_squeeze %dma_wait3A_726 : memref<1x4x128xi32, #tpu.memory_space<hbm>> -> memref<4x128xi32, #tpu.memory_space<hbm>>
    %dma_wait3A_728 = arith.constant 0 : i32
    %dma_wait3A_729 = arith.constant 0 : i32
    %dma_wait3A_730 = tpu.memref_slice %arg7[%dma_wait3A_720, %dma_wait3A_728, %dma_wait3A_729] : memref<26x4x128xi32, #tpu.memory_space<vmem>> -> memref<1x4x128xi32, #tpu.memory_space<vmem>>
    %dma_wait3A_731 = tpu.memref_squeeze %dma_wait3A_730 : memref<1x4x128xi32, #tpu.memory_space<vmem>> -> memref<4x128xi32, #tpu.memory_space<vmem>>
    %dma_wait3A_732 = arith.constant 0 : i32
    %dma_wait3A_733 = tpu.memref_slice %arg2[%dma_wait3A_719, %mul3A_4, %dma_wait3A_732] : memref<26x128x128xi32, #tpu.memory_space<hbm>> -> memref<1x4x128xi32, #tpu.memory_space<hbm>>
    %dma_wait3A_734 = tpu.memref_squeeze %dma_wait3A_733 : memref<1x4x128xi32, #tpu.memory_space<hbm>> -> memref<4x128xi32, #tpu.memory_space<hbm>>
    tpu.wait_dma2 semaphore(%arg10 : memref<!tpu.dma_semaphore, #tpu.memory_space<semaphore_mem>>) src(%dma_wait3A_734 : memref<4x128xi32, #tpu.memory_space<hbm>>) dst(%dma_wait3A_731 : memref<4x128xi32, #tpu.memory_space<vmem>>)
    %dma_wait3A_735 = arith.constant 19 : i32
    %dma_wait3A_736 = arith.constant 19 : i32
    %dma_wait3A_737 = arith.constant 0 : i32
    %dma_wait3A_738 = arith.constant 0 : i32
    %dma_wait3A_739 = tpu.memref_slice %arg7[%dma_wait3A_736, %dma_wait3A_737, %dma_wait3A_738] : memref<26x4x128xi32, #tpu.memory_space<vmem>> -> memref<1x4x128xi32, #tpu.memory_space<vmem>>
    %dma_wait3A_740 = tpu.memref_squeeze %dma_wait3A_739 : memref<1x4x128xi32, #tpu.memory_space<vmem>> -> memref<4x128xi32, #tpu.memory_space<vmem>>
    %dma_wait3A_741 = arith.constant 0 : i32
    %dma_wait3A_742 = tpu.memref_slice %arg2[%dma_wait3A_735, %mul3A_4, %dma_wait3A_741] : memref<26x128x128xi32, #tpu.memory_space<hbm>> -> memref<1x4x128xi32, #tpu.memory_space<hbm>>
    %dma_wait3A_743 = tpu.memref_squeeze %dma_wait3A_742 : memref<1x4x128xi32, #tpu.memory_space<hbm>> -> memref<4x128xi32, #tpu.memory_space<hbm>>
    %dma_wait3A_744 = arith.constant 0 : i32
    %dma_wait3A_745 = arith.constant 0 : i32
    %dma_wait3A_746 = tpu.memref_slice %arg7[%dma_wait3A_736, %dma_wait3A_744, %dma_wait3A_745] : memref<26x4x128xi32, #tpu.memory_space<vmem>> -> memref<1x4x128xi32, #tpu.memory_space<vmem>>
    %dma_wait3A_747 = tpu.memref_squeeze %dma_wait3A_746 : memref<1x4x128xi32, #tpu.memory_space<vmem>> -> memref<4x128xi32, #tpu.memory_space<vmem>>
    %dma_wait3A_748 = arith.constant 0 : i32
    %dma_wait3A_749 = tpu.memref_slice %arg2[%dma_wait3A_735, %mul3A_4, %dma_wait3A_748] : memref<26x128x128xi32, #tpu.memory_space<hbm>> -> memref<1x4x128xi32, #tpu.memory_space<hbm>>
    %dma_wait3A_750 = tpu.memref_squeeze %dma_wait3A_749 : memref<1x4x128xi32, #tpu.memory_space<hbm>> -> memref<4x128xi32, #tpu.memory_space<hbm>>
    tpu.wait_dma2 semaphore(%arg10 : memref<!tpu.dma_semaphore, #tpu.memory_space<semaphore_mem>>) src(%dma_wait3A_750 : memref<4x128xi32, #tpu.memory_space<hbm>>) dst(%dma_wait3A_747 : memref<4x128xi32, #tpu.memory_space<vmem>>)
    %dma_wait3A_751 = arith.constant 20 : i32
    %dma_wait3A_752 = arith.constant 20 : i32
    %dma_wait3A_753 = arith.constant 0 : i32
    %dma_wait3A_754 = arith.constant 0 : i32
    %dma_wait3A_755 = tpu.memref_slice %arg7[%dma_wait3A_752, %dma_wait3A_753, %dma_wait3A_754] : memref<26x4x128xi32, #tpu.memory_space<vmem>> -> memref<1x4x128xi32, #tpu.memory_space<vmem>>
    %dma_wait3A_756 = tpu.memref_squeeze %dma_wait3A_755 : memref<1x4x128xi32, #tpu.memory_space<vmem>> -> memref<4x128xi32, #tpu.memory_space<vmem>>
    %dma_wait3A_757 = arith.constant 0 : i32
    %dma_wait3A_758 = tpu.memref_slice %arg2[%dma_wait3A_751, %mul3A_4, %dma_wait3A_757] : memref<26x128x128xi32, #tpu.memory_space<hbm>> -> memref<1x4x128xi32, #tpu.memory_space<hbm>>
    %dma_wait3A_759 = tpu.memref_squeeze %dma_wait3A_758 : memref<1x4x128xi32, #tpu.memory_space<hbm>> -> memref<4x128xi32, #tpu.memory_space<hbm>>
    %dma_wait3A_760 = arith.constant 0 : i32
    %dma_wait3A_761 = arith.constant 0 : i32
    %dma_wait3A_762 = tpu.memref_slice %arg7[%dma_wait3A_752, %dma_wait3A_760, %dma_wait3A_761] : memref<26x4x128xi32, #tpu.memory_space<vmem>> -> memref<1x4x128xi32, #tpu.memory_space<vmem>>
    %dma_wait3A_763 = tpu.memref_squeeze %dma_wait3A_762 : memref<1x4x128xi32, #tpu.memory_space<vmem>> -> memref<4x128xi32, #tpu.memory_space<vmem>>
    %dma_wait3A_764 = arith.constant 0 : i32
    %dma_wait3A_765 = tpu.memref_slice %arg2[%dma_wait3A_751, %mul3A_4, %dma_wait3A_764] : memref<26x128x128xi32, #tpu.memory_space<hbm>> -> memref<1x4x128xi32, #tpu.memory_space<hbm>>
    %dma_wait3A_766 = tpu.memref_squeeze %dma_wait3A_765 : memref<1x4x128xi32, #tpu.memory_space<hbm>> -> memref<4x128xi32, #tpu.memory_space<hbm>>
    tpu.wait_dma2 semaphore(%arg10 : memref<!tpu.dma_semaphore, #tpu.memory_space<semaphore_mem>>) src(%dma_wait3A_766 : memref<4x128xi32, #tpu.memory_space<hbm>>) dst(%dma_wait3A_763 : memref<4x128xi32, #tpu.memory_space<vmem>>)
    %dma_wait3A_767 = arith.constant 21 : i32
    %dma_wait3A_768 = arith.constant 21 : i32
    %dma_wait3A_769 = arith.constant 0 : i32
    %dma_wait3A_770 = arith.constant 0 : i32
    %dma_wait3A_771 = tpu.memref_slice %arg7[%dma_wait3A_768, %dma_wait3A_769, %dma_wait3A_770] : memref<26x4x128xi32, #tpu.memory_space<vmem>> -> memref<1x4x128xi32, #tpu.memory_space<vmem>>
    %dma_wait3A_772 = tpu.memref_squeeze %dma_wait3A_771 : memref<1x4x128xi32, #tpu.memory_space<vmem>> -> memref<4x128xi32, #tpu.memory_space<vmem>>
    %dma_wait3A_773 = arith.constant 0 : i32
    %dma_wait3A_774 = tpu.memref_slice %arg2[%dma_wait3A_767, %mul3A_4, %dma_wait3A_773] : memref<26x128x128xi32, #tpu.memory_space<hbm>> -> memref<1x4x128xi32, #tpu.memory_space<hbm>>
    %dma_wait3A_775 = tpu.memref_squeeze %dma_wait3A_774 : memref<1x4x128xi32, #tpu.memory_space<hbm>> -> memref<4x128xi32, #tpu.memory_space<hbm>>
    %dma_wait3A_776 = arith.constant 0 : i32
    %dma_wait3A_777 = arith.constant 0 : i32
    %dma_wait3A_778 = tpu.memref_slice %arg7[%dma_wait3A_768, %dma_wait3A_776, %dma_wait3A_777] : memref<26x4x128xi32, #tpu.memory_space<vmem>> -> memref<1x4x128xi32, #tpu.memory_space<vmem>>
    %dma_wait3A_779 = tpu.memref_squeeze %dma_wait3A_778 : memref<1x4x128xi32, #tpu.memory_space<vmem>> -> memref<4x128xi32, #tpu.memory_space<vmem>>
    %dma_wait3A_780 = arith.constant 0 : i32
    %dma_wait3A_781 = tpu.memref_slice %arg2[%dma_wait3A_767, %mul3A_4, %dma_wait3A_780] : memref<26x128x128xi32, #tpu.memory_space<hbm>> -> memref<1x4x128xi32, #tpu.memory_space<hbm>>
    %dma_wait3A_782 = tpu.memref_squeeze %dma_wait3A_781 : memref<1x4x128xi32, #tpu.memory_space<hbm>> -> memref<4x128xi32, #tpu.memory_space<hbm>>
    tpu.wait_dma2 semaphore(%arg10 : memref<!tpu.dma_semaphore, #tpu.memory_space<semaphore_mem>>) src(%dma_wait3A_782 : memref<4x128xi32, #tpu.memory_space<hbm>>) dst(%dma_wait3A_779 : memref<4x128xi32, #tpu.memory_space<vmem>>)
    %dma_wait3A_783 = arith.constant 22 : i32
    %dma_wait3A_784 = arith.constant 22 : i32
    %dma_wait3A_785 = arith.constant 0 : i32
    %dma_wait3A_786 = arith.constant 0 : i32
    %dma_wait3A_787 = tpu.memref_slice %arg7[%dma_wait3A_784, %dma_wait3A_785, %dma_wait3A_786] : memref<26x4x128xi32, #tpu.memory_space<vmem>> -> memref<1x4x128xi32, #tpu.memory_space<vmem>>
    %dma_wait3A_788 = tpu.memref_squeeze %dma_wait3A_787 : memref<1x4x128xi32, #tpu.memory_space<vmem>> -> memref<4x128xi32, #tpu.memory_space<vmem>>
    %dma_wait3A_789 = arith.constant 0 : i32
    %dma_wait3A_790 = tpu.memref_slice %arg2[%dma_wait3A_783, %mul3A_4, %dma_wait3A_789] : memref<26x128x128xi32, #tpu.memory_space<hbm>> -> memref<1x4x128xi32, #tpu.memory_space<hbm>>
    %dma_wait3A_791 = tpu.memref_squeeze %dma_wait3A_790 : memref<1x4x128xi32, #tpu.memory_space<hbm>> -> memref<4x128xi32, #tpu.memory_space<hbm>>
    %dma_wait3A_792 = arith.constant 0 : i32
    %dma_wait3A_793 = arith.constant 0 : i32
    %dma_wait3A_794 = tpu.memref_slice %arg7[%dma_wait3A_784, %dma_wait3A_792, %dma_wait3A_793] : memref<26x4x128xi32, #tpu.memory_space<vmem>> -> memref<1x4x128xi32, #tpu.memory_space<vmem>>
    %dma_wait3A_795 = tpu.memref_squeeze %dma_wait3A_794 : memref<1x4x128xi32, #tpu.memory_space<vmem>> -> memref<4x128xi32, #tpu.memory_space<vmem>>
    %dma_wait3A_796 = arith.constant 0 : i32
    %dma_wait3A_797 = tpu.memref_slice %arg2[%dma_wait3A_783, %mul3A_4, %dma_wait3A_796] : memref<26x128x128xi32, #tpu.memory_space<hbm>> -> memref<1x4x128xi32, #tpu.memory_space<hbm>>
    %dma_wait3A_798 = tpu.memref_squeeze %dma_wait3A_797 : memref<1x4x128xi32, #tpu.memory_space<hbm>> -> memref<4x128xi32, #tpu.memory_space<hbm>>
    tpu.wait_dma2 semaphore(%arg10 : memref<!tpu.dma_semaphore, #tpu.memory_space<semaphore_mem>>) src(%dma_wait3A_798 : memref<4x128xi32, #tpu.memory_space<hbm>>) dst(%dma_wait3A_795 : memref<4x128xi32, #tpu.memory_space<vmem>>)
    %dma_wait3A_799 = arith.constant 23 : i32
    %dma_wait3A_800 = arith.constant 23 : i32
    %dma_wait3A_801 = arith.constant 0 : i32
    %dma_wait3A_802 = arith.constant 0 : i32
    %dma_wait3A_803 = tpu.memref_slice %arg7[%dma_wait3A_800, %dma_wait3A_801, %dma_wait3A_802] : memref<26x4x128xi32, #tpu.memory_space<vmem>> -> memref<1x4x128xi32, #tpu.memory_space<vmem>>
    %dma_wait3A_804 = tpu.memref_squeeze %dma_wait3A_803 : memref<1x4x128xi32, #tpu.memory_space<vmem>> -> memref<4x128xi32, #tpu.memory_space<vmem>>
    %dma_wait3A_805 = arith.constant 0 : i32
    %dma_wait3A_806 = tpu.memref_slice %arg2[%dma_wait3A_799, %mul3A_4, %dma_wait3A_805] : memref<26x128x128xi32, #tpu.memory_space<hbm>> -> memref<1x4x128xi32, #tpu.memory_space<hbm>>
    %dma_wait3A_807 = tpu.memref_squeeze %dma_wait3A_806 : memref<1x4x128xi32, #tpu.memory_space<hbm>> -> memref<4x128xi32, #tpu.memory_space<hbm>>
    %dma_wait3A_808 = arith.constant 0 : i32
    %dma_wait3A_809 = arith.constant 0 : i32
    %dma_wait3A_810 = tpu.memref_slice %arg7[%dma_wait3A_800, %dma_wait3A_808, %dma_wait3A_809] : memref<26x4x128xi32, #tpu.memory_space<vmem>> -> memref<1x4x128xi32, #tpu.memory_space<vmem>>
    %dma_wait3A_811 = tpu.memref_squeeze %dma_wait3A_810 : memref<1x4x128xi32, #tpu.memory_space<vmem>> -> memref<4x128xi32, #tpu.memory_space<vmem>>
    %dma_wait3A_812 = arith.constant 0 : i32
    %dma_wait3A_813 = tpu.memref_slice %arg2[%dma_wait3A_799, %mul3A_4, %dma_wait3A_812] : memref<26x128x128xi32, #tpu.memory_space<hbm>> -> memref<1x4x128xi32, #tpu.memory_space<hbm>>
    %dma_wait3A_814 = tpu.memref_squeeze %dma_wait3A_813 : memref<1x4x128xi32, #tpu.memory_space<hbm>> -> memref<4x128xi32, #tpu.memory_space<hbm>>
    tpu.wait_dma2 semaphore(%arg10 : memref<!tpu.dma_semaphore, #tpu.memory_space<semaphore_mem>>) src(%dma_wait3A_814 : memref<4x128xi32, #tpu.memory_space<hbm>>) dst(%dma_wait3A_811 : memref<4x128xi32, #tpu.memory_space<vmem>>)
    %dma_wait3A_815 = arith.constant 24 : i32
    %dma_wait3A_816 = arith.constant 24 : i32
    %dma_wait3A_817 = arith.constant 0 : i32
    %dma_wait3A_818 = arith.constant 0 : i32
    %dma_wait3A_819 = tpu.memref_slice %arg7[%dma_wait3A_816, %dma_wait3A_817, %dma_wait3A_818] : memref<26x4x128xi32, #tpu.memory_space<vmem>> -> memref<1x4x128xi32, #tpu.memory_space<vmem>>
    %dma_wait3A_820 = tpu.memref_squeeze %dma_wait3A_819 : memref<1x4x128xi32, #tpu.memory_space<vmem>> -> memref<4x128xi32, #tpu.memory_space<vmem>>
    %dma_wait3A_821 = arith.constant 0 : i32
    %dma_wait3A_822 = tpu.memref_slice %arg2[%dma_wait3A_815, %mul3A_4, %dma_wait3A_821] : memref<26x128x128xi32, #tpu.memory_space<hbm>> -> memref<1x4x128xi32, #tpu.memory_space<hbm>>
    %dma_wait3A_823 = tpu.memref_squeeze %dma_wait3A_822 : memref<1x4x128xi32, #tpu.memory_space<hbm>> -> memref<4x128xi32, #tpu.memory_space<hbm>>
    %dma_wait3A_824 = arith.constant 0 : i32
    %dma_wait3A_825 = arith.constant 0 : i32
    %dma_wait3A_826 = tpu.memref_slice %arg7[%dma_wait3A_816, %dma_wait3A_824, %dma_wait3A_825] : memref<26x4x128xi32, #tpu.memory_space<vmem>> -> memref<1x4x128xi32, #tpu.memory_space<vmem>>
    %dma_wait3A_827 = tpu.memref_squeeze %dma_wait3A_826 : memref<1x4x128xi32, #tpu.memory_space<vmem>> -> memref<4x128xi32, #tpu.memory_space<vmem>>
    %dma_wait3A_828 = arith.constant 0 : i32
    %dma_wait3A_829 = tpu.memref_slice %arg2[%dma_wait3A_815, %mul3A_4, %dma_wait3A_828] : memref<26x128x128xi32, #tpu.memory_space<hbm>> -> memref<1x4x128xi32, #tpu.memory_space<hbm>>
    %dma_wait3A_830 = tpu.memref_squeeze %dma_wait3A_829 : memref<1x4x128xi32, #tpu.memory_space<hbm>> -> memref<4x128xi32, #tpu.memory_space<hbm>>
    tpu.wait_dma2 semaphore(%arg10 : memref<!tpu.dma_semaphore, #tpu.memory_space<semaphore_mem>>) src(%dma_wait3A_830 : memref<4x128xi32, #tpu.memory_space<hbm>>) dst(%dma_wait3A_827 : memref<4x128xi32, #tpu.memory_space<vmem>>)
    %dma_wait3A_831 = arith.constant 25 : i32
    %dma_wait3A_832 = arith.constant 25 : i32
    %dma_wait3A_833 = arith.constant 0 : i32
    %dma_wait3A_834 = arith.constant 0 : i32
    %dma_wait3A_835 = tpu.memref_slice %arg7[%dma_wait3A_832, %dma_wait3A_833, %dma_wait3A_834] : memref<26x4x128xi32, #tpu.memory_space<vmem>> -> memref<1x4x128xi32, #tpu.memory_space<vmem>>
    %dma_wait3A_836 = tpu.memref_squeeze %dma_wait3A_835 : memref<1x4x128xi32, #tpu.memory_space<vmem>> -> memref<4x128xi32, #tpu.memory_space<vmem>>
    %dma_wait3A_837 = arith.constant 0 : i32
    %dma_wait3A_838 = tpu.memref_slice %arg2[%dma_wait3A_831, %mul3A_4, %dma_wait3A_837] : memref<26x128x128xi32, #tpu.memory_space<hbm>> -> memref<1x4x128xi32, #tpu.memory_space<hbm>>
    %dma_wait3A_839 = tpu.memref_squeeze %dma_wait3A_838 : memref<1x4x128xi32, #tpu.memory_space<hbm>> -> memref<4x128xi32, #tpu.memory_space<hbm>>
    %dma_wait3A_840 = arith.constant 0 : i32
    %dma_wait3A_841 = arith.constant 0 : i32
    %dma_wait3A_842 = tpu.memref_slice %arg7[%dma_wait3A_832, %dma_wait3A_840, %dma_wait3A_841] : memref<26x4x128xi32, #tpu.memory_space<vmem>> -> memref<1x4x128xi32, #tpu.memory_space<vmem>>
    %dma_wait3A_843 = tpu.memref_squeeze %dma_wait3A_842 : memref<1x4x128xi32, #tpu.memory_space<vmem>> -> memref<4x128xi32, #tpu.memory_space<vmem>>
    %dma_wait3A_844 = arith.constant 0 : i32
    %dma_wait3A_845 = tpu.memref_slice %arg2[%dma_wait3A_831, %mul3A_4, %dma_wait3A_844] : memref<26x128x128xi32, #tpu.memory_space<hbm>> -> memref<1x4x128xi32, #tpu.memory_space<hbm>>
    %dma_wait3A_846 = tpu.memref_squeeze %dma_wait3A_845 : memref<1x4x128xi32, #tpu.memory_space<hbm>> -> memref<4x128xi32, #tpu.memory_space<hbm>>
    tpu.wait_dma2 semaphore(%arg10 : memref<!tpu.dma_semaphore, #tpu.memory_space<semaphore_mem>>) src(%dma_wait3A_846 : memref<4x128xi32, #tpu.memory_space<hbm>>) dst(%dma_wait3A_843 : memref<4x128xi32, #tpu.memory_space<vmem>>)
    %scan3A_847 = arith.constant 0 : i32
    %scan3A_848 = arith.constant 0 : i32
    %scan3A_849 = arith.constant 26 : i32
    %scan3A_850 = arith.addi %scan3A_848, %scan3A_849 : i32
    %scan3A_851 = arith.constant 1 : i32
    scf.for %scan3A_949 = %scan3A_848 to %scan3A_850 step %scan3A_851  : i32 {
      %gt3A = arith.constant 0 : i32
      %gt3A_950 = arith.cmpi sgt, %scan3A_949, %gt3A : i32
      %convert_element_type3A = arith.extui %gt3A_950 : i1 to i32
      %cond3A = arith.constant 0 : i32
      %cond3A_951 = arith.cmpi ne, %convert_element_type3A, %cond3A : i32
      scf.if %cond3A_951 {
        %dma_wait3A_1032 = arith.constant 0 : i32
        %dma_wait3A_1033 = arith.constant 0 : i32
        %dma_wait3A_1034 = tpu.memref_slice %arg8[%dma_wait3A_1032, %dma_wait3A_1033] : memref<512x128xf32, #tpu.memory_space<vmem>> -> memref<128x128xf32, #tpu.memory_space<vmem>>
        %dma_wait3A_1035 = arith.constant 0 : i32
        %dma_wait3A_1036 = arith.constant 0 : i32
        %dma_wait3A_1037 = tpu.memref_slice %arg4[%dma_wait3A_1035, %dma_wait3A_1036] : memref<100000x128xf32, #tpu.memory_space<hbm>> -> memref<128x128xf32, #tpu.memory_space<hbm>>
        %dma_wait3A_1038 = arith.constant 0 : i32
        %dma_wait3A_1039 = arith.constant 0 : i32
        %dma_wait3A_1040 = tpu.memref_slice %arg8[%dma_wait3A_1038, %dma_wait3A_1039] : memref<512x128xf32, #tpu.memory_space<vmem>> -> memref<128x128xf32, #tpu.memory_space<vmem>>
        %dma_wait3A_1041 = arith.constant 0 : i32
        %dma_wait3A_1042 = arith.constant 0 : i32
        %dma_wait3A_1043 = tpu.memref_slice %arg4[%dma_wait3A_1041, %dma_wait3A_1042] : memref<100000x128xf32, #tpu.memory_space<hbm>> -> memref<128x128xf32, #tpu.memory_space<hbm>>
        tpu.wait_dma2 semaphore(%arg10 : memref<!tpu.dma_semaphore, #tpu.memory_space<semaphore_mem>>) src(%dma_wait3A_1043 : memref<128x128xf32, #tpu.memory_space<hbm>>) dst(%dma_wait3A_1040 : memref<128x128xf32, #tpu.memory_space<vmem>>)
        %dma_wait3A_1044 = arith.constant 0 : i32
        %dma_wait3A_1045 = arith.constant 0 : i32
        %dma_wait3A_1046 = tpu.memref_slice %arg9[%dma_wait3A_1044, %dma_wait3A_1045] : memref<512x16xf32, #tpu.memory_space<vmem>> -> memref<128x16xf32, #tpu.memory_space<vmem>>
        %dma_wait3A_1047 = arith.constant 0 : i32
        %dma_wait3A_1048 = arith.constant 0 : i32
        %dma_wait3A_1049 = tpu.memref_slice %arg3[%dma_wait3A_1047, %dma_wait3A_1048] : memref<106496x16xf32, #tpu.memory_space<hbm>> -> memref<128x16xf32, #tpu.memory_space<hbm>>
        %dma_wait3A_1050 = arith.constant 0 : i32
        %dma_wait3A_1051 = arith.constant 0 : i32
        %dma_wait3A_1052 = tpu.memref_slice %arg9[%dma_wait3A_1050, %dma_wait3A_1051] : memref<512x16xf32, #tpu.memory_space<vmem>> -> memref<128x16xf32, #tpu.memory_space<vmem>>
        %dma_wait3A_1053 = arith.constant 0 : i32
        %dma_wait3A_1054 = arith.constant 0 : i32
        %dma_wait3A_1055 = tpu.memref_slice %arg3[%dma_wait3A_1053, %dma_wait3A_1054] : memref<106496x16xf32, #tpu.memory_space<hbm>> -> memref<128x16xf32, #tpu.memory_space<hbm>>
        tpu.wait_dma2 semaphore(%arg11 : memref<!tpu.dma_semaphore, #tpu.memory_space<semaphore_mem>>) src(%dma_wait3A_1055 : memref<128x16xf32, #tpu.memory_space<hbm>>) dst(%dma_wait3A_1052 : memref<128x16xf32, #tpu.memory_space<vmem>>)
        %dma_wait3A_1056 = arith.constant 128 : i32
        %dma_wait3A_1057 = arith.constant 0 : i32
        %dma_wait3A_1058 = tpu.memref_slice %arg8[%dma_wait3A_1056, %dma_wait3A_1057] : memref<512x128xf32, #tpu.memory_space<vmem>> -> memref<128x128xf32, #tpu.memory_space<vmem>>
        %dma_wait3A_1059 = arith.constant 0 : i32
        %dma_wait3A_1060 = arith.constant 0 : i32
        %dma_wait3A_1061 = tpu.memref_slice %arg4[%dma_wait3A_1059, %dma_wait3A_1060] : memref<100000x128xf32, #tpu.memory_space<hbm>> -> memref<128x128xf32, #tpu.memory_space<hbm>>
        %dma_wait3A_1062 = arith.constant 128 : i32
        %dma_wait3A_1063 = arith.constant 0 : i32
        %dma_wait3A_1064 = tpu.memref_slice %arg8[%dma_wait3A_1062, %dma_wait3A_1063] : memref<512x128xf32, #tpu.memory_space<vmem>> -> memref<128x128xf32, #tpu.memory_space<vmem>>
        %dma_wait3A_1065 = arith.constant 0 : i32
        %dma_wait3A_1066 = arith.constant 0 : i32
        %dma_wait3A_1067 = tpu.memref_slice %arg4[%dma_wait3A_1065, %dma_wait3A_1066] : memref<100000x128xf32, #tpu.memory_space<hbm>> -> memref<128x128xf32, #tpu.memory_space<hbm>>
        tpu.wait_dma2 semaphore(%arg10 : memref<!tpu.dma_semaphore, #tpu.memory_space<semaphore_mem>>) src(%dma_wait3A_1067 : memref<128x128xf32, #tpu.memory_space<hbm>>) dst(%dma_wait3A_1064 : memref<128x128xf32, #tpu.memory_space<vmem>>)
        %dma_wait3A_1068 = arith.constant 128 : i32
        %dma_wait3A_1069 = arith.constant 0 : i32
        %dma_wait3A_1070 = tpu.memref_slice %arg9[%dma_wait3A_1068, %dma_wait3A_1069] : memref<512x16xf32, #tpu.memory_space<vmem>> -> memref<128x16xf32, #tpu.memory_space<vmem>>
        %dma_wait3A_1071 = arith.constant 0 : i32
        %dma_wait3A_1072 = arith.constant 0 : i32
        %dma_wait3A_1073 = tpu.memref_slice %arg3[%dma_wait3A_1071, %dma_wait3A_1072] : memref<106496x16xf32, #tpu.memory_space<hbm>> -> memref<128x16xf32, #tpu.memory_space<hbm>>
        %dma_wait3A_1074 = arith.constant 128 : i32
        %dma_wait3A_1075 = arith.constant 0 : i32
        %dma_wait3A_1076 = tpu.memref_slice %arg9[%dma_wait3A_1074, %dma_wait3A_1075] : memref<512x16xf32, #tpu.memory_space<vmem>> -> memref<128x16xf32, #tpu.memory_space<vmem>>
        %dma_wait3A_1077 = arith.constant 0 : i32
        %dma_wait3A_1078 = arith.constant 0 : i32
        %dma_wait3A_1079 = tpu.memref_slice %arg3[%dma_wait3A_1077, %dma_wait3A_1078] : memref<106496x16xf32, #tpu.memory_space<hbm>> -> memref<128x16xf32, #tpu.memory_space<hbm>>
        tpu.wait_dma2 semaphore(%arg11 : memref<!tpu.dma_semaphore, #tpu.memory_space<semaphore_mem>>) src(%dma_wait3A_1079 : memref<128x16xf32, #tpu.memory_space<hbm>>) dst(%dma_wait3A_1076 : memref<128x16xf32, #tpu.memory_space<vmem>>)
        %dma_wait3A_1080 = arith.constant 256 : i32
        %dma_wait3A_1081 = arith.constant 0 : i32
        %dma_wait3A_1082 = tpu.memref_slice %arg8[%dma_wait3A_1080, %dma_wait3A_1081] : memref<512x128xf32, #tpu.memory_space<vmem>> -> memref<128x128xf32, #tpu.memory_space<vmem>>
        %dma_wait3A_1083 = arith.constant 0 : i32
        %dma_wait3A_1084 = arith.constant 0 : i32
        %dma_wait3A_1085 = tpu.memref_slice %arg4[%dma_wait3A_1083, %dma_wait3A_1084] : memref<100000x128xf32, #tpu.memory_space<hbm>> -> memref<128x128xf32, #tpu.memory_space<hbm>>
        %dma_wait3A_1086 = arith.constant 256 : i32
        %dma_wait3A_1087 = arith.constant 0 : i32
        %dma_wait3A_1088 = tpu.memref_slice %arg8[%dma_wait3A_1086, %dma_wait3A_1087] : memref<512x128xf32, #tpu.memory_space<vmem>> -> memref<128x128xf32, #tpu.memory_space<vmem>>
        %dma_wait3A_1089 = arith.constant 0 : i32
        %dma_wait3A_1090 = arith.constant 0 : i32
        %dma_wait3A_1091 = tpu.memref_slice %arg4[%dma_wait3A_1089, %dma_wait3A_1090] : memref<100000x128xf32, #tpu.memory_space<hbm>> -> memref<128x128xf32, #tpu.memory_space<hbm>>
        tpu.wait_dma2 semaphore(%arg10 : memref<!tpu.dma_semaphore, #tpu.memory_space<semaphore_mem>>) src(%dma_wait3A_1091 : memref<128x128xf32, #tpu.memory_space<hbm>>) dst(%dma_wait3A_1088 : memref<128x128xf32, #tpu.memory_space<vmem>>)
        %dma_wait3A_1092 = arith.constant 256 : i32
        %dma_wait3A_1093 = arith.constant 0 : i32
        %dma_wait3A_1094 = tpu.memref_slice %arg9[%dma_wait3A_1092, %dma_wait3A_1093] : memref<512x16xf32, #tpu.memory_space<vmem>> -> memref<128x16xf32, #tpu.memory_space<vmem>>
        %dma_wait3A_1095 = arith.constant 0 : i32
        %dma_wait3A_1096 = arith.constant 0 : i32
        %dma_wait3A_1097 = tpu.memref_slice %arg3[%dma_wait3A_1095, %dma_wait3A_1096] : memref<106496x16xf32, #tpu.memory_space<hbm>> -> memref<128x16xf32, #tpu.memory_space<hbm>>
        %dma_wait3A_1098 = arith.constant 256 : i32
        %dma_wait3A_1099 = arith.constant 0 : i32
        %dma_wait3A_1100 = tpu.memref_slice %arg9[%dma_wait3A_1098, %dma_wait3A_1099] : memref<512x16xf32, #tpu.memory_space<vmem>> -> memref<128x16xf32, #tpu.memory_space<vmem>>
        %dma_wait3A_1101 = arith.constant 0 : i32
        %dma_wait3A_1102 = arith.constant 0 : i32
        %dma_wait3A_1103 = tpu.memref_slice %arg3[%dma_wait3A_1101, %dma_wait3A_1102] : memref<106496x16xf32, #tpu.memory_space<hbm>> -> memref<128x16xf32, #tpu.memory_space<hbm>>
        tpu.wait_dma2 semaphore(%arg11 : memref<!tpu.dma_semaphore, #tpu.memory_space<semaphore_mem>>) src(%dma_wait3A_1103 : memref<128x16xf32, #tpu.memory_space<hbm>>) dst(%dma_wait3A_1100 : memref<128x16xf32, #tpu.memory_space<vmem>>)
        %dma_wait3A_1104 = arith.constant 384 : i32
        %dma_wait3A_1105 = arith.constant 0 : i32
        %dma_wait3A_1106 = tpu.memref_slice %arg8[%dma_wait3A_1104, %dma_wait3A_1105] : memref<512x128xf32, #tpu.memory_space<vmem>> -> memref<128x128xf32, #tpu.memory_space<vmem>>
        %dma_wait3A_1107 = arith.constant 0 : i32
        %dma_wait3A_1108 = arith.constant 0 : i32
        %dma_wait3A_1109 = tpu.memref_slice %arg4[%dma_wait3A_1107, %dma_wait3A_1108] : memref<100000x128xf32, #tpu.memory_space<hbm>> -> memref<128x128xf32, #tpu.memory_space<hbm>>
        %dma_wait3A_1110 = arith.constant 384 : i32
        %dma_wait3A_1111 = arith.constant 0 : i32
        %dma_wait3A_1112 = tpu.memref_slice %arg8[%dma_wait3A_1110, %dma_wait3A_1111] : memref<512x128xf32, #tpu.memory_space<vmem>> -> memref<128x128xf32, #tpu.memory_space<vmem>>
        %dma_wait3A_1113 = arith.constant 0 : i32
        %dma_wait3A_1114 = arith.constant 0 : i32
        %dma_wait3A_1115 = tpu.memref_slice %arg4[%dma_wait3A_1113, %dma_wait3A_1114] : memref<100000x128xf32, #tpu.memory_space<hbm>> -> memref<128x128xf32, #tpu.memory_space<hbm>>
        tpu.wait_dma2 semaphore(%arg10 : memref<!tpu.dma_semaphore, #tpu.memory_space<semaphore_mem>>) src(%dma_wait3A_1115 : memref<128x128xf32, #tpu.memory_space<hbm>>) dst(%dma_wait3A_1112 : memref<128x128xf32, #tpu.memory_space<vmem>>)
        %dma_wait3A_1116 = arith.constant 384 : i32
        %dma_wait3A_1117 = arith.constant 0 : i32
        %dma_wait3A_1118 = tpu.memref_slice %arg9[%dma_wait3A_1116, %dma_wait3A_1117] : memref<512x16xf32, #tpu.memory_space<vmem>> -> memref<128x16xf32, #tpu.memory_space<vmem>>
        %dma_wait3A_1119 = arith.constant 0 : i32
        %dma_wait3A_1120 = arith.constant 0 : i32
        %dma_wait3A_1121 = tpu.memref_slice %arg3[%dma_wait3A_1119, %dma_wait3A_1120] : memref<106496x16xf32, #tpu.memory_space<hbm>> -> memref<128x16xf32, #tpu.memory_space<hbm>>
        %dma_wait3A_1122 = arith.constant 384 : i32
        %dma_wait3A_1123 = arith.constant 0 : i32
        %dma_wait3A_1124 = tpu.memref_slice %arg9[%dma_wait3A_1122, %dma_wait3A_1123] : memref<512x16xf32, #tpu.memory_space<vmem>> -> memref<128x16xf32, #tpu.memory_space<vmem>>
        %dma_wait3A_1125 = arith.constant 0 : i32
        %dma_wait3A_1126 = arith.constant 0 : i32
        %dma_wait3A_1127 = tpu.memref_slice %arg3[%dma_wait3A_1125, %dma_wait3A_1126] : memref<106496x16xf32, #tpu.memory_space<hbm>> -> memref<128x16xf32, #tpu.memory_space<hbm>>
        tpu.wait_dma2 semaphore(%arg11 : memref<!tpu.dma_semaphore, #tpu.memory_space<semaphore_mem>>) src(%dma_wait3A_1127 : memref<128x16xf32, #tpu.memory_space<hbm>>) dst(%dma_wait3A_1124 : memref<128x16xf32, #tpu.memory_space<vmem>>)
      } else {
      }
      %dma_start3A_952 = arith.constant 0 : i32
      %dma_start3A_953 = arith.constant 0 : i32
      %dma_start3A_954 = arith.constant 0 : i32
      %dma_start3A_955 = tpu.memref_slice %arg8[%dma_start3A_953, %dma_start3A_954] : memref<512x128xf32, #tpu.memory_space<vmem>> -> memref<128x128xf32, #tpu.memory_space<vmem>>
      %dma_start3A_956 = arith.constant 0 : i32
      %dma_start3A_957 = tpu.memref_slice %arg7[%scan3A_949, %dma_start3A_952, %dma_start3A_956] : memref<26x4x128xi32, #tpu.memory_space<vmem>> -> memref<1x1x128xi32, #tpu.memory_space<vmem>>
      %dma_start3A_958 = tpu.memref_squeeze %dma_start3A_957 : memref<1x1x128xi32, #tpu.memory_space<vmem>> -> memref<128xi32, #tpu.memory_space<vmem>>
      %dma_start3A_959 = arith.constant 0 : i32
      %dma_start3A_960 = arith.constant 0 : i32
      %dma_start3A_961 = tpu.memref_slice %arg4[%dma_start3A_959, %dma_start3A_960] : memref<100000x128xf32, #tpu.memory_space<hbm>> -> memref<100000x128xf32, #tpu.memory_space<hbm>>
      tpu.enqueue_indirect_dma source(%dma_start3A_961 : memref<100000x128xf32, #tpu.memory_space<hbm>>) target(%dma_start3A_955 : memref<128x128xf32, #tpu.memory_space<vmem>>) offsets(%dma_start3A_958 : memref<128xi32, #tpu.memory_space<vmem>>) semaphore(%arg10 : memref<!tpu.dma_semaphore, #tpu.memory_space<semaphore_mem>>) {add = true}
      %dma_start3A_962 = arith.constant 0 : i32
      %dma_start3A_963 = arith.constant 0 : i32
      %dma_start3A_964 = arith.constant 0 : i32
      %dma_start3A_965 = tpu.memref_slice %arg9[%dma_start3A_963, %dma_start3A_964] : memref<512x16xf32, #tpu.memory_space<vmem>> -> memref<128x16xf32, #tpu.memory_space<vmem>>
      %dma_start3A_966 = arith.constant 0 : i32
      %dma_start3A_967 = tpu.memref_slice %arg7[%scan3A_949, %dma_start3A_962, %dma_start3A_966] : memref<26x4x128xi32, #tpu.memory_space<vmem>> -> memref<1x1x128xi32, #tpu.memory_space<vmem>>
      %dma_start3A_968 = tpu.memref_squeeze %dma_start3A_967 : memref<1x1x128xi32, #tpu.memory_space<vmem>> -> memref<128xi32, #tpu.memory_space<vmem>>
      %dma_start3A_969 = arith.constant 0 : i32
      %dma_start3A_970 = arith.constant 0 : i32
      %dma_start3A_971 = tpu.memref_slice %arg3[%dma_start3A_969, %dma_start3A_970] : memref<106496x16xf32, #tpu.memory_space<hbm>> -> memref<106496x16xf32, #tpu.memory_space<hbm>>
      tpu.enqueue_indirect_dma source(%dma_start3A_971 : memref<106496x16xf32, #tpu.memory_space<hbm>>) target(%dma_start3A_965 : memref<128x16xf32, #tpu.memory_space<vmem>>) offsets(%dma_start3A_968 : memref<128xi32, #tpu.memory_space<vmem>>) semaphore(%arg11 : memref<!tpu.dma_semaphore, #tpu.memory_space<semaphore_mem>>) {add = true}
      %dma_start3A_972 = arith.constant 1 : i32
      %dma_start3A_973 = arith.constant 128 : i32
      %dma_start3A_974 = arith.constant 0 : i32
      %dma_start3A_975 = tpu.memref_slice %arg8[%dma_start3A_973, %dma_start3A_974] : memref<512x128xf32, #tpu.memory_space<vmem>> -> memref<128x128xf32, #tpu.memory_space<vmem>>
      %dma_start3A_976 = arith.constant 0 : i32
      %dma_start3A_977 = tpu.memref_slice %arg7[%scan3A_949, %dma_start3A_972, %dma_start3A_976] : memref<26x4x128xi32, #tpu.memory_space<vmem>> -> memref<1x1x128xi32, #tpu.memory_space<vmem>>
      %dma_start3A_978 = tpu.memref_squeeze %dma_start3A_977 : memref<1x1x128xi32, #tpu.memory_space<vmem>> -> memref<128xi32, #tpu.memory_space<vmem>>
      %dma_start3A_979 = arith.constant 0 : i32
      %dma_start3A_980 = arith.constant 0 : i32
      %dma_start3A_981 = tpu.memref_slice %arg4[%dma_start3A_979, %dma_start3A_980] : memref<100000x128xf32, #tpu.memory_space<hbm>> -> memref<100000x128xf32, #tpu.memory_space<hbm>>
      tpu.enqueue_indirect_dma source(%dma_start3A_981 : memref<100000x128xf32, #tpu.memory_space<hbm>>) target(%dma_start3A_975 : memref<128x128xf32, #tpu.memory_space<vmem>>) offsets(%dma_start3A_978 : memref<128xi32, #tpu.memory_space<vmem>>) semaphore(%arg10 : memref<!tpu.dma_semaphore, #tpu.memory_space<semaphore_mem>>) {add = true}
      %dma_start3A_982 = arith.constant 1 : i32
      %dma_start3A_983 = arith.constant 128 : i32
      %dma_start3A_984 = arith.constant 0 : i32
      %dma_start3A_985 = tpu.memref_slice %arg9[%dma_start3A_983, %dma_start3A_984] : memref<512x16xf32, #tpu.memory_space<vmem>> -> memref<128x16xf32, #tpu.memory_space<vmem>>
      %dma_start3A_986 = arith.constant 0 : i32
      %dma_start3A_987 = tpu.memref_slice %arg7[%scan3A_949, %dma_start3A_982, %dma_start3A_986] : memref<26x4x128xi32, #tpu.memory_space<vmem>> -> memref<1x1x128xi32, #tpu.memory_space<vmem>>
      %dma_start3A_988 = tpu.memref_squeeze %dma_start3A_987 : memref<1x1x128xi32, #tpu.memory_space<vmem>> -> memref<128xi32, #tpu.memory_space<vmem>>
      %dma_start3A_989 = arith.constant 0 : i32
      %dma_start3A_990 = arith.constant 0 : i32
      %dma_start3A_991 = tpu.memref_slice %arg3[%dma_start3A_989, %dma_start3A_990] : memref<106496x16xf32, #tpu.memory_space<hbm>> -> memref<106496x16xf32, #tpu.memory_space<hbm>>
      tpu.enqueue_indirect_dma source(%dma_start3A_991 : memref<106496x16xf32, #tpu.memory_space<hbm>>) target(%dma_start3A_985 : memref<128x16xf32, #tpu.memory_space<vmem>>) offsets(%dma_start3A_988 : memref<128xi32, #tpu.memory_space<vmem>>) semaphore(%arg11 : memref<!tpu.dma_semaphore, #tpu.memory_space<semaphore_mem>>) {add = true}
      %dma_start3A_992 = arith.constant 2 : i32
      %dma_start3A_993 = arith.constant 256 : i32
      %dma_start3A_994 = arith.constant 0 : i32
      %dma_start3A_995 = tpu.memref_slice %arg8[%dma_start3A_993, %dma_start3A_994] : memref<512x128xf32, #tpu.memory_space<vmem>> -> memref<128x128xf32, #tpu.memory_space<vmem>>
      %dma_start3A_996 = arith.constant 0 : i32
      %dma_start3A_997 = tpu.memref_slice %arg7[%scan3A_949, %dma_start3A_992, %dma_start3A_996] : memref<26x4x128xi32, #tpu.memory_space<vmem>> -> memref<1x1x128xi32, #tpu.memory_space<vmem>>
      %dma_start3A_998 = tpu.memref_squeeze %dma_start3A_997 : memref<1x1x128xi32, #tpu.memory_space<vmem>> -> memref<128xi32, #tpu.memory_space<vmem>>
      %dma_start3A_999 = arith.constant 0 : i32
      %dma_start3A_1000 = arith.constant 0 : i32
      %dma_start3A_1001 = tpu.memref_slice %arg4[%dma_start3A_999, %dma_start3A_1000] : memref<100000x128xf32, #tpu.memory_space<hbm>> -> memref<100000x128xf32, #tpu.memory_space<hbm>>
      tpu.enqueue_indirect_dma source(%dma_start3A_1001 : memref<100000x128xf32, #tpu.memory_space<hbm>>) target(%dma_start3A_995 : memref<128x128xf32, #tpu.memory_space<vmem>>) offsets(%dma_start3A_998 : memref<128xi32, #tpu.memory_space<vmem>>) semaphore(%arg10 : memref<!tpu.dma_semaphore, #tpu.memory_space<semaphore_mem>>) {add = true}
      %dma_start3A_1002 = arith.constant 2 : i32
      %dma_start3A_1003 = arith.constant 256 : i32
      %dma_start3A_1004 = arith.constant 0 : i32
      %dma_start3A_1005 = tpu.memref_slice %arg9[%dma_start3A_1003, %dma_start3A_1004] : memref<512x16xf32, #tpu.memory_space<vmem>> -> memref<128x16xf32, #tpu.memory_space<vmem>>
      %dma_start3A_1006 = arith.constant 0 : i32
      %dma_start3A_1007 = tpu.memref_slice %arg7[%scan3A_949, %dma_start3A_1002, %dma_start3A_1006] : memref<26x4x128xi32, #tpu.memory_space<vmem>> -> memref<1x1x128xi32, #tpu.memory_space<vmem>>
      %dma_start3A_1008 = tpu.memref_squeeze %dma_start3A_1007 : memref<1x1x128xi32, #tpu.memory_space<vmem>> -> memref<128xi32, #tpu.memory_space<vmem>>
      %dma_start3A_1009 = arith.constant 0 : i32
      %dma_start3A_1010 = arith.constant 0 : i32
      %dma_start3A_1011 = tpu.memref_slice %arg3[%dma_start3A_1009, %dma_start3A_1010] : memref<106496x16xf32, #tpu.memory_space<hbm>> -> memref<106496x16xf32, #tpu.memory_space<hbm>>
      tpu.enqueue_indirect_dma source(%dma_start3A_1011 : memref<106496x16xf32, #tpu.memory_space<hbm>>) target(%dma_start3A_1005 : memref<128x16xf32, #tpu.memory_space<vmem>>) offsets(%dma_start3A_1008 : memref<128xi32, #tpu.memory_space<vmem>>) semaphore(%arg11 : memref<!tpu.dma_semaphore, #tpu.memory_space<semaphore_mem>>) {add = true}
      %dma_start3A_1012 = arith.constant 3 : i32
      %dma_start3A_1013 = arith.constant 384 : i32
      %dma_start3A_1014 = arith.constant 0 : i32
      %dma_start3A_1015 = tpu.memref_slice %arg8[%dma_start3A_1013, %dma_start3A_1014] : memref<512x128xf32, #tpu.memory_space<vmem>> -> memref<128x128xf32, #tpu.memory_space<vmem>>
      %dma_start3A_1016 = arith.constant 0 : i32
      %dma_start3A_1017 = tpu.memref_slice %arg7[%scan3A_949, %dma_start3A_1012, %dma_start3A_1016] : memref<26x4x128xi32, #tpu.memory_space<vmem>> -> memref<1x1x128xi32, #tpu.memory_space<vmem>>
      %dma_start3A_1018 = tpu.memref_squeeze %dma_start3A_1017 : memref<1x1x128xi32, #tpu.memory_space<vmem>> -> memref<128xi32, #tpu.memory_space<vmem>>
      %dma_start3A_1019 = arith.constant 0 : i32
      %dma_start3A_1020 = arith.constant 0 : i32
      %dma_start3A_1021 = tpu.memref_slice %arg4[%dma_start3A_1019, %dma_start3A_1020] : memref<100000x128xf32, #tpu.memory_space<hbm>> -> memref<100000x128xf32, #tpu.memory_space<hbm>>
      tpu.enqueue_indirect_dma source(%dma_start3A_1021 : memref<100000x128xf32, #tpu.memory_space<hbm>>) target(%dma_start3A_1015 : memref<128x128xf32, #tpu.memory_space<vmem>>) offsets(%dma_start3A_1018 : memref<128xi32, #tpu.memory_space<vmem>>) semaphore(%arg10 : memref<!tpu.dma_semaphore, #tpu.memory_space<semaphore_mem>>) {add = true}
      %dma_start3A_1022 = arith.constant 3 : i32
      %dma_start3A_1023 = arith.constant 384 : i32
      %dma_start3A_1024 = arith.constant 0 : i32
      %dma_start3A_1025 = tpu.memref_slice %arg9[%dma_start3A_1023, %dma_start3A_1024] : memref<512x16xf32, #tpu.memory_space<vmem>> -> memref<128x16xf32, #tpu.memory_space<vmem>>
      %dma_start3A_1026 = arith.constant 0 : i32
      %dma_start3A_1027 = tpu.memref_slice %arg7[%scan3A_949, %dma_start3A_1022, %dma_start3A_1026] : memref<26x4x128xi32, #tpu.memory_space<vmem>> -> memref<1x1x128xi32, #tpu.memory_space<vmem>>
      %dma_start3A_1028 = tpu.memref_squeeze %dma_start3A_1027 : memref<1x1x128xi32, #tpu.memory_space<vmem>> -> memref<128xi32, #tpu.memory_space<vmem>>
      %dma_start3A_1029 = arith.constant 0 : i32
      %dma_start3A_1030 = arith.constant 0 : i32
      %dma_start3A_1031 = tpu.memref_slice %arg3[%dma_start3A_1029, %dma_start3A_1030] : memref<106496x16xf32, #tpu.memory_space<hbm>> -> memref<106496x16xf32, #tpu.memory_space<hbm>>
      tpu.enqueue_indirect_dma source(%dma_start3A_1031 : memref<106496x16xf32, #tpu.memory_space<hbm>>) target(%dma_start3A_1025 : memref<128x16xf32, #tpu.memory_space<vmem>>) offsets(%dma_start3A_1028 : memref<128xi32, #tpu.memory_space<vmem>>) semaphore(%arg11 : memref<!tpu.dma_semaphore, #tpu.memory_space<semaphore_mem>>) {add = true}
    }
    %scan3A_852 = arith.constant 26 : i32
    %dma_wait3A_853 = arith.constant 0 : i32
    %dma_wait3A_854 = arith.constant 0 : i32
    %dma_wait3A_855 = tpu.memref_slice %arg8[%dma_wait3A_853, %dma_wait3A_854] : memref<512x128xf32, #tpu.memory_space<vmem>> -> memref<128x128xf32, #tpu.memory_space<vmem>>
    %dma_wait3A_856 = arith.constant 0 : i32
    %dma_wait3A_857 = arith.constant 0 : i32
    %dma_wait3A_858 = tpu.memref_slice %arg4[%dma_wait3A_856, %dma_wait3A_857] : memref<100000x128xf32, #tpu.memory_space<hbm>> -> memref<128x128xf32, #tpu.memory_space<hbm>>
    %dma_wait3A_859 = arith.constant 0 : i32
    %dma_wait3A_860 = arith.constant 0 : i32
    %dma_wait3A_861 = tpu.memref_slice %arg8[%dma_wait3A_859, %dma_wait3A_860] : memref<512x128xf32, #tpu.memory_space<vmem>> -> memref<128x128xf32, #tpu.memory_space<vmem>>
    %dma_wait3A_862 = arith.constant 0 : i32
    %dma_wait3A_863 = arith.constant 0 : i32
    %dma_wait3A_864 = tpu.memref_slice %arg4[%dma_wait3A_862, %dma_wait3A_863] : memref<100000x128xf32, #tpu.memory_space<hbm>> -> memref<128x128xf32, #tpu.memory_space<hbm>>
    tpu.wait_dma2 semaphore(%arg10 : memref<!tpu.dma_semaphore, #tpu.memory_space<semaphore_mem>>) src(%dma_wait3A_864 : memref<128x128xf32, #tpu.memory_space<hbm>>) dst(%dma_wait3A_861 : memref<128x128xf32, #tpu.memory_space<vmem>>)
    %dma_wait3A_865 = arith.constant 0 : i32
    %dma_wait3A_866 = arith.constant 0 : i32
    %dma_wait3A_867 = tpu.memref_slice %arg9[%dma_wait3A_865, %dma_wait3A_866] : memref<512x16xf32, #tpu.memory_space<vmem>> -> memref<128x16xf32, #tpu.memory_space<vmem>>
    %dma_wait3A_868 = arith.constant 0 : i32
    %dma_wait3A_869 = arith.constant 0 : i32
    %dma_wait3A_870 = tpu.memref_slice %arg3[%dma_wait3A_868, %dma_wait3A_869] : memref<106496x16xf32, #tpu.memory_space<hbm>> -> memref<128x16xf32, #tpu.memory_space<hbm>>
    %dma_wait3A_871 = arith.constant 0 : i32
    %dma_wait3A_872 = arith.constant 0 : i32
    %dma_wait3A_873 = tpu.memref_slice %arg9[%dma_wait3A_871, %dma_wait3A_872] : memref<512x16xf32, #tpu.memory_space<vmem>> -> memref<128x16xf32, #tpu.memory_space<vmem>>
    %dma_wait3A_874 = arith.constant 0 : i32
    %dma_wait3A_875 = arith.constant 0 : i32
    %dma_wait3A_876 = tpu.memref_slice %arg3[%dma_wait3A_874, %dma_wait3A_875] : memref<106496x16xf32, #tpu.memory_space<hbm>> -> memref<128x16xf32, #tpu.memory_space<hbm>>
    tpu.wait_dma2 semaphore(%arg11 : memref<!tpu.dma_semaphore, #tpu.memory_space<semaphore_mem>>) src(%dma_wait3A_876 : memref<128x16xf32, #tpu.memory_space<hbm>>) dst(%dma_wait3A_873 : memref<128x16xf32, #tpu.memory_space<vmem>>)
    %dma_wait3A_877 = arith.constant 128 : i32
    %dma_wait3A_878 = arith.constant 0 : i32
    %dma_wait3A_879 = tpu.memref_slice %arg8[%dma_wait3A_877, %dma_wait3A_878] : memref<512x128xf32, #tpu.memory_space<vmem>> -> memref<128x128xf32, #tpu.memory_space<vmem>>
    %dma_wait3A_880 = arith.constant 0 : i32
    %dma_wait3A_881 = arith.constant 0 : i32
    %dma_wait3A_882 = tpu.memref_slice %arg4[%dma_wait3A_880, %dma_wait3A_881] : memref<100000x128xf32, #tpu.memory_space<hbm>> -> memref<128x128xf32, #tpu.memory_space<hbm>>
    %dma_wait3A_883 = arith.constant 128 : i32
    %dma_wait3A_884 = arith.constant 0 : i32
    %dma_wait3A_885 = tpu.memref_slice %arg8[%dma_wait3A_883, %dma_wait3A_884] : memref<512x128xf32, #tpu.memory_space<vmem>> -> memref<128x128xf32, #tpu.memory_space<vmem>>
    %dma_wait3A_886 = arith.constant 0 : i32
    %dma_wait3A_887 = arith.constant 0 : i32
    %dma_wait3A_888 = tpu.memref_slice %arg4[%dma_wait3A_886, %dma_wait3A_887] : memref<100000x128xf32, #tpu.memory_space<hbm>> -> memref<128x128xf32, #tpu.memory_space<hbm>>
    tpu.wait_dma2 semaphore(%arg10 : memref<!tpu.dma_semaphore, #tpu.memory_space<semaphore_mem>>) src(%dma_wait3A_888 : memref<128x128xf32, #tpu.memory_space<hbm>>) dst(%dma_wait3A_885 : memref<128x128xf32, #tpu.memory_space<vmem>>)
    %dma_wait3A_889 = arith.constant 128 : i32
    %dma_wait3A_890 = arith.constant 0 : i32
    %dma_wait3A_891 = tpu.memref_slice %arg9[%dma_wait3A_889, %dma_wait3A_890] : memref<512x16xf32, #tpu.memory_space<vmem>> -> memref<128x16xf32, #tpu.memory_space<vmem>>
    %dma_wait3A_892 = arith.constant 0 : i32
    %dma_wait3A_893 = arith.constant 0 : i32
    %dma_wait3A_894 = tpu.memref_slice %arg3[%dma_wait3A_892, %dma_wait3A_893] : memref<106496x16xf32, #tpu.memory_space<hbm>> -> memref<128x16xf32, #tpu.memory_space<hbm>>
    %dma_wait3A_895 = arith.constant 128 : i32
    %dma_wait3A_896 = arith.constant 0 : i32
    %dma_wait3A_897 = tpu.memref_slice %arg9[%dma_wait3A_895, %dma_wait3A_896] : memref<512x16xf32, #tpu.memory_space<vmem>> -> memref<128x16xf32, #tpu.memory_space<vmem>>
    %dma_wait3A_898 = arith.constant 0 : i32
    %dma_wait3A_899 = arith.constant 0 : i32
    %dma_wait3A_900 = tpu.memref_slice %arg3[%dma_wait3A_898, %dma_wait3A_899] : memref<106496x16xf32, #tpu.memory_space<hbm>> -> memref<128x16xf32, #tpu.memory_space<hbm>>
    tpu.wait_dma2 semaphore(%arg11 : memref<!tpu.dma_semaphore, #tpu.memory_space<semaphore_mem>>) src(%dma_wait3A_900 : memref<128x16xf32, #tpu.memory_space<hbm>>) dst(%dma_wait3A_897 : memref<128x16xf32, #tpu.memory_space<vmem>>)
    %dma_wait3A_901 = arith.constant 256 : i32
    %dma_wait3A_902 = arith.constant 0 : i32
    %dma_wait3A_903 = tpu.memref_slice %arg8[%dma_wait3A_901, %dma_wait3A_902] : memref<512x128xf32, #tpu.memory_space<vmem>> -> memref<128x128xf32, #tpu.memory_space<vmem>>
    %dma_wait3A_904 = arith.constant 0 : i32
    %dma_wait3A_905 = arith.constant 0 : i32
    %dma_wait3A_906 = tpu.memref_slice %arg4[%dma_wait3A_904, %dma_wait3A_905] : memref<100000x128xf32, #tpu.memory_space<hbm>> -> memref<128x128xf32, #tpu.memory_space<hbm>>
    %dma_wait3A_907 = arith.constant 256 : i32
    %dma_wait3A_908 = arith.constant 0 : i32
    %dma_wait3A_909 = tpu.memref_slice %arg8[%dma_wait3A_907, %dma_wait3A_908] : memref<512x128xf32, #tpu.memory_space<vmem>> -> memref<128x128xf32, #tpu.memory_space<vmem>>
    %dma_wait3A_910 = arith.constant 0 : i32
    %dma_wait3A_911 = arith.constant 0 : i32
    %dma_wait3A_912 = tpu.memref_slice %arg4[%dma_wait3A_910, %dma_wait3A_911] : memref<100000x128xf32, #tpu.memory_space<hbm>> -> memref<128x128xf32, #tpu.memory_space<hbm>>
    tpu.wait_dma2 semaphore(%arg10 : memref<!tpu.dma_semaphore, #tpu.memory_space<semaphore_mem>>) src(%dma_wait3A_912 : memref<128x128xf32, #tpu.memory_space<hbm>>) dst(%dma_wait3A_909 : memref<128x128xf32, #tpu.memory_space<vmem>>)
    %dma_wait3A_913 = arith.constant 256 : i32
    %dma_wait3A_914 = arith.constant 0 : i32
    %dma_wait3A_915 = tpu.memref_slice %arg9[%dma_wait3A_913, %dma_wait3A_914] : memref<512x16xf32, #tpu.memory_space<vmem>> -> memref<128x16xf32, #tpu.memory_space<vmem>>
    %dma_wait3A_916 = arith.constant 0 : i32
    %dma_wait3A_917 = arith.constant 0 : i32
    %dma_wait3A_918 = tpu.memref_slice %arg3[%dma_wait3A_916, %dma_wait3A_917] : memref<106496x16xf32, #tpu.memory_space<hbm>> -> memref<128x16xf32, #tpu.memory_space<hbm>>
    %dma_wait3A_919 = arith.constant 256 : i32
    %dma_wait3A_920 = arith.constant 0 : i32
    %dma_wait3A_921 = tpu.memref_slice %arg9[%dma_wait3A_919, %dma_wait3A_920] : memref<512x16xf32, #tpu.memory_space<vmem>> -> memref<128x16xf32, #tpu.memory_space<vmem>>
    %dma_wait3A_922 = arith.constant 0 : i32
    %dma_wait3A_923 = arith.constant 0 : i32
    %dma_wait3A_924 = tpu.memref_slice %arg3[%dma_wait3A_922, %dma_wait3A_923] : memref<106496x16xf32, #tpu.memory_space<hbm>> -> memref<128x16xf32, #tpu.memory_space<hbm>>
    tpu.wait_dma2 semaphore(%arg11 : memref<!tpu.dma_semaphore, #tpu.memory_space<semaphore_mem>>) src(%dma_wait3A_924 : memref<128x16xf32, #tpu.memory_space<hbm>>) dst(%dma_wait3A_921 : memref<128x16xf32, #tpu.memory_space<vmem>>)
    %dma_wait3A_925 = arith.constant 384 : i32
    %dma_wait3A_926 = arith.constant 0 : i32
    %dma_wait3A_927 = tpu.memref_slice %arg8[%dma_wait3A_925, %dma_wait3A_926] : memref<512x128xf32, #tpu.memory_space<vmem>> -> memref<128x128xf32, #tpu.memory_space<vmem>>
    %dma_wait3A_928 = arith.constant 0 : i32
    %dma_wait3A_929 = arith.constant 0 : i32
    %dma_wait3A_930 = tpu.memref_slice %arg4[%dma_wait3A_928, %dma_wait3A_929] : memref<100000x128xf32, #tpu.memory_space<hbm>> -> memref<128x128xf32, #tpu.memory_space<hbm>>
    %dma_wait3A_931 = arith.constant 384 : i32
    %dma_wait3A_932 = arith.constant 0 : i32
    %dma_wait3A_933 = tpu.memref_slice %arg8[%dma_wait3A_931, %dma_wait3A_932] : memref<512x128xf32, #tpu.memory_space<vmem>> -> memref<128x128xf32, #tpu.memory_space<vmem>>
    %dma_wait3A_934 = arith.constant 0 : i32
    %dma_wait3A_935 = arith.constant 0 : i32
    %dma_wait3A_936 = tpu.memref_slice %arg4[%dma_wait3A_934, %dma_wait3A_935] : memref<100000x128xf32, #tpu.memory_space<hbm>> -> memref<128x128xf32, #tpu.memory_space<hbm>>
    tpu.wait_dma2 semaphore(%arg10 : memref<!tpu.dma_semaphore, #tpu.memory_space<semaphore_mem>>) src(%dma_wait3A_936 : memref<128x128xf32, #tpu.memory_space<hbm>>) dst(%dma_wait3A_933 : memref<128x128xf32, #tpu.memory_space<vmem>>)
    %dma_wait3A_937 = arith.constant 384 : i32
    %dma_wait3A_938 = arith.constant 0 : i32
    %dma_wait3A_939 = tpu.memref_slice %arg9[%dma_wait3A_937, %dma_wait3A_938] : memref<512x16xf32, #tpu.memory_space<vmem>> -> memref<128x16xf32, #tpu.memory_space<vmem>>
    %dma_wait3A_940 = arith.constant 0 : i32
    %dma_wait3A_941 = arith.constant 0 : i32
    %dma_wait3A_942 = tpu.memref_slice %arg3[%dma_wait3A_940, %dma_wait3A_941] : memref<106496x16xf32, #tpu.memory_space<hbm>> -> memref<128x16xf32, #tpu.memory_space<hbm>>
    %dma_wait3A_943 = arith.constant 384 : i32
    %dma_wait3A_944 = arith.constant 0 : i32
    %dma_wait3A_945 = tpu.memref_slice %arg9[%dma_wait3A_943, %dma_wait3A_944] : memref<512x16xf32, #tpu.memory_space<vmem>> -> memref<128x16xf32, #tpu.memory_space<vmem>>
    %dma_wait3A_946 = arith.constant 0 : i32
    %dma_wait3A_947 = arith.constant 0 : i32
    %dma_wait3A_948 = tpu.memref_slice %arg3[%dma_wait3A_946, %dma_wait3A_947] : memref<106496x16xf32, #tpu.memory_space<hbm>> -> memref<128x16xf32, #tpu.memory_space<hbm>>
    tpu.wait_dma2 semaphore(%arg11 : memref<!tpu.dma_semaphore, #tpu.memory_space<semaphore_mem>>) src(%dma_wait3A_948 : memref<128x16xf32, #tpu.memory_space<hbm>>) dst(%dma_wait3A_945 : memref<128x16xf32, #tpu.memory_space<vmem>>)
    "tpu.region"() ({
      %run_scoped3A = tpu.sem_alloc : memref<!tpu.dma_semaphore, #tpu.memory_space<semaphore_mem>>
      %dma_start3A_949 = arith.constant 0 : i32
      %dma_start3A_950 = tpu.memref_slice %arg5[%mul3A_2, %dma_start3A_949] : memref<16384x128xf32, #tpu.memory_space<hbm>> -> memref<512x128xf32, #tpu.memory_space<hbm>>
      %dma_start3A_951 = arith.constant 0 : i32
      %dma_start3A_952 = tpu.memref_slice %arg5[%mul3A_2, %dma_start3A_951] : memref<16384x128xf32, #tpu.memory_space<hbm>> -> memref<512x128xf32, #tpu.memory_space<hbm>>
      tpu.enqueue_dma source(%arg8 : memref<512x128xf32, #tpu.memory_space<vmem>>) target(%dma_start3A_952 : memref<512x128xf32, #tpu.memory_space<hbm>>) target_semaphore(%run_scoped3A : memref<!tpu.dma_semaphore, #tpu.memory_space<semaphore_mem>>)
      %dma_wait3A_953 = arith.constant 0 : i32
      %dma_wait3A_954 = tpu.memref_slice %arg5[%mul3A_2, %dma_wait3A_953] : memref<16384x128xf32, #tpu.memory_space<hbm>> -> memref<512x128xf32, #tpu.memory_space<hbm>>
      %dma_wait3A_955 = arith.constant 0 : i32
      %dma_wait3A_956 = tpu.memref_slice %arg5[%mul3A_2, %dma_wait3A_955] : memref<16384x128xf32, #tpu.memory_space<hbm>> -> memref<512x128xf32, #tpu.memory_space<hbm>>
      tpu.wait_dma2 semaphore(%run_scoped3A : memref<!tpu.dma_semaphore, #tpu.memory_space<semaphore_mem>>) src(%arg8 : memref<512x128xf32, #tpu.memory_space<vmem>>) dst(%dma_wait3A_956 : memref<512x128xf32, #tpu.memory_space<hbm>>)
      tpu.yield
    }) : () -> ()
    "tpu.region"() ({
      %run_scoped3A = tpu.sem_alloc : memref<!tpu.dma_semaphore, #tpu.memory_space<semaphore_mem>>
      %dma_start3A_949 = arith.constant 0 : i32
      %dma_start3A_950 = tpu.memref_slice %arg6[%mul3A_2, %dma_start3A_949] : memref<16384x16xf32, #tpu.memory_space<hbm>> -> memref<512x16xf32, #tpu.memory_space<hbm>>
      %dma_start3A_951 = arith.constant 0 : i32
      %dma_start3A_952 = tpu.memref_slice %arg6[%mul3A_2, %dma_start3A_951] : memref<16384x16xf32, #tpu.memory_space<hbm>> -> memref<512x16xf32, #tpu.memory_space<hbm>>
      tpu.enqueue_dma source(%arg9 : memref<512x16xf32, #tpu.memory_space<vmem>>) target(%dma_start3A_952 : memref<512x16xf32, #tpu.memory_space<hbm>>) target_semaphore(%run_scoped3A : memref<!tpu.dma_semaphore, #tpu.memory_space<semaphore_mem>>)
      %dma_wait3A_953 = arith.constant 0 : i32
      %dma_wait3A_954 = tpu.memref_slice %arg6[%mul3A_2, %dma_wait3A_953] : memref<16384x16xf32, #tpu.memory_space<hbm>> -> memref<512x16xf32, #tpu.memory_space<hbm>>
      %dma_wait3A_955 = arith.constant 0 : i32
      %dma_wait3A_956 = tpu.memref_slice %arg6[%mul3A_2, %dma_wait3A_955] : memref<16384x16xf32, #tpu.memory_space<hbm>> -> memref<512x16xf32, #tpu.memory_space<hbm>>
      tpu.wait_dma2 semaphore(%run_scoped3A : memref<!tpu.dma_semaphore, #tpu.memory_space<semaphore_mem>>) src(%arg9 : memref<512x16xf32, #tpu.memory_space<vmem>>) dst(%dma_wait3A_956 : memref<512x16xf32, #tpu.memory_space<hbm>>)
      tpu.yield
    }) : () -> ()
    return
  }
}

#map = affine_map<(d0, d1) -> (0)>
#map1 = affine_map<(d0, d1) -> (0, 0)>
module attributes {stable_mosaic.version = 14 : i64} {
  func.func @body(%arg0: i32, %arg1: i32, %arg2: memref<106496xf32, #tpu.memory_space<hbm>>, %arg3: memref<106496x16xf32, #tpu.memory_space<hbm>>, %arg4: memref<3328xf32, #tpu.memory_space<vmem>>, %arg5: memref<3328x16xf32, #tpu.memory_space<vmem>>, %arg6: memref<!tpu.dma_semaphore, #tpu.memory_space<semaphore_mem>>) attributes {dimension_semantics = [#tpu.dimension_semantics<core_parallel>, #tpu.dimension_semantics<subcore_parallel>], iteration_bounds = array<i64: 2, 16>, scalar_prefetch = 0 : i64, scratch_operands = 3 : i64, tpu.core_type = #tpu.core_type<sc_vector_subcore>, window_params = [{transform_indices = #map}, {transform_indices = #map1}]} {
    %mul3A = arith.constant 2 : i32
    %mul3A_0 = arith.muli %arg1, %mul3A : i32
    %add3A = arith.addi %mul3A_0, %arg0 : i32
    %mul3A_1 = arith.constant 3328 : i32
    %mul3A_2 = arith.muli %add3A, %mul3A_1 : i32
    %dma_start3A = tpu.memref_slice %arg2[%mul3A_2] : memref<106496xf32, #tpu.memory_space<hbm>> -> memref<3328xf32, #tpu.memory_space<hbm>>
    %dma_start3A_3 = tpu.memref_slice %arg2[%mul3A_2] : memref<106496xf32, #tpu.memory_space<hbm>> -> memref<3328xf32, #tpu.memory_space<hbm>>
    tpu.enqueue_dma source(%dma_start3A_3 : memref<3328xf32, #tpu.memory_space<hbm>>) target(%arg4 : memref<3328xf32, #tpu.memory_space<vmem>>) target_semaphore(%arg6 : memref<!tpu.dma_semaphore, #tpu.memory_space<semaphore_mem>>)
    %dma_wait3A = tpu.memref_slice %arg2[%mul3A_2] : memref<106496xf32, #tpu.memory_space<hbm>> -> memref<3328xf32, #tpu.memory_space<hbm>>
    %dma_wait3A_4 = tpu.memref_slice %arg2[%mul3A_2] : memref<106496xf32, #tpu.memory_space<hbm>> -> memref<3328xf32, #tpu.memory_space<hbm>>
    tpu.wait_dma2 semaphore(%arg6 : memref<!tpu.dma_semaphore, #tpu.memory_space<semaphore_mem>>) src(%dma_wait3A_4 : memref<3328xf32, #tpu.memory_space<hbm>>) dst(%arg4 : memref<3328xf32, #tpu.memory_space<vmem>>)
    %scan3A = arith.constant 0 : i32
    %scan3A_5 = arith.constant 0 : i32
    %scan3A_6 = arith.constant 208 : i32
    %scan3A_7 = arith.addi %scan3A_5, %scan3A_6 : i32
    %scan3A_8 = arith.constant 1 : i32
    scf.for %scan3A_10 = %scan3A_5 to %scan3A_7 step %scan3A_8  : i32 {
      %mul3A_11 = arith.constant 16 : i32
      %mul3A_12 = arith.muli %scan3A_10, %mul3A_11 : i32
      %get3A = arith.index_cast %mul3A_12 : i32 to index
      %get3A_13 = tpu.vector_load %arg4[%get3A] {strides = array<i32>} : memref<3328xf32, #tpu.memory_space<vmem>>, vector<16xf32>,
      %get3A_14 = vector.shape_cast %get3A_13 : vector<16xf32> to vector<16xf32>
      %slice3A = vector.extract_strided_slice %get3A_14 {offsets = [0], sizes = [1], strides = [1]} : vector<16xf32> to vector<1xf32>
      %squeeze3A = vector.extract %slice3A[0] : f32 from vector<1xf32>
      %broadcast_in_dim3A = vector.broadcast %squeeze3A : f32 to vector<16xf32>
      %mul3A_15 = arith.constant 16 : i32
      %mul3A_16 = arith.muli %scan3A_10, %mul3A_15 : i32
      %add3A_17 = arith.constant 0 : i32
      %add3A_18 = arith.addi %mul3A_16, %add3A_17 : i32
      %swap3A = arith.index_cast %add3A_18 : i32 to index
      %swap3A_19 = arith.constant 0 : index
      %swap3A_20 = tpu.vector_load %arg5[%swap3A, %swap3A_19] {strides = array<i32>} : memref<3328x16xf32, #tpu.memory_space<vmem>>, vector<1x16xf32>,
      %swap3A_21 = vector.shape_cast %swap3A_20 : vector<1x16xf32> to vector<16xf32>
      %swap3A_22 = vector.shape_cast %broadcast_in_dim3A : vector<16xf32> to vector<1x16xf32>
      tpu.vector_store %arg5[%swap3A, %swap3A_19], %swap3A_22 {strides = array<i32>} : memref<3328x16xf32, #tpu.memory_space<vmem>>, vector<1x16xf32>,
      %slice3A_23 = vector.extract_strided_slice %get3A_14 {offsets = [1], sizes = [1], strides = [1]} : vector<16xf32> to vector<1xf32>
      %squeeze3A_24 = vector.extract %slice3A_23[0] : f32 from vector<1xf32>
      %broadcast_in_dim3A_25 = vector.broadcast %squeeze3A_24 : f32 to vector<16xf32>
      %mul3A_26 = arith.constant 16 : i32
      %mul3A_27 = arith.muli %scan3A_10, %mul3A_26 : i32
      %add3A_28 = arith.constant 1 : i32
      %add3A_29 = arith.addi %mul3A_27, %add3A_28 : i32
      %swap3A_30 = arith.index_cast %add3A_29 : i32 to index
      %swap3A_31 = arith.constant 0 : index
      %swap3A_32 = tpu.vector_load %arg5[%swap3A_30, %swap3A_31] {strides = array<i32>} : memref<3328x16xf32, #tpu.memory_space<vmem>>, vector<1x16xf32>,
      %swap3A_33 = vector.shape_cast %swap3A_32 : vector<1x16xf32> to vector<16xf32>
      %swap3A_34 = vector.shape_cast %broadcast_in_dim3A_25 : vector<16xf32> to vector<1x16xf32>
      tpu.vector_store %arg5[%swap3A_30, %swap3A_31], %swap3A_34 {strides = array<i32>} : memref<3328x16xf32, #tpu.memory_space<vmem>>, vector<1x16xf32>,
      %slice3A_35 = vector.extract_strided_slice %get3A_14 {offsets = [2], sizes = [1], strides = [1]} : vector<16xf32> to vector<1xf32>
      %squeeze3A_36 = vector.extract %slice3A_35[0] : f32 from vector<1xf32>
      %broadcast_in_dim3A_37 = vector.broadcast %squeeze3A_36 : f32 to vector<16xf32>
      %mul3A_38 = arith.constant 16 : i32
      %mul3A_39 = arith.muli %scan3A_10, %mul3A_38 : i32
      %add3A_40 = arith.constant 2 : i32
      %add3A_41 = arith.addi %mul3A_39, %add3A_40 : i32
      %swap3A_42 = arith.index_cast %add3A_41 : i32 to index
      %swap3A_43 = arith.constant 0 : index
      %swap3A_44 = tpu.vector_load %arg5[%swap3A_42, %swap3A_43] {strides = array<i32>} : memref<3328x16xf32, #tpu.memory_space<vmem>>, vector<1x16xf32>,
      %swap3A_45 = vector.shape_cast %swap3A_44 : vector<1x16xf32> to vector<16xf32>
      %swap3A_46 = vector.shape_cast %broadcast_in_dim3A_37 : vector<16xf32> to vector<1x16xf32>
      tpu.vector_store %arg5[%swap3A_42, %swap3A_43], %swap3A_46 {strides = array<i32>} : memref<3328x16xf32, #tpu.memory_space<vmem>>, vector<1x16xf32>,
      %slice3A_47 = vector.extract_strided_slice %get3A_14 {offsets = [3], sizes = [1], strides = [1]} : vector<16xf32> to vector<1xf32>
      %squeeze3A_48 = vector.extract %slice3A_47[0] : f32 from vector<1xf32>
      %broadcast_in_dim3A_49 = vector.broadcast %squeeze3A_48 : f32 to vector<16xf32>
      %mul3A_50 = arith.constant 16 : i32
      %mul3A_51 = arith.muli %scan3A_10, %mul3A_50 : i32
      %add3A_52 = arith.constant 3 : i32
      %add3A_53 = arith.addi %mul3A_51, %add3A_52 : i32
      %swap3A_54 = arith.index_cast %add3A_53 : i32 to index
      %swap3A_55 = arith.constant 0 : index
      %swap3A_56 = tpu.vector_load %arg5[%swap3A_54, %swap3A_55] {strides = array<i32>} : memref<3328x16xf32, #tpu.memory_space<vmem>>, vector<1x16xf32>,
      %swap3A_57 = vector.shape_cast %swap3A_56 : vector<1x16xf32> to vector<16xf32>
      %swap3A_58 = vector.shape_cast %broadcast_in_dim3A_49 : vector<16xf32> to vector<1x16xf32>
      tpu.vector_store %arg5[%swap3A_54, %swap3A_55], %swap3A_58 {strides = array<i32>} : memref<3328x16xf32, #tpu.memory_space<vmem>>, vector<1x16xf32>,
      %slice3A_59 = vector.extract_strided_slice %get3A_14 {offsets = [4], sizes = [1], strides = [1]} : vector<16xf32> to vector<1xf32>
      %squeeze3A_60 = vector.extract %slice3A_59[0] : f32 from vector<1xf32>
      %broadcast_in_dim3A_61 = vector.broadcast %squeeze3A_60 : f32 to vector<16xf32>
      %mul3A_62 = arith.constant 16 : i32
      %mul3A_63 = arith.muli %scan3A_10, %mul3A_62 : i32
      %add3A_64 = arith.constant 4 : i32
      %add3A_65 = arith.addi %mul3A_63, %add3A_64 : i32
      %swap3A_66 = arith.index_cast %add3A_65 : i32 to index
      %swap3A_67 = arith.constant 0 : index
      %swap3A_68 = tpu.vector_load %arg5[%swap3A_66, %swap3A_67] {strides = array<i32>} : memref<3328x16xf32, #tpu.memory_space<vmem>>, vector<1x16xf32>,
      %swap3A_69 = vector.shape_cast %swap3A_68 : vector<1x16xf32> to vector<16xf32>
      %swap3A_70 = vector.shape_cast %broadcast_in_dim3A_61 : vector<16xf32> to vector<1x16xf32>
      tpu.vector_store %arg5[%swap3A_66, %swap3A_67], %swap3A_70 {strides = array<i32>} : memref<3328x16xf32, #tpu.memory_space<vmem>>, vector<1x16xf32>,
      %slice3A_71 = vector.extract_strided_slice %get3A_14 {offsets = [5], sizes = [1], strides = [1]} : vector<16xf32> to vector<1xf32>
      %squeeze3A_72 = vector.extract %slice3A_71[0] : f32 from vector<1xf32>
      %broadcast_in_dim3A_73 = vector.broadcast %squeeze3A_72 : f32 to vector<16xf32>
      %mul3A_74 = arith.constant 16 : i32
      %mul3A_75 = arith.muli %scan3A_10, %mul3A_74 : i32
      %add3A_76 = arith.constant 5 : i32
      %add3A_77 = arith.addi %mul3A_75, %add3A_76 : i32
      %swap3A_78 = arith.index_cast %add3A_77 : i32 to index
      %swap3A_79 = arith.constant 0 : index
      %swap3A_80 = tpu.vector_load %arg5[%swap3A_78, %swap3A_79] {strides = array<i32>} : memref<3328x16xf32, #tpu.memory_space<vmem>>, vector<1x16xf32>,
      %swap3A_81 = vector.shape_cast %swap3A_80 : vector<1x16xf32> to vector<16xf32>
      %swap3A_82 = vector.shape_cast %broadcast_in_dim3A_73 : vector<16xf32> to vector<1x16xf32>
      tpu.vector_store %arg5[%swap3A_78, %swap3A_79], %swap3A_82 {strides = array<i32>} : memref<3328x16xf32, #tpu.memory_space<vmem>>, vector<1x16xf32>,
      %slice3A_83 = vector.extract_strided_slice %get3A_14 {offsets = [6], sizes = [1], strides = [1]} : vector<16xf32> to vector<1xf32>
      %squeeze3A_84 = vector.extract %slice3A_83[0] : f32 from vector<1xf32>
      %broadcast_in_dim3A_85 = vector.broadcast %squeeze3A_84 : f32 to vector<16xf32>
      %mul3A_86 = arith.constant 16 : i32
      %mul3A_87 = arith.muli %scan3A_10, %mul3A_86 : i32
      %add3A_88 = arith.constant 6 : i32
      %add3A_89 = arith.addi %mul3A_87, %add3A_88 : i32
      %swap3A_90 = arith.index_cast %add3A_89 : i32 to index
      %swap3A_91 = arith.constant 0 : index
      %swap3A_92 = tpu.vector_load %arg5[%swap3A_90, %swap3A_91] {strides = array<i32>} : memref<3328x16xf32, #tpu.memory_space<vmem>>, vector<1x16xf32>,
      %swap3A_93 = vector.shape_cast %swap3A_92 : vector<1x16xf32> to vector<16xf32>
      %swap3A_94 = vector.shape_cast %broadcast_in_dim3A_85 : vector<16xf32> to vector<1x16xf32>
      tpu.vector_store %arg5[%swap3A_90, %swap3A_91], %swap3A_94 {strides = array<i32>} : memref<3328x16xf32, #tpu.memory_space<vmem>>, vector<1x16xf32>,
      %slice3A_95 = vector.extract_strided_slice %get3A_14 {offsets = [7], sizes = [1], strides = [1]} : vector<16xf32> to vector<1xf32>
      %squeeze3A_96 = vector.extract %slice3A_95[0] : f32 from vector<1xf32>
      %broadcast_in_dim3A_97 = vector.broadcast %squeeze3A_96 : f32 to vector<16xf32>
      %mul3A_98 = arith.constant 16 : i32
      %mul3A_99 = arith.muli %scan3A_10, %mul3A_98 : i32
      %add3A_100 = arith.constant 7 : i32
      %add3A_101 = arith.addi %mul3A_99, %add3A_100 : i32
      %swap3A_102 = arith.index_cast %add3A_101 : i32 to index
      %swap3A_103 = arith.constant 0 : index
      %swap3A_104 = tpu.vector_load %arg5[%swap3A_102, %swap3A_103] {strides = array<i32>} : memref<3328x16xf32, #tpu.memory_space<vmem>>, vector<1x16xf32>,
      %swap3A_105 = vector.shape_cast %swap3A_104 : vector<1x16xf32> to vector<16xf32>
      %swap3A_106 = vector.shape_cast %broadcast_in_dim3A_97 : vector<16xf32> to vector<1x16xf32>
      tpu.vector_store %arg5[%swap3A_102, %swap3A_103], %swap3A_106 {strides = array<i32>} : memref<3328x16xf32, #tpu.memory_space<vmem>>, vector<1x16xf32>,
      %slice3A_107 = vector.extract_strided_slice %get3A_14 {offsets = [8], sizes = [1], strides = [1]} : vector<16xf32> to vector<1xf32>
      %squeeze3A_108 = vector.extract %slice3A_107[0] : f32 from vector<1xf32>
      %broadcast_in_dim3A_109 = vector.broadcast %squeeze3A_108 : f32 to vector<16xf32>
      %mul3A_110 = arith.constant 16 : i32
      %mul3A_111 = arith.muli %scan3A_10, %mul3A_110 : i32
      %add3A_112 = arith.constant 8 : i32
      %add3A_113 = arith.addi %mul3A_111, %add3A_112 : i32
      %swap3A_114 = arith.index_cast %add3A_113 : i32 to index
      %swap3A_115 = arith.constant 0 : index
      %swap3A_116 = tpu.vector_load %arg5[%swap3A_114, %swap3A_115] {strides = array<i32>} : memref<3328x16xf32, #tpu.memory_space<vmem>>, vector<1x16xf32>,
      %swap3A_117 = vector.shape_cast %swap3A_116 : vector<1x16xf32> to vector<16xf32>
      %swap3A_118 = vector.shape_cast %broadcast_in_dim3A_109 : vector<16xf32> to vector<1x16xf32>
      tpu.vector_store %arg5[%swap3A_114, %swap3A_115], %swap3A_118 {strides = array<i32>} : memref<3328x16xf32, #tpu.memory_space<vmem>>, vector<1x16xf32>,
      %slice3A_119 = vector.extract_strided_slice %get3A_14 {offsets = [9], sizes = [1], strides = [1]} : vector<16xf32> to vector<1xf32>
      %squeeze3A_120 = vector.extract %slice3A_119[0] : f32 from vector<1xf32>
      %broadcast_in_dim3A_121 = vector.broadcast %squeeze3A_120 : f32 to vector<16xf32>
      %mul3A_122 = arith.constant 16 : i32
      %mul3A_123 = arith.muli %scan3A_10, %mul3A_122 : i32
      %add3A_124 = arith.constant 9 : i32
      %add3A_125 = arith.addi %mul3A_123, %add3A_124 : i32
      %swap3A_126 = arith.index_cast %add3A_125 : i32 to index
      %swap3A_127 = arith.constant 0 : index
      %swap3A_128 = tpu.vector_load %arg5[%swap3A_126, %swap3A_127] {strides = array<i32>} : memref<3328x16xf32, #tpu.memory_space<vmem>>, vector<1x16xf32>,
      %swap3A_129 = vector.shape_cast %swap3A_128 : vector<1x16xf32> to vector<16xf32>
      %swap3A_130 = vector.shape_cast %broadcast_in_dim3A_121 : vector<16xf32> to vector<1x16xf32>
      tpu.vector_store %arg5[%swap3A_126, %swap3A_127], %swap3A_130 {strides = array<i32>} : memref<3328x16xf32, #tpu.memory_space<vmem>>, vector<1x16xf32>,
      %slice3A_131 = vector.extract_strided_slice %get3A_14 {offsets = [10], sizes = [1], strides = [1]} : vector<16xf32> to vector<1xf32>
      %squeeze3A_132 = vector.extract %slice3A_131[0] : f32 from vector<1xf32>
      %broadcast_in_dim3A_133 = vector.broadcast %squeeze3A_132 : f32 to vector<16xf32>
      %mul3A_134 = arith.constant 16 : i32
      %mul3A_135 = arith.muli %scan3A_10, %mul3A_134 : i32
      %add3A_136 = arith.constant 10 : i32
      %add3A_137 = arith.addi %mul3A_135, %add3A_136 : i32
      %swap3A_138 = arith.index_cast %add3A_137 : i32 to index
      %swap3A_139 = arith.constant 0 : index
      %swap3A_140 = tpu.vector_load %arg5[%swap3A_138, %swap3A_139] {strides = array<i32>} : memref<3328x16xf32, #tpu.memory_space<vmem>>, vector<1x16xf32>,
      %swap3A_141 = vector.shape_cast %swap3A_140 : vector<1x16xf32> to vector<16xf32>
      %swap3A_142 = vector.shape_cast %broadcast_in_dim3A_133 : vector<16xf32> to vector<1x16xf32>
      tpu.vector_store %arg5[%swap3A_138, %swap3A_139], %swap3A_142 {strides = array<i32>} : memref<3328x16xf32, #tpu.memory_space<vmem>>, vector<1x16xf32>,
      %slice3A_143 = vector.extract_strided_slice %get3A_14 {offsets = [11], sizes = [1], strides = [1]} : vector<16xf32> to vector<1xf32>
      %squeeze3A_144 = vector.extract %slice3A_143[0] : f32 from vector<1xf32>
      %broadcast_in_dim3A_145 = vector.broadcast %squeeze3A_144 : f32 to vector<16xf32>
      %mul3A_146 = arith.constant 16 : i32
      %mul3A_147 = arith.muli %scan3A_10, %mul3A_146 : i32
      %add3A_148 = arith.constant 11 : i32
      %add3A_149 = arith.addi %mul3A_147, %add3A_148 : i32
      %swap3A_150 = arith.index_cast %add3A_149 : i32 to index
      %swap3A_151 = arith.constant 0 : index
      %swap3A_152 = tpu.vector_load %arg5[%swap3A_150, %swap3A_151] {strides = array<i32>} : memref<3328x16xf32, #tpu.memory_space<vmem>>, vector<1x16xf32>,
      %swap3A_153 = vector.shape_cast %swap3A_152 : vector<1x16xf32> to vector<16xf32>
      %swap3A_154 = vector.shape_cast %broadcast_in_dim3A_145 : vector<16xf32> to vector<1x16xf32>
      tpu.vector_store %arg5[%swap3A_150, %swap3A_151], %swap3A_154 {strides = array<i32>} : memref<3328x16xf32, #tpu.memory_space<vmem>>, vector<1x16xf32>,
      %slice3A_155 = vector.extract_strided_slice %get3A_14 {offsets = [12], sizes = [1], strides = [1]} : vector<16xf32> to vector<1xf32>
      %squeeze3A_156 = vector.extract %slice3A_155[0] : f32 from vector<1xf32>
      %broadcast_in_dim3A_157 = vector.broadcast %squeeze3A_156 : f32 to vector<16xf32>
      %mul3A_158 = arith.constant 16 : i32
      %mul3A_159 = arith.muli %scan3A_10, %mul3A_158 : i32
      %add3A_160 = arith.constant 12 : i32
      %add3A_161 = arith.addi %mul3A_159, %add3A_160 : i32
      %swap3A_162 = arith.index_cast %add3A_161 : i32 to index
      %swap3A_163 = arith.constant 0 : index
      %swap3A_164 = tpu.vector_load %arg5[%swap3A_162, %swap3A_163] {strides = array<i32>} : memref<3328x16xf32, #tpu.memory_space<vmem>>, vector<1x16xf32>,
      %swap3A_165 = vector.shape_cast %swap3A_164 : vector<1x16xf32> to vector<16xf32>
      %swap3A_166 = vector.shape_cast %broadcast_in_dim3A_157 : vector<16xf32> to vector<1x16xf32>
      tpu.vector_store %arg5[%swap3A_162, %swap3A_163], %swap3A_166 {strides = array<i32>} : memref<3328x16xf32, #tpu.memory_space<vmem>>, vector<1x16xf32>,
      %slice3A_167 = vector.extract_strided_slice %get3A_14 {offsets = [13], sizes = [1], strides = [1]} : vector<16xf32> to vector<1xf32>
      %squeeze3A_168 = vector.extract %slice3A_167[0] : f32 from vector<1xf32>
      %broadcast_in_dim3A_169 = vector.broadcast %squeeze3A_168 : f32 to vector<16xf32>
      %mul3A_170 = arith.constant 16 : i32
      %mul3A_171 = arith.muli %scan3A_10, %mul3A_170 : i32
      %add3A_172 = arith.constant 13 : i32
      %add3A_173 = arith.addi %mul3A_171, %add3A_172 : i32
      %swap3A_174 = arith.index_cast %add3A_173 : i32 to index
      %swap3A_175 = arith.constant 0 : index
      %swap3A_176 = tpu.vector_load %arg5[%swap3A_174, %swap3A_175] {strides = array<i32>} : memref<3328x16xf32, #tpu.memory_space<vmem>>, vector<1x16xf32>,
      %swap3A_177 = vector.shape_cast %swap3A_176 : vector<1x16xf32> to vector<16xf32>
      %swap3A_178 = vector.shape_cast %broadcast_in_dim3A_169 : vector<16xf32> to vector<1x16xf32>
      tpu.vector_store %arg5[%swap3A_174, %swap3A_175], %swap3A_178 {strides = array<i32>} : memref<3328x16xf32, #tpu.memory_space<vmem>>, vector<1x16xf32>,
      %slice3A_179 = vector.extract_strided_slice %get3A_14 {offsets = [14], sizes = [1], strides = [1]} : vector<16xf32> to vector<1xf32>
      %squeeze3A_180 = vector.extract %slice3A_179[0] : f32 from vector<1xf32>
      %broadcast_in_dim3A_181 = vector.broadcast %squeeze3A_180 : f32 to vector<16xf32>
      %mul3A_182 = arith.constant 16 : i32
      %mul3A_183 = arith.muli %scan3A_10, %mul3A_182 : i32
      %add3A_184 = arith.constant 14 : i32
      %add3A_185 = arith.addi %mul3A_183, %add3A_184 : i32
      %swap3A_186 = arith.index_cast %add3A_185 : i32 to index
      %swap3A_187 = arith.constant 0 : index
      %swap3A_188 = tpu.vector_load %arg5[%swap3A_186, %swap3A_187] {strides = array<i32>} : memref<3328x16xf32, #tpu.memory_space<vmem>>, vector<1x16xf32>,
      %swap3A_189 = vector.shape_cast %swap3A_188 : vector<1x16xf32> to vector<16xf32>
      %swap3A_190 = vector.shape_cast %broadcast_in_dim3A_181 : vector<16xf32> to vector<1x16xf32>
      tpu.vector_store %arg5[%swap3A_186, %swap3A_187], %swap3A_190 {strides = array<i32>} : memref<3328x16xf32, #tpu.memory_space<vmem>>, vector<1x16xf32>,
      %slice3A_191 = vector.extract_strided_slice %get3A_14 {offsets = [15], sizes = [1], strides = [1]} : vector<16xf32> to vector<1xf32>
      %squeeze3A_192 = vector.extract %slice3A_191[0] : f32 from vector<1xf32>
      %broadcast_in_dim3A_193 = vector.broadcast %squeeze3A_192 : f32 to vector<16xf32>
      %mul3A_194 = arith.constant 16 : i32
      %mul3A_195 = arith.muli %scan3A_10, %mul3A_194 : i32
      %add3A_196 = arith.constant 15 : i32
      %add3A_197 = arith.addi %mul3A_195, %add3A_196 : i32
      %swap3A_198 = arith.index_cast %add3A_197 : i32 to index
      %swap3A_199 = arith.constant 0 : index
      %swap3A_200 = tpu.vector_load %arg5[%swap3A_198, %swap3A_199] {strides = array<i32>} : memref<3328x16xf32, #tpu.memory_space<vmem>>, vector<1x16xf32>,
      %swap3A_201 = vector.shape_cast %swap3A_200 : vector<1x16xf32> to vector<16xf32>
      %swap3A_202 = vector.shape_cast %broadcast_in_dim3A_193 : vector<16xf32> to vector<1x16xf32>
      tpu.vector_store %arg5[%swap3A_198, %swap3A_199], %swap3A_202 {strides = array<i32>} : memref<3328x16xf32, #tpu.memory_space<vmem>>, vector<1x16xf32>,
    }
    %scan3A_9 = arith.constant 208 : i32
    "tpu.region"() ({
      %run_scoped3A = tpu.sem_alloc : memref<!tpu.dma_semaphore, #tpu.memory_space<semaphore_mem>>
      %dma_start3A_10 = arith.constant 0 : i32
      %dma_start3A_11 = tpu.memref_slice %arg3[%mul3A_2, %dma_start3A_10] : memref<106496x16xf32, #tpu.memory_space<hbm>> -> memref<3328x16xf32, #tpu.memory_space<hbm>>
      %dma_start3A_12 = arith.constant 0 : i32
      %dma_start3A_13 = tpu.memref_slice %arg3[%mul3A_2, %dma_start3A_12] : memref<106496x16xf32, #tpu.memory_space<hbm>> -> memref<3328x16xf32, #tpu.memory_space<hbm>>
      tpu.enqueue_dma source(%arg5 : memref<3328x16xf32, #tpu.memory_space<vmem>>) target(%dma_start3A_13 : memref<3328x16xf32, #tpu.memory_space<hbm>>) target_semaphore(%run_scoped3A : memref<!tpu.dma_semaphore, #tpu.memory_space<semaphore_mem>>)
      %dma_wait3A_14 = arith.constant 0 : i32
      %dma_wait3A_15 = tpu.memref_slice %arg3[%mul3A_2, %dma_wait3A_14] : memref<106496x16xf32, #tpu.memory_space<hbm>> -> memref<3328x16xf32, #tpu.memory_space<hbm>>
      %dma_wait3A_16 = arith.constant 0 : i32
      %dma_wait3A_17 = tpu.memref_slice %arg3[%mul3A_2, %dma_wait3A_16] : memref<106496x16xf32, #tpu.memory_space<hbm>> -> memref<3328x16xf32, #tpu.memory_space<hbm>>
      tpu.wait_dma2 semaphore(%run_scoped3A : memref<!tpu.dma_semaphore, #tpu.memory_space<semaphore_mem>>) src(%arg5 : memref<3328x16xf32, #tpu.memory_space<vmem>>) dst(%dma_wait3A_17 : memref<3328x16xf32, #tpu.memory_space<hbm>>)
      tpu.yield
    }) : () -> ()
    return
  }
}

module attributes {stable_mosaic.version = 14 : i64} {
  func.func @_combine_body(%arg0: i32, %arg1: memref<1x1xf32, #tpu.memory_space<smem>>, %arg2: memref<8192xf32, #tpu.memory_space<vmem>>, %arg3: memref<8192x128xf32, #tpu.memory_space<vmem>>, %arg4: memref<8192xf32, #tpu.memory_space<vmem>>) attributes {dimension_semantics = [#tpu.dimension_semantics<arbitrary>], iteration_bounds = array<i64: 13>, scalar_prefetch = 0 : i64, scratch_operands = 0 : i64, tpu.core_type = #tpu.core_type<tc>, window_params = [{transform_indices = @transform_0, window_bounds = array<i64: 1, 1>}, {transform_indices = @transform_1, window_bounds = array<i64: 8192>}, {transform_indices = @transform_2, window_bounds = array<i64: 8192, 128>}, {transform_indices = @transform_3, window_bounds = array<i64: 8192>}]} {
    %get3A = arith.constant 0 : index
    %get3A_0 = arith.constant 0 : index
    %get3A_1 = vector.load %arg3[%get3A, %get3A_0] : memref<8192x128xf32, #tpu.memory_space<vmem>>, vector<8192x128xf32>
    %get3A_2 = arith.constant 0 : index
    %get3A_3 = vector.load %arg2[%get3A_2] : memref<8192xf32, #tpu.memory_space<vmem>>, vector<8192xf32>
    %mul3A = arith.mulf %get3A_1, %get3A_1 : vector<8192x128xf32>
    %reduce_sum3A = arith.constant dense<0.000000e+00> : vector<8192xf32>
    %reduce_sum3A_4 = vector.multi_reduction <add>, %mul3A, %reduce_sum3A [1] : vector<8192x128xf32> to vector<8192xf32>
    %mul3A_5 = arith.constant 5.000000e-01 : f32
    %mul3A_6 = vector.broadcast %mul3A_5 : f32 to vector<8192xf32>
    %mul3A_7 = arith.mulf %mul3A_6, %reduce_sum3A_4 : vector<8192xf32>
    %sub3A = arith.subf %get3A_3, %mul3A_7 : vector<8192xf32>
    %get3A_8 = arith.constant 0 : index
    %get3A_9 = arith.constant 0 : index
    %get3A_10 = memref.load %arg1[%get3A_8, %get3A_9] : memref<1x1xf32, #tpu.memory_space<smem>>
    %add3A = vector.broadcast %get3A_10 : f32 to vector<8192xf32>
    %add3A_11 = arith.addf %sub3A, %add3A : vector<8192xf32>
    %swap3A = arith.constant 0 : index
    %swap3A_12 = vector.load %arg4[%swap3A] : memref<8192xf32, #tpu.memory_space<vmem>>, vector<8192xf32>
    tpu.vector_store %arg4[%swap3A], %add3A_11 {strides = array<i32>} : memref<8192xf32, #tpu.memory_space<vmem>>, vector<8192xf32>,
    return
  }
  func.func @transform_0(%arg0: i32) -> (i32, i32) {
    %c0_i32 = arith.constant 0 : i32
    %c0_i32_0 = arith.constant 0 : i32
    %c0_i32_1 = arith.constant 0 : i32
    return %c0_i32, %c0_i32_0 : i32, i32
  }
  func.func @transform_1(%arg0: i32) -> i32 {
    %c0_i32 = arith.constant 0 : i32
    return %arg0 : i32
  }
  func.func @transform_2(%arg0: i32) -> (i32, i32) {
    %c0_i32 = arith.constant 0 : i32
    %c0_i32_0 = arith.constant 0 : i32
    return %arg0, %c0_i32 : i32, i32
  }
  func.func @transform_3(%arg0: i32) -> i32 {
    %c0_i32 = arith.constant 0 : i32
    return %arg0 : i32
  }
}

module attributes {stable_mosaic.version = 14 : i64} {
  func.func @_epilogue_body(%arg0: i32, %arg1: memref<2048x128xf32, #tpu.memory_space<vmem>>, %arg2: memref<2048x16xf32, #tpu.memory_space<vmem>>, %arg3: memref<2048x1xf32, #tpu.memory_space<vmem>>) attributes {dimension_semantics = [#tpu.dimension_semantics<arbitrary>], iteration_bounds = array<i64: 8>, scalar_prefetch = 0 : i64, scratch_operands = 0 : i64, tpu.core_type = #tpu.core_type<tc>, window_params = [{transform_indices = @transform_0, window_bounds = array<i64: 2048, 128>}, {transform_indices = @transform_1, window_bounds = array<i64: 2048, 16>}, {transform_indices = @transform_2, window_bounds = array<i64: 2048, 1>}]} {
    %get3A = arith.constant 0 : index
    %get3A_0 = arith.constant 0 : index
    %get3A_1 = vector.load %arg1[%get3A, %get3A_0] : memref<2048x128xf32, #tpu.memory_space<vmem>>, vector<2048x128xf32>
    %get3A_2 = arith.constant 0 : index
    %get3A_3 = arith.constant 0 : index
    %get3A_4 = vector.load %arg2[%get3A_2, %get3A_3] : memref<2048x16xf32, #tpu.memory_space<vmem>>, vector<2048x1xf32>
    %mul3A = arith.mulf %get3A_1, %get3A_1 : vector<2048x128xf32>
    %reduce_sum3A = arith.constant dense<0.000000e+00> : vector<2048xf32>
    %reduce_sum3A_5 = vector.multi_reduction <add>, %mul3A, %reduce_sum3A [1] : vector<2048x128xf32> to vector<2048xf32>
    %broadcast_in_dim3A = vector.shape_cast %reduce_sum3A_5 : vector<2048xf32> to vector<2048x1xf32>
    %mul3A_6 = arith.constant 5.000000e-01 : f32
    %mul3A_7 = vector.broadcast %mul3A_6 : f32 to vector<2048x1xf32>
    %mul3A_8 = arith.mulf %mul3A_7, %broadcast_in_dim3A : vector<2048x1xf32>
    %add3A = arith.addf %get3A_4, %mul3A_8 : vector<2048x1xf32>
    %neg3A = arith.constant 0.000000e+00 : f32
    %neg3A_9 = vector.broadcast %neg3A : f32 to vector<2048x1xf32>
    %neg3A_10 = arith.subf %neg3A_9, %add3A : vector<2048x1xf32>
    %exp3A = math.exp %neg3A_10 : vector<2048x1xf32>
    %add3A_11 = arith.constant 1.000000e+00 : f32
    %add3A_12 = vector.broadcast %add3A_11 : f32 to vector<2048x1xf32>
    %add3A_13 = arith.addf %add3A_12, %exp3A : vector<2048x1xf32>
    %div3A = arith.constant 1.000000e+00 : f32
    %div3A_14 = vector.broadcast %div3A : f32 to vector<2048x1xf32>
    %div3A_15 = arith.divf %div3A_14, %add3A_13 : vector<2048x1xf32>
    %swap3A = arith.constant 0 : index
    %swap3A_16 = arith.constant 0 : index
    %swap3A_17 = vector.load %arg3[%swap3A, %swap3A_16] : memref<2048x1xf32, #tpu.memory_space<vmem>>, vector<2048x1xf32>
    tpu.vector_store %arg3[%swap3A, %swap3A_16], %div3A_15 {strides = array<i32>} : memref<2048x1xf32, #tpu.memory_space<vmem>>, vector<2048x1xf32>,
    return
  }
  func.func @transform_0(%arg0: i32) -> (i32, i32) {
    %c0_i32 = arith.constant 0 : i32
    %c0_i32_0 = arith.constant 0 : i32
    return %arg0, %c0_i32 : i32, i32
  }
  func.func @transform_1(%arg0: i32) -> (i32, i32) {
    %c0_i32 = arith.constant 0 : i32
    %c0_i32_0 = arith.constant 0 : i32
    return %arg0, %c0_i32 : i32, i32
  }
  func.func @transform_2(%arg0: i32) -> (i32, i32) {
    %c0_i32 = arith.constant 0 : i32
    %c0_i32_0 = arith.constant 0 : i32
    return %arg0, %c0_i32 : i32, i32
  }
}

</mosaic_0001>

<sc_bundles>
// kernel: kernel.6.cloned.1.call-start
scs
__scs_entry_jumppad:
0x0: {  	(pc) =	sbr.rel $0x88, $3  }
0x1: {  	(tag) =	ssettag $0x0;
	lr =	simm.s32 $0x1  }
0x2: {  	[smem:$0x3F9D] =	sst lr;
	_ =	strace $0xD0000000  }
0x3: {  	_ = 	snop  }
0x4: {  	_ = 	snop  }
0x5: {  	_ = 	snop  }
0x6: {  	_ = 	snop  }
0x7: {  	_ = 	snop  }
__scs_overlays_trampoline_lowered:
0x8: {  	[smem:$0x3FAC] =	sst s0  }
0x9: {  	[smem:$0x3FAD] =	sst s1  }
0xa: {  	[smem:$0x3FAE] =	sst s2  }
0xb: {  	[smem:$0x3FAF] =	sst s3  }
0xc: {  	[smem:$0x3FB0] =	sst s4  }
0xd: {  	[smem:$0x3FB1] =	sst s5  }
0xe: {  	[smem:$0x3FB2] =	sst s6  }
0xf: {  	[smem:$0x3FB3] =	sst s7  }
0x10: {  	[smem:$0x3FB4] =	sst s8  }
0x11: {  	[smem:$0x3FB5] =	sst s9;
	s0 =	simm.s32 @!p0 $0x0  }
0x12: {  	s1 =	sld [smem:$0x3F9B];
	s0 =	simm.s32 @p0 $0x1  }
0x13: {  	[smem:$0x3FB6] =	sst s0;
	s0 =	simm.s32 @!p1 $0x0  }
0x14: {  	s2 =	sld [smem:$0x3F9A];
	s0 =	simm.s32 @p1 $0x1  }
0x15: {  	[smem:$0x3FB7] =	sst s0;
	s0 =	simm.s32 @!p2 $0x0  }
0x16: {  	s3 =	sld [smem:$0x3FDB];
	s0 =	simm.s32 @p2 $0x1  }
0x17: {  	s4 =	simm.s32 $0x1BF5;
	[smem:$0x3FB9] =	sst s0  }
0x18: {  	s0 =	sld [smem:$0x3F9C];
	_ =	swait.ge [sflag:s4], $0x0  }
0x19: {  	s7 =	sld [smem:$0x3F9D]  }
0x1a: {  	s8 =	sadd.s32 $0xFFFFE003, lr  }
0x1b: {  	s9 =	sadd.s32 $0xFFFFFEF7, lr;
	s5 =	simm.s32 $0xFFFFFFFF;
	p2 =	slt.u32 s8, $0xFFFFF086  }
0x1c: {  	p1 =	slt.u32 s9, $0xF7A;
	s5 =	simm.s32 @!p2 $0x0  }
0x1d: {  	s5 =	simm.s32 @p1 $0x1;
	p0 =	seq.s32 s7, s2  }
0x1e: {  	s7 =	smul.u32 @!p0 $0xF7A, s2;
	p2 =	seq.s32 @!p0 s5, $0x0  }
0x1f: {  	s9 =	smul.u32 $0xF7A, s1;
	s8 =	simm.s32 @!p0 $0x1BF5;
	p2 =	por !p2, p0  }
0x20: {  	[sflag:s8] =	ssyncset.s32 @!p0 $0xFFFFF086;
	s6 =	sadd.s32 @!p0 s3, s7;
	s7 =	simm.s32 @!p0 $0x108  }
0x21: {  	s3 =	sadd.s32 s3, s9;
	s6 =	sadd.s32 @!p0 $0x88, s6;
	s7 =	simm.s32 @p2 $0x1082  }
0x22: {  	[simem:s7], [sflag:s8] =	dma.local @!p0 [hbm:s6], $0xF7A  }
0x23: {  	s9 =	sor.u32 $0xD0000000, s2;
	s6 =	simm.s32 $0x108;
	_ =	swait.ge @!p0 [sflag:s8], $0x0  }
0x24: {  	s3 =	sadd.s32 $0x88, s3;
	s6 =	simm.s32 @!p1 $0x1082;
	[sflag:s4] =	ssyncset.s32 $0xFFFFF086  }
0x25: {  	[simem:s6], [sflag:s4] =	dma.local [hbm:s3], $0xF7A  }
0x26: {  	[smem:$0x3F9D] =	sst s1;
	(tag) =	ssettag s2;
	_ =	strace s9  }
0x27: {  	s1 =	sld [smem:$0x3FAD]  }
0x28: {  	s2 =	sld [smem:$0x3FAE]  }
0x29: {  	s4 =	sld [smem:$0x3FB0]  }
0x2a: {  	p0 =	seq.s32 s5, $0x0;
	s5 =	sld [smem:$0x3FB1]  }
0x2b: {  	s6 =	sld [smem:$0x3FB2]  }
0x2c: {  	s7 =	sld [smem:$0x3FB3]  }
0x2d: {  	s3 =	simm.s32 $0x108;
	s8 =	sld [smem:$0x3FB4]  }
0x2e: {  	s3 =	simm.s32 @!p0 $0x1082;
	s9 =	sld [smem:$0x3FB5]  }
0x2f: {  	lr =	sadd.s32 s0, s3;
	s0 =	sld [smem:$0x3FAC]  }
0x30: {  	s3 =	sld [smem:$0x3FAF]  }
0x31: {  	[smem:$0x3FB8] =	sst s10  }
0x32: {  	s10 =	sld [smem:$0x3FB6];
	_ =	sdelay $0x3  }
0x33: {  	p0 =	seq.s32 s10, $0x1;
	s10 =	sld [smem:$0x3FB8];
	_ =	sdelay $0x3  }
0x34: {  	[smem:$0x3FB8] =	sst s10  }
0x35: {  	s10 =	sld [smem:$0x3FB7];
	_ =	sdelay $0x3  }
0x36: {  	p1 =	seq.s32 s10, $0x1;
	s10 =	sld [smem:$0x3FB8];
	_ =	sdelay $0x3  }
0x37: {  	[smem:$0x3FB8] =	sst s10  }
0x38: {  	s10 =	sld [smem:$0x3FB9]  }
0x39: {  	_ = 	snop;
	(pc) =	sbr.ind lr, $3  }
0x3a: {  	_ = 	snop  }
0x3b: {  	_ = 	snop  }
0x3c: {  	p2 =	seq.s32 s10, $0x1;
	s10 =	sld [smem:$0x3FB8]  }
0x3d: {  	_ =	shalt  }
0x3e: {  	_ =	shalt  }
0x3f: {  	_ =	shalt  }
0x40: {  	_ =	shalt  }
0x41: {  	_ =	shalt  }
0x42: {  	_ =	shalt  }
0x43: {  	_ =	shalt  }
0x44: {  	_ =	shalt  }
0x45: {  	_ =	shalt  }
0x46: {  	_ =	shalt  }
0x47: {  	_ =	shalt  }
0x48: {  	_ =	shalt  }
0x49: {  	_ =	shalt  }
0x4a: {  	_ =	shalt  }
0x4b: {  	_ =	shalt  }
0x4c: {  	_ =	shalt  }
0x4d: {  	_ =	shalt  }
0x4e: {  	_ =	shalt  }
0x4f: {  	_ =	shalt  }
0x50: {  	_ =	shalt  }
0x51: {  	_ =	shalt  }
0x52: {  	_ =	shalt  }
0x53: {  	_ =	shalt  }
0x54: {  	_ =	shalt  }
0x55: {  	_ =	shalt  }
0x56: {  	_ =	shalt  }
0x57: {  	_ =	shalt  }
0x58: {  	_ =	shalt  }
0x59: {  	_ =	shalt  }
0x5a: {  	_ =	shalt  }
0x5b: {  	_ =	shalt  }
0x5c: {  	_ =	shalt  }
0x5d: {  	_ =	shalt  }
0x5e: {  	_ =	shalt  }
0x5f: {  	_ =	shalt  }
0x60: {  	_ =	shalt  }
0x61: {  	_ =	shalt  }
0x62: {  	_ =	shalt  }
0x63: {  	_ =	shalt  }
0x64: {  	_ =	shalt  }
0x65: {  	_ =	shalt  }
0x66: {  	_ =	shalt  }
0x67: {  	_ =	shalt  }
0x68: {  	_ =	shalt  }
0x69: {  	_ =	shalt  }
0x6a: {  	_ =	shalt  }
0x6b: {  	_ =	shalt  }
0x6c: {  	_ =	shalt  }
0x6d: {  	_ =	shalt  }
0x6e: {  	_ =	shalt  }
0x6f: {  	_ =	shalt  }
0x70: {  	_ =	shalt  }
0x71: {  	_ =	shalt  }
0x72: {  	_ =	shalt  }
0x73: {  	_ =	shalt  }
0x74: {  	_ =	shalt  }
0x75: {  	_ =	shalt  }
0x76: {  	_ =	shalt  }
0x77: {  	_ =	shalt  }
0x78: {  	_ =	shalt  }
0x79: {  	_ =	shalt  }
0x7a: {  	_ =	shalt  }
0x7b: {  	_ =	shalt  }
0x7c: {  	_ =	shalt  }
0x7d: {  	_ =	shalt  }
0x7e: {  	_ =	shalt  }
0x7f: {  	_ =	shalt  }
0x80: {  	_ =	shalt  }
0x81: {  	_ =	shalt  }
0x82: {  	_ =	shalt  }
0x83: {  	_ =	shalt  }
0x84: {  	_ =	shalt  }
0x85: {  	_ =	shalt  }
0x86: {  	_ =	shalt  }
0x87: {  	_ =	shalt  }
.Lfunc_end0:
.L_simem_size_0:
called_computation_lowered:
.L_overlay_start_0:
0x88: {  	s2 =	sld [smem:$0x3FD9]  }
0x89: {  	s3 =	sld [smem:$0x3FFE];
	_ =	sdelay $0x1  }
0x8a: {  	s1 =	srdreg.scid  }
0x8b: {  	s0 =	sand.u32 $0x1, s1  }
0x8c: {  	s16 =	sshll.u32 s0, $0xA;
	s2 =	sadd.s32 s3, s2  }
0x8d: {  	s2 =	sadd.s32 s2, s16  }
0x8e: {  	[smem:$0x3FC4] =	sst s2  }
0x8f: {  	_ = 	snop  }
0x90: {  	(tm) =	ssettm $0x1  }
0x91: {  	s17 =	sld [smem:$0x3FFB];
	_ =	sdelay $0x3  }
0x92: {  	_ =	strace s17  }
0x93: {  	s2 =	sld [smem:$0x3FFC];
	_ =	sdelay $0x3  }
0x94: {  	_ =	strace s2  }
0x95: {  	s2 =	sld [smem:$0x3FFD];
	_ =	sdelay $0x3  }
0x96: {  	_ =	strace s2  }
0x97: {  	_ =	strace $0x8FFFFFFF  }
0x98: {  	s18 =	sld [smem:$0x3FDB];
	_ =	sdelay $0x1  }
0x99: {  	s19 =	simm.s32 $_scs_section_size  }
0x9a: {  	s4 =	simm.s32 $_size__tile_overlayer_lowered;
	s5 =	simm.s32 $_tile_overlayer_lowered  }
0x9b: {  	s22 =	simm.s32 $0x1BFF;
	s21 =	sshll.u32 s5, $0x1;
	s2 =	sadd.s32 s19, s18  }
0x9c: {  	s6 =	simm.s32 $0x0;
	s20 =	sshll.u32 s4, $0x1;
	s4 =	sadd.s32 s21, s2  }
0x9d: {  	[timem:s6], [sflag:s22] =	dma.local [hbm:s4], s20  }
0x9e: {  	_ =	swait.ge [sflag:s22], s20  }
0x9f: {  	s3 =	ssub.s32 $0x0, s20;
	[sflag:s22] =	ssyncset.done $0x0  }
0xa0: {  	[sflag:s22] =	ssyncadd.s32 s3;
	_ =	sdelay $0x1  }
0xa1: {  	s23 =	simm.s32 $0x1B8B  }
0xa2: {  	_ =	swait.ge [sflag:s23], $0x1  }
0xa3: {  	[sflag:s23] =	ssyncset.done $0x0  }
0xa4: {  	s25 =	simm.s32 $0x1B8E;
	s24 =	sld [smem:$0x3FFE];
	[sflag:s23] =	ssyncadd.s32 $0xFFFFFFFF  }
0xa5: {  	s26 =	simm.s32 $execute0_lowered;
	[smem:$0x3FD2] =	sst s25  }
0xa6: {  	s4 =	sshll.u32 s26, $0x1;
	_ =	strace $0x80000046;
	[dreg:$0x1] =	wrdreg $0xFFFFFFFF  }
0xa7: {  	s28 =	simm.s32 $_size_execute0_lowered;
	s2 =	sadd.s32 s2, s4;
	[dreg:$0x0] =	wrdreg $0x0  }
0xa8: {  	s4 =	sshll.u32 s28, $0x1;
	[dreg:$0x2] =	wrdreg s2  }
0xa9: {  	[dreg:$0x3] =	wrdreg s4  }
0xaa: {  	[dreg:$0x4] =	wrdreg $0xC0  }
0xab: {  	_ =	task [dreg:s6], $0x5FFFF  }
0xac: {  	[dreg:$0x1] =	wrdreg $0xFFFFFFFF  }
0xad: {  	[dreg:$0x0] =	wrdreg $0x60  }
0xae: {  	[dreg:$0x2] =	wrdreg s24  }
0xaf: {  	[dreg:$0x3] =	wrdreg $0x9  }
0xb0: {  	_ =	task.clear_ibuf [dreg:s6], $0x4FFFF;
	_ =	strace $0x90000046  }
0xb1: {  	s29 =	simm.s32 $0x9;
	_ =	strace $0x80000048  }
0xb2: {  	_ =	swait.ge [sflag:s29], $0x1  }
0xb3: {  	[sflag:s29] =	ssyncadd.s32 $0xFFFFFFFF  }
0xb4: {  	_ =	strace $0x90000048  }
0xb5: {  	_ =	sfence  }
0xb6: {  	s30 =	sld [smem:$0x0];
	_ =	sdelay $0x2  }
0xb7: {  	s31 =	sshll.u32 s1, $0xD;
	s1 =	sshrl.u32 s1, $0x2  }
0xb8: {  	s3 =	sand.u32 $0x4000, s31;
	s1 =	sadd.s32 s1, s30  }
0xb9: {  	s0 =	sor.u32 s3, s0;
	s1 =	sshll.u32 s1, $0x11  }
0xba: {  	s0 =	sor.u32 s1, s0  }
0xbb: {  	s0 =	sadd.s32 $0x8F2B, s0  }
0xbc: {  	[sflag:s0] =	ssyncadd.remote.s32 $0x1  }
0xbd: {  	_ =	sfence.sel $0xFFFF  }
0xbe: {  	[dreg:$0x0] =	wrdreg $0xFFFFFFFF;
	(pc) =	sbr.abs _section_cstart, $3  }
0xbf: {  	[dreg:$0x1] =	wrdreg $0xFFFFFFFF  }
0xc0: {  	_ =	task.clear_ibuf [dreg:s6], $0x2FFFF;
	_ =	strace $0x9FFFFFFF  }
0xc1: {  	(tm) =	ssettm $0x7FFFFFFF  }
tec
execute0_lowered:
.L_overlay_start_1:
0x0: {  	(tag) =	ssettag $0x1  }
0x1: {  	s1 =	srdreg.scid  }
0x2: {  	s0 =	stileid.u32;
	s4 =	rddreg [dreg:$0x0]  }
0x3: {  	s2 =	simm.s32 $0x0;
	s3 =	sand.u32 $0x1, s1;
	s30 =	sshll.u32 s0, $0x1  }
0x4: {  	s8 =	simm.s32 $0x2;
	s9 =	simm.s32 $0x0;
	s5 =	sor.u32 s3, s30  }
0x5: {  	s1 =	rddreg [dreg:$0x1];
	s3 =	ssub.s32 $0x2, s3;
	s6 =	smul.u32 $0x1A0, s5  }
0x6: {  	[smem:$0x7FF] =	sst s2;
	s5 =	smul.u32 $0x1A00, s5;
	s7 =	sshrl.u32 s3, $0x1  }
0x7: {  	_ =	strace $0x80000047;
	s31 =	ssub.s32 s3, s7;
	s7 =	simm.s32 $0xD00  }
0x8: {  	s6 =	sadd.s32 s6, s4;
	s4 =	sadd.s32 s5, s4;
	s5 =	smax.u32 s31, $0x1  }
0x9: {  	s3 =	sadd.s32 $0x800, s6;
	s4 =	sadd.s32 $0x3C00, s4;
	s6 =	simm.s32 $0x1  }
.LBB2_1:
0xa: {  	[tilespmem:s2], [sflag:$0x1] =	stream.linear.gather [hbm4b:s3+s2], $0xD00, $0x38;
	[tilespmem:$0xDD00] =	vst v63  }
0xb: {  	_ =	swait.ge [sflag:s6], $0xD00  }
0xc: {  	[sflag:s6] =	ssyncset.done $0x0  }
0xd: {  	s10 =	simm.s32 $0x0;
	[sflag:s6] =	ssyncadd.s32 $0xFFFFF300  }
0xe: {  	v0 =	vld [tilespmem:s10+$0x0];
	_ =	sdelay $0x4  }
0xf: {  	v1 =	vbroadcast v0, $0x0  }
0x10: {  	s10 =	simm.s32 $0xD80;
	v2 =	vbroadcast v0, $0x1  }
0x11: {  	v3 =	vbroadcast v0, $0x2;
	[tilespmem:s10+$0xFFFFFF80] =	vst v1  }
0x12: {  	v52 =	vbroadcast v0, $0x3;
	[tilespmem:s10+$0xFFFFFF90] =	vst v2  }
0x13: {  	v53 =	vbroadcast v0, $0x4;
	[tilespmem:s10+$0xFFFFFFA0] =	vst v3  }
0x14: {  	v54 =	vbroadcast v0, $0x5;
	[tilespmem:s10+$0xFFFFFFB0] =	vst v52  }
0x15: {  	v55 =	vbroadcast v0, $0x6;
	[tilespmem:s10+$0xFFFFFFC0] =	vst v53  }
0x16: {  	v56 =	vbroadcast v0, $0x7;
	[tilespmem:s10+$0xFFFFFFD0] =	vst v54  }
0x17: {  	v57 =	vbroadcast v0, $0x8;
	[tilespmem:s10+$0xFFFFFFE0] =	vst v55  }
0x18: {  	v58 =	vbroadcast v0, $0x9;
	[tilespmem:s10+$0xFFFFFFF0] =	vst v56  }
0x19: {  	v59 =	vbroadcast v0, $0xA;
	[tilespmem:s10+$0x0] =	vst v57  }
0x1a: {  	v60 =	vbroadcast v0, $0xB;
	[tilespmem:s10+$0x10] =	vst v58  }
0x1b: {  	v61 =	vbroadcast v0, $0xC;
	[tilespmem:s10+$0x20] =	vst v59  }
0x1c: {  	v62 =	vbroadcast v0, $0xD;
	[tilespmem:s10+$0x30] =	vst v60  }
0x1d: {  	v63 =	vbroadcast v0, $0xE;
	[tilespmem:s10+$0x40] =	vst v61  }
0x1e: {  	v0 =	vbroadcast v0, $0xF;
	[tilespmem:s10+$0x50] =	vst v62  }
0x1f: {  	[tilespmem:s10+$0x60] =	vst v63  }
0x20: {  	s12 =	simm.s32 $0x10;
	s11 =	simm.s32 $0x80;
	[tilespmem:s10+$0x70] =	vst v0  }
.LBB2_2:
0x21: {  	p0 =	sne.s32 s11, $0x33C0;
	v0 =	vld [tilespmem:s12+$0x0];
	_ =	sdelay $0x4  }
0x22: {  	v1 =	vbroadcast v0, $0x0;
	v2 =	vbroadcast v0, $0x1  }
0x23: {  	s10 =	sadd.s32 $0x100, s10;
	v3 =	vbroadcast v0, $0x2;
	v4 =	vbroadcast v0, $0x3  }
0x24: {  	v5 =	vbroadcast v0, $0x5;
	[tilespmem:s10+$0xFFFFFF80] =	vst v1;
	v1 =	vbroadcast v0, $0x4  }
0x25: {  	v6 =	vbroadcast v0, $0x7;
	[tilespmem:s10+$0xFFFFFF90] =	vst v2;
	v2 =	vbroadcast v0, $0x6  }
0x26: {  	v7 =	vbroadcast v0, $0x9;
	[tilespmem:s10+$0xFFFFFFA0] =	vst v3;
	v3 =	vbroadcast v0, $0x8  }
0x27: {  	v8 =	vbroadcast v0, $0xB;
	[tilespmem:s10+$0xFFFFFFB0] =	vst v4;
	v4 =	vbroadcast v0, $0xA  }
0x28: {  	v9 =	vbroadcast v0, $0xD;
	[tilespmem:s10+$0xFFFFFFC0] =	vst v1;
	v1 =	vbroadcast v0, $0xC  }
0x29: {  	[tilespmem:s10+$0xFFFFFFD0] =	vst v5;
	v5 =	vbroadcast v0, $0xE;
	v0 =	vbroadcast v0, $0xF  }
0x2a: {  	[tilespmem:s10+$0xFFFFFFE0] =	vst v2  }
0x2b: {  	[tilespmem:s10+$0xFFFFFFF0] =	vst v6  }
0x2c: {  	[tilespmem:s10+$0x0] =	vst v3  }
0x2d: {  	[tilespmem:s10+$0x10] =	vst v7  }
0x2e: {  	[tilespmem:s10+$0x20] =	vst v4  }
.Ltmp0:
0x2f: {  	[tilespmem:s10+$0x30] =	vst v8;
	(pc) =	sbr.rel @p0 .LBB2_2-.Ltmp0, $4  }
0x30: {  	[tilespmem:s10+$0x40] =	vst v1  }
0x31: {  	[tilespmem:s10+$0x50] =	vst v9  }
0x32: {  	[tilespmem:s10+$0x60] =	vst v5  }
0x33: {  	s12 =	sshra.s32 s11, $0x2;
	s11 =	sadd.s32 $0x40, s11;
	[tilespmem:s10+$0x70] =	vst v0  }
0x34: {  	v0 =	vld [tilespmem:s12+$0x0];
	_ =	sdelay $0x4  }
0x35: {  	v1 =	vbroadcast v0, $0x0  }
0x36: {  	s10 =	sadd.s32 $0x100, s10;
	v2 =	vbroadcast v0, $0x1  }
0x37: {  	v3 =	vbroadcast v0, $0x2;
	[tilespmem:s10+$0xFFFFFF80] =	vst v1  }
0x38: {  	v52 =	vbroadcast v0, $0x3;
	[tilespmem:s10+$0xFFFFFF90] =	vst v2  }
0x39: {  	v53 =	vbroadcast v0, $0x4;
	[tilespmem:s10+$0xFFFFFFA0] =	vst v3  }
0x3a: {  	v54 =	vbroadcast v0, $0x5;
	[tilespmem:s10+$0xFFFFFFB0] =	vst v52  }
0x3b: {  	v55 =	vbroadcast v0, $0x6;
	[tilespmem:s10+$0xFFFFFFC0] =	vst v53  }
0x3c: {  	v56 =	vbroadcast v0, $0x7;
	[tilespmem:s10+$0xFFFFFFD0] =	vst v54  }
0x3d: {  	v57 =	vbroadcast v0, $0x8;
	[tilespmem:s10+$0xFFFFFFE0] =	vst v55  }
0x3e: {  	v58 =	vbroadcast v0, $0x9;
	[tilespmem:s10+$0xFFFFFFF0] =	vst v56  }
0x3f: {  	v59 =	vbroadcast v0, $0xA;
	[tilespmem:s10+$0x0] =	vst v57  }
0x40: {  	v60 =	vbroadcast v0, $0xB;
	[tilespmem:s10+$0x10] =	vst v58  }
0x41: {  	v61 =	vbroadcast v0, $0xC;
	[tilespmem:s10+$0x20] =	vst v59  }
0x42: {  	v62 =	vbroadcast v0, $0xD;
	[tilespmem:s10+$0x30] =	vst v60  }
0x43: {  	v63 =	vbroadcast v0, $0xE;
	[tilespmem:s10+$0x40] =	vst v61  }
0x44: {  	s9 =	sadd.s32 $0x1, s9;
	v0 =	vbroadcast v0, $0xF;
	[tilespmem:s10+$0x50] =	vst v62  }
0x45: {  	p0 =	sne.s32 s9, s5;
	[tilespmem:s10+$0x60] =	vst v63  }
.Ltmp1:
0x46: {  	[tilespmem:s10+$0x70] =	vst v0;
	(pc) =	sbr.rel @p0 .LBB2_1-.Ltmp1, $4  }
0x47: {  	[hbm4b:s4+s2] =	stream.linear.scatter [tilespmem:s7], [sflag:$0x2], $0xD000, $0x38;
	[tilespmem:$0xDD00] =	vst v63  }
0x48: {  	_ =	swait.ge [sflag:s8], $0xD000  }
0x49: {  	[sflag:s8] =	ssyncset.done $0x0  }
0x4a: {  	[sflag:s8] =	ssyncadd.s32 $0xFFFF3000  }
0x4b: {  	_ =	sfence.sel $0x180000  }
0x4c: {  	[bflag:$0x0] =	sbarrier.arrive $0xFFFF  }
0x4d: {  	p0 =	sne.s32 s0, $0x0;
	_ =	strace $0x90000047  }
0x4e: {  	s0 =	sadd.s32 @!p0 $0x100000, s1;
	[bflag:$0x2] =	sbarrier.arrive $0xFFFF  }
0x4f: {  	[sflag:s0] =	ssyncadd.tile.s32 @!p0 $0x1;
	_ =	shalt  }
.Lfunc_end2:
_tile_overlayer_lowered:
.L_overlay_start_2:
0x50: {  	(tag) =	ssettag $0x2  }
0x51: {  	s0 =	rddreg [dreg:$0x0];
	s2 =	stileid.u32  }
0x52: {  	s1 =	rddreg [dreg:$0x1];
	p0 =	sne.s32 s2, $0x0  }
0x53: {  	s3 =	rddreg [dreg:$0x2];
	[bflag:$0x3] =	sbarrier.arrive $0xFFFF;
	s2 =	simm.s32 @!p0 $0x1C02  }
0x54: {  	[timem:s3], [sflag:s2] =	dma.local @!p0 [hbm:s0], s1  }
0x55: {  	s0 =	simm.s32 @!p0 $0x2  }
0x56: {  	_ =	swait.ge @!p0 [sflag:s0], s1  }
0x57: {  	s1 =	ssub.s32 @!p0 $0x0, s1;
	[sflag:s0] =	ssyncset.done @!p0 $0x0  }
0x58: {  	[sflag:s0] =	ssyncadd.s32 @!p0 s1  }
0x59: {  	[bflag:$0x3] =	sbarrier.arrive $0xFFFF  }
0x5a: {  	_ =	shalt  }

// kernel: kernel.9.cloned.1.call-start
scs
__scs_entry_jumppad:
0x0: {  	(pc) =	sbr.rel $0x88, $3  }
0x1: {  	(tag) =	ssettag $0x0;
	lr =	simm.s32 $0x1  }
0x2: {  	[smem:$0x3F9D] =	sst lr;
	_ =	strace $0xD0000000  }
0x3: {  	_ = 	snop  }
0x4: {  	_ = 	snop  }
0x5: {  	_ = 	snop  }
0x6: {  	_ = 	snop  }
0x7: {  	_ = 	snop  }
__scs_overlays_trampoline_lowered:
0x8: {  	[smem:$0x3FAC] =	sst s0  }
0x9: {  	[smem:$0x3FAD] =	sst s1  }
0xa: {  	[smem:$0x3FAE] =	sst s2  }
0xb: {  	[smem:$0x3FAF] =	sst s3  }
0xc: {  	[smem:$0x3FB0] =	sst s4  }
0xd: {  	[smem:$0x3FB1] =	sst s5  }
0xe: {  	[smem:$0x3FB2] =	sst s6  }
0xf: {  	[smem:$0x3FB3] =	sst s7  }
0x10: {  	[smem:$0x3FB4] =	sst s8  }
0x11: {  	[smem:$0x3FB5] =	sst s9;
	s0 =	simm.s32 @!p0 $0x0  }
0x12: {  	s1 =	sld [smem:$0x3F9B];
	s0 =	simm.s32 @p0 $0x1  }
0x13: {  	[smem:$0x3FB6] =	sst s0;
	s0 =	simm.s32 @!p1 $0x0  }
0x14: {  	s2 =	sld [smem:$0x3F9A];
	s0 =	simm.s32 @p1 $0x1  }
0x15: {  	[smem:$0x3FB7] =	sst s0;
	s0 =	simm.s32 @!p2 $0x0  }
0x16: {  	s3 =	sld [smem:$0x3FDB];
	s0 =	simm.s32 @p2 $0x1  }
0x17: {  	s4 =	simm.s32 $0x1BF5;
	[smem:$0x3FB9] =	sst s0  }
0x18: {  	s0 =	sld [smem:$0x3F9C];
	_ =	swait.ge [sflag:s4], $0x0  }
0x19: {  	s7 =	sld [smem:$0x3F9D]  }
0x1a: {  	s8 =	sadd.s32 $0xFFFFE003, lr  }
0x1b: {  	s9 =	sadd.s32 $0xFFFFFEF7, lr;
	s5 =	simm.s32 $0xFFFFFFFF;
	p2 =	slt.u32 s8, $0xFFFFF086  }
0x1c: {  	p1 =	slt.u32 s9, $0xF7A;
	s5 =	simm.s32 @!p2 $0x0  }
0x1d: {  	s5 =	simm.s32 @p1 $0x1;
	p0 =	seq.s32 s7, s2  }
0x1e: {  	s7 =	smul.u32 @!p0 $0xF7A, s2;
	p2 =	seq.s32 @!p0 s5, $0x0  }
0x1f: {  	s9 =	smul.u32 $0xF7A, s1;
	s8 =	simm.s32 @!p0 $0x1BF5;
	p2 =	por !p2, p0  }
0x20: {  	[sflag:s8] =	ssyncset.s32 @!p0 $0xFFFFF086;
	s6 =	sadd.s32 @!p0 s3, s7;
	s7 =	simm.s32 @!p0 $0x108  }
0x21: {  	s3 =	sadd.s32 s3, s9;
	s6 =	sadd.s32 @!p0 $0x88, s6;
	s7 =	simm.s32 @p2 $0x1082  }
0x22: {  	[simem:s7], [sflag:s8] =	dma.local @!p0 [hbm:s6], $0xF7A  }
0x23: {  	s9 =	sor.u32 $0xD0000000, s2;
	s6 =	simm.s32 $0x108;
	_ =	swait.ge @!p0 [sflag:s8], $0x0  }
0x24: {  	s3 =	sadd.s32 $0x88, s3;
	s6 =	simm.s32 @!p1 $0x1082;
	[sflag:s4] =	ssyncset.s32 $0xFFFFF086  }
0x25: {  	[simem:s6], [sflag:s4] =	dma.local [hbm:s3], $0xF7A  }
0x26: {  	[smem:$0x3F9D] =	sst s1;
	(tag) =	ssettag s2;
	_ =	strace s9  }
0x27: {  	s1 =	sld [smem:$0x3FAD]  }
0x28: {  	s2 =	sld [smem:$0x3FAE]  }
0x29: {  	s4 =	sld [smem:$0x3FB0]  }
0x2a: {  	p0 =	seq.s32 s5, $0x0;
	s5 =	sld [smem:$0x3FB1]  }
0x2b: {  	s6 =	sld [smem:$0x3FB2]  }
0x2c: {  	s7 =	sld [smem:$0x3FB3]  }
0x2d: {  	s3 =	simm.s32 $0x108;
	s8 =	sld [smem:$0x3FB4]  }
0x2e: {  	s3 =	simm.s32 @!p0 $0x1082;
	s9 =	sld [smem:$0x3FB5]  }
0x2f: {  	lr =	sadd.s32 s0, s3;
	s0 =	sld [smem:$0x3FAC]  }
0x30: {  	s3 =	sld [smem:$0x3FAF]  }
0x31: {  	[smem:$0x3FB8] =	sst s10  }
0x32: {  	s10 =	sld [smem:$0x3FB6];
	_ =	sdelay $0x3  }
0x33: {  	p0 =	seq.s32 s10, $0x1;
	s10 =	sld [smem:$0x3FB8];
	_ =	sdelay $0x3  }
0x34: {  	[smem:$0x3FB8] =	sst s10  }
0x35: {  	s10 =	sld [smem:$0x3FB7];
	_ =	sdelay $0x3  }
0x36: {  	p1 =	seq.s32 s10, $0x1;
	s10 =	sld [smem:$0x3FB8];
	_ =	sdelay $0x3  }
0x37: {  	[smem:$0x3FB8] =	sst s10  }
0x38: {  	s10 =	sld [smem:$0x3FB9]  }
0x39: {  	_ = 	snop;
	(pc) =	sbr.ind lr, $3  }
0x3a: {  	_ = 	snop  }
0x3b: {  	_ = 	snop  }
0x3c: {  	p2 =	seq.s32 s10, $0x1;
	s10 =	sld [smem:$0x3FB8]  }
0x3d: {  	_ =	shalt  }
0x3e: {  	_ =	shalt  }
0x3f: {  	_ =	shalt  }
0x40: {  	_ =	shalt  }
0x41: {  	_ =	shalt  }
0x42: {  	_ =	shalt  }
0x43: {  	_ =	shalt  }
0x44: {  	_ =	shalt  }
0x45: {  	_ =	shalt  }
0x46: {  	_ =	shalt  }
0x47: {  	_ =	shalt  }
0x48: {  	_ =	shalt  }
0x49: {  	_ =	shalt  }
0x4a: {  	_ =	shalt  }
0x4b: {  	_ =	shalt  }
0x4c: {  	_ =	shalt  }
0x4d: {  	_ =	shalt  }
0x4e: {  	_ =	shalt  }
0x4f: {  	_ =	shalt  }
0x50: {  	_ =	shalt  }
0x51: {  	_ =	shalt  }
0x52: {  	_ =	shalt  }
0x53: {  	_ =	shalt  }
0x54: {  	_ =	shalt  }
0x55: {  	_ =	shalt  }
0x56: {  	_ =	shalt  }
0x57: {  	_ =	shalt  }
0x58: {  	_ =	shalt  }
0x59: {  	_ =	shalt  }
0x5a: {  	_ =	shalt  }
0x5b: {  	_ =	shalt  }
0x5c: {  	_ =	shalt  }
0x5d: {  	_ =	shalt  }
0x5e: {  	_ =	shalt  }
0x5f: {  	_ =	shalt  }
0x60: {  	_ =	shalt  }
0x61: {  	_ =	shalt  }
0x62: {  	_ =	shalt  }
0x63: {  	_ =	shalt  }
0x64: {  	_ =	shalt  }
0x65: {  	_ =	shalt  }
0x66: {  	_ =	shalt  }
0x67: {  	_ =	shalt  }
0x68: {  	_ =	shalt  }
0x69: {  	_ =	shalt  }
0x6a: {  	_ =	shalt  }
0x6b: {  	_ =	shalt  }
0x6c: {  	_ =	shalt  }
0x6d: {  	_ =	shalt  }
0x6e: {  	_ =	shalt  }
0x6f: {  	_ =	shalt  }
0x70: {  	_ =	shalt  }
0x71: {  	_ =	shalt  }
0x72: {  	_ =	shalt  }
0x73: {  	_ =	shalt  }
0x74: {  	_ =	shalt  }
0x75: {  	_ =	shalt  }
0x76: {  	_ =	shalt  }
0x77: {  	_ =	shalt  }
0x78: {  	_ =	shalt  }
0x79: {  	_ =	shalt  }
0x7a: {  	_ =	shalt  }
0x7b: {  	_ =	shalt  }
0x7c: {  	_ =	shalt  }
0x7d: {  	_ =	shalt  }
0x7e: {  	_ =	shalt  }
0x7f: {  	_ =	shalt  }
0x80: {  	_ =	shalt  }
0x81: {  	_ =	shalt  }
0x82: {  	_ =	shalt  }
0x83: {  	_ =	shalt  }
0x84: {  	_ =	shalt  }
0x85: {  	_ =	shalt  }
0x86: {  	_ =	shalt  }
0x87: {  	_ =	shalt  }
.Lfunc_end0:
.L_simem_size_0:
called_computation.1_lowered:
.L_overlay_start_0:
0x88: {  	s2 =	sld [smem:$0x3FD9]  }
0x89: {  	s3 =	sld [smem:$0x3FFE];
	_ =	sdelay $0x1  }
0x8a: {  	s1 =	srdreg.scid  }
0x8b: {  	s0 =	sand.u32 $0x1, s1  }
0x8c: {  	s17 =	sshll.u32 s0, $0xA;
	s2 =	sadd.s32 s3, s2  }
0x8d: {  	s2 =	sadd.s32 s2, s17  }
0x8e: {  	[smem:$0x3FC4] =	sst s2  }
0x8f: {  	_ = 	snop  }
0x90: {  	s2 =	sld [smem:$0x3FC6];
	(tm) =	ssettm $0x1  }
0x91: {  	s18 =	sld [smem:$0x3FFB];
	_ =	sdelay $0x3  }
0x92: {  	_ =	strace s18  }
0x93: {  	s3 =	sld [smem:$0x3FFC];
	_ =	sdelay $0x3  }
0x94: {  	_ =	strace s3  }
0x95: {  	s3 =	sld [smem:$0x3FFD];
	_ =	sdelay $0x3  }
0x96: {  	_ =	strace s3  }
0x97: {  	_ =	strace $0x8FFFFFFF  }
0x98: {  	s19 =	sld [smem:$0x3FDB];
	_ =	sdelay $0x1  }
0x99: {  	s4 =	simm.s32 $_scs_section_size  }
0x9a: {  	s5 =	simm.s32 $_size__tile_overlayer_lowered;
	s6 =	simm.s32 $_tile_overlayer_lowered  }
0x9b: {  	s22 =	simm.s32 $0x1BFF;
	s21 =	sshll.u32 s6, $0x1;
	s3 =	sadd.s32 s4, s19  }
0x9c: {  	s7 =	simm.s32 $0x0;
	s20 =	sshll.u32 s5, $0x1;
	s5 =	sadd.s32 s21, s3  }
0x9d: {  	[timem:s7], [sflag:s22] =	dma.local [hbm:s5], s20  }
0x9e: {  	_ =	swait.ge [sflag:s22], s20  }
0x9f: {  	s4 =	ssub.s32 $0x0, s20;
	[sflag:s22] =	ssyncset.done $0x0  }
0xa0: {  	[sflag:s22] =	ssyncadd.s32 s4;
	_ =	sdelay $0x1  }
0xa1: {  	s23 =	simm.s32 $0x1B8B  }
0xa2: {  	_ =	swait.ge [sflag:s23], $0x1  }
0xa3: {  	[sflag:s23] =	ssyncset.done $0x0  }
0xa4: {  	s25 =	simm.s32 $0x1B8E;
	s24 =	sld [smem:$0x3FFE];
	[sflag:s23] =	ssyncadd.s32 $0xFFFFFFFF  }
0xa5: {  	s26 =	simm.s32 $execute0_lowered;
	[smem:$0x3FD2] =	sst s25  }
0xa6: {  	s5 =	sshll.u32 s26, $0x1;
	_ =	strace $0x80000049;
	[dreg:$0x1] =	wrdreg $0xFFFFFFFF  }
0xa7: {  	s28 =	simm.s32 $_size_execute0_lowered;
	s3 =	sadd.s32 s3, s5;
	[dreg:$0x0] =	wrdreg $0x0  }
0xa8: {  	s5 =	sshll.u32 s28, $0x1;
	[dreg:$0x2] =	wrdreg s3  }
0xa9: {  	[dreg:$0x3] =	wrdreg s5  }
0xaa: {  	[dreg:$0x4] =	wrdreg $0xC0  }
0xab: {  	_ =	task [dreg:s7], $0x5FFFF  }
0xac: {  	[dreg:$0x1] =	wrdreg $0xFFFFFFFF  }
0xad: {  	[dreg:$0x0] =	wrdreg $0x60  }
0xae: {  	[dreg:$0x2] =	wrdreg s24  }
0xaf: {  	[dreg:$0x3] =	wrdreg s2  }
0xb0: {  	[dreg:$0x4] =	wrdreg $0x9  }
0xb1: {  	_ =	task.clear_ibuf [dreg:s7], $0x5FFFF;
	_ =	strace $0x90000049  }
0xb2: {  	s29 =	simm.s32 $0x9;
	_ =	strace $0x8000004B  }
0xb3: {  	_ =	swait.ge [sflag:s29], $0x1  }
0xb4: {  	[sflag:s29] =	ssyncadd.s32 $0xFFFFFFFF  }
0xb5: {  	_ =	strace $0x9000004B  }
0xb6: {  	_ =	sfence  }
0xb7: {  	s30 =	sld [smem:$0x0];
	_ =	sdelay $0x2  }
0xb8: {  	s31 =	sshll.u32 s1, $0xD;
	s1 =	sshrl.u32 s1, $0x2  }
0xb9: {  	s3 =	sand.u32 $0x4000, s31;
	s1 =	sadd.s32 s1, s30  }
0xba: {  	s0 =	sor.u32 s3, s0;
	s1 =	sshll.u32 s1, $0x11  }
0xbb: {  	s0 =	sor.u32 s1, s0  }
0xbc: {  	s0 =	sadd.s32 $0x8F2B, s0  }
0xbd: {  	[sflag:s0] =	ssyncadd.remote.s32 $0x1  }
0xbe: {  	_ =	sfence.sel $0xFFFF  }
0xbf: {  	[dreg:$0x0] =	wrdreg $0xFFFFFFFF;
	(pc) =	sbr.abs _section_cstart, $3  }
0xc0: {  	[dreg:$0x1] =	wrdreg $0xFFFFFFFF  }
0xc1: {  	_ =	task.clear_ibuf [dreg:s7], $0x2FFFF;
	_ =	strace $0x9FFFFFFF  }
0xc2: {  	(tm) =	ssettm $0x7FFFFFFF  }
0xc3: {  	_ =	shalt  }
tec
execute0_lowered:
.L_overlay_start_1:
0x0: {  	(tag) =	ssettag $0x1  }
0x1: {  	s1 =	srdreg.scid;
	s4 =	stileid.u32  }
0x2: {  	s1 =	sand.u32 $0x1, s1;
	s4 =	sshll.u32 s4, $0x1  }
0x3: {  	s0 =	rddreg [dreg:$0x0];
	s5 =	sor.u32 s1, s4  }
0x4: {  	s2 =	rddreg [dreg:$0x1];
	s1 =	ssub.s32 $0x2, s1;
	s4 =	sshll.u32 s5, $0x6  }
0x5: {  	s3 =	simm.s32 $0x0;
	s8 =	sshrl.u32 s1, $0x1;
	s6 =	sadd.s32 s4, s0  }
0x6: {  	[smem:$0x7FF] =	sst s3;
	s8 =	ssub.s32 s1, s8;
	s1 =	sadd.s32 $0x37C00, s6  }
0x7: {  	_ =	strace $0x8000004A;
	s9 =	sadd.s32 $0x38400, s6;
	[dreg:$0x3] =	wrdreg s1  }
0x8: {  	s10 =	sadd.s32 $0x38C00, s6;
	[dreg:$0x4] =	wrdreg s9  }
0x9: {  	s11 =	sadd.s32 $0x39400, s6;
	[dreg:$0x5] =	wrdreg s10  }
0xa: {  	s12 =	sadd.s32 $0x39C00, s6;
	[dreg:$0x6] =	wrdreg s11  }
0xb: {  	s13 =	sadd.s32 $0x3A400, s6;
	[dreg:$0x7] =	wrdreg s12  }
0xc: {  	s14 =	sadd.s32 $0x3AC00, s6;
	[dreg:$0x8] =	wrdreg s13  }
0xd: {  	s15 =	sadd.s32 $0x3B400, s6;
	[dreg:$0x9] =	wrdreg s14  }
0xe: {  	s16 =	sadd.s32 $0x3BC00, s6;
	[dreg:$0xa] =	wrdreg s15  }
0xf: {  	s7 =	sshll.u32 s5, $0xD;
	s17 =	sadd.s32 $0x3C400, s6;
	[dreg:$0xb] =	wrdreg s16  }
0x10: {  	s5 =	sshll.u32 s5, $0xA;
	s18 =	sadd.s32 $0x3CC00, s6;
	[dreg:$0xc] =	wrdreg s17  }
0x11: {  	s4 =	sadd.s32 $0x3C00, s0;
	s19 =	sadd.s32 $0x3D400, s6;
	[dreg:$0xd] =	wrdreg s18  }
0x12: {  	s7 =	sadd.s32 s7, s0;
	s20 =	sadd.s32 $0x3DC00, s6;
	[dreg:$0xe] =	wrdreg s19  }
0x13: {  	s5 =	sadd.s32 s5, s0;
	s21 =	sadd.s32 $0x3E400, s6;
	[dreg:$0xf] =	wrdreg s20  }
0x14: {  	s22 =	sadd.s32 $0x3EC00, s6;
	s23 =	sadd.s32 $0x3F400, s6;
	[dreg:$0x10] =	wrdreg s21  }
0x15: {  	s24 =	sadd.s32 $0x3FC00, s6;
	s25 =	sadd.s32 $0x40400, s6;
	[dreg:$0x11] =	wrdreg s22  }
0x16: {  	s26 =	sadd.s32 $0x40C00, s6;
	s28 =	sadd.s32 $0x42C00, s6;
	[dreg:$0x12] =	wrdreg s23  }
0x17: {  	s29 =	sadd.s32 $0x43400, s6;
	s30 =	sadd.s32 $0x43C00, s6;
	[dreg:$0x13] =	wrdreg s24  }
0x18: {  	s31 =	sadd.s32 $0x44400, s6;
	s0 =	sadd.s32 $0x4CC00, s7;
	[dreg:$0x14] =	wrdreg s25  }
0x19: {  	s7 =	simm.s32 $0x80;
	[dreg:$0x15] =	wrdreg s26;
	s24 =	sadd.s32 $0x41400, s6  }
0x1a: {  	s25 =	sadd.s32 $0x41C00, s6;
	s26 =	sadd.s32 $0x42400, s6;
	s1 =	sadd.s32 $0x44C00, s5  }
0x1b: {  	s5 =	smax.u32 s8, $0x1;
	s6 =	simm.s32 $0x1;
	s8 =	simm.s32 $0x3400  }
0x1c: {  	s9 =	simm.s32 $0x13400;
	s10 =	simm.s32 $0x7400;
	s11 =	simm.s32 $0x13C00  }
0x1d: {  	s12 =	simm.s32 $0x100;
	s13 =	simm.s32 $0xB400;
	s14 =	simm.s32 $0x14400  }
0x1e: {  	s15 =	simm.s32 $0x180;
	s16 =	simm.s32 $0xF400;
	s17 =	simm.s32 $0x14C00  }
0x1f: {  	v0 =	vimm.f32 $0.0e+00;
	s18 =	simm.s32 $0x2;
	s19 =	simm.s32 $0x3;
	s20 =	simm.s32 $0x0  }
.LBB2_1:
0x20: {  	s21 =	rddreg [dreg:$0x3]  }
0x21: {  	[tilespmem:s3], [sflag:$0x1] =	stream.linear.gather [hbm4b:s21+s3], $0x200, $0x38;
	[tilespmem:$0x15400] =	vst v63  }
0x22: {  	s23 =	rddreg [dreg:$0x4];
	s22 =	simm.s32 $0x200  }
0x23: {  	[tilespmem:s22], [sflag:$0x1] =	stream.linear.gather [hbm4b:s23+s3], $0x200, $0x38;
	[tilespmem:$0x15400] =	vst v63  }
0x24: {  	s22 =	rddreg [dreg:$0x5];
	s23 =	simm.s32 $0x400  }
0x25: {  	[tilespmem:s23], [sflag:$0x1] =	stream.linear.gather [hbm4b:s22+s3], $0x200, $0x38;
	[tilespmem:$0x15400] =	vst v63  }
0x26: {  	s22 =	rddreg [dreg:$0x6];
	s23 =	simm.s32 $0x600  }
0x27: {  	[tilespmem:s23], [sflag:$0x1] =	stream.linear.gather [hbm4b:s22+s3], $0x200, $0x38;
	[tilespmem:$0x15400] =	vst v63  }
0x28: {  	s22 =	rddreg [dreg:$0x7];
	s23 =	simm.s32 $0x800  }
0x29: {  	[tilespmem:s23], [sflag:$0x1] =	stream.linear.gather [hbm4b:s22+s3], $0x200, $0x38;
	[tilespmem:$0x15400] =	vst v63  }
0x2a: {  	s22 =	rddreg [dreg:$0x8];
	s23 =	simm.s32 $0xA00  }
0x2b: {  	[tilespmem:s23], [sflag:$0x1] =	stream.linear.gather [hbm4b:s22+s3], $0x200, $0x38;
	[tilespmem:$0x15400] =	vst v63  }
0x2c: {  	s22 =	rddreg [dreg:$0x9];
	s23 =	simm.s32 $0xC00  }
0x2d: {  	[tilespmem:s23], [sflag:$0x1] =	stream.linear.gather [hbm4b:s22+s3], $0x200, $0x38;
	[tilespmem:$0x15400] =	vst v63  }
0x2e: {  	s22 =	rddreg [dreg:$0xa];
	s23 =	simm.s32 $0xE00  }
0x2f: {  	[tilespmem:s23], [sflag:$0x1] =	stream.linear.gather [hbm4b:s22+s3], $0x200, $0x38;
	[tilespmem:$0x15400] =	vst v63  }
0x30: {  	s22 =	rddreg [dreg:$0xb];
	s23 =	simm.s32 $0x1000  }
0x31: {  	[tilespmem:s23], [sflag:$0x1] =	stream.linear.gather [hbm4b:s22+s3], $0x200, $0x38;
	[tilespmem:$0x15400] =	vst v63  }
0x32: {  	s22 =	rddreg [dreg:$0xc];
	s23 =	simm.s32 $0x1200  }
0x33: {  	[tilespmem:s23], [sflag:$0x1] =	stream.linear.gather [hbm4b:s22+s3], $0x200, $0x38;
	[tilespmem:$0x15400] =	vst v63  }
0x34: {  	s22 =	rddreg [dreg:$0xd];
	s23 =	simm.s32 $0x1400  }
0x35: {  	[tilespmem:s23], [sflag:$0x1] =	stream.linear.gather [hbm4b:s22+s3], $0x200, $0x38;
	[tilespmem:$0x15400] =	vst v63  }
0x36: {  	s22 =	rddreg [dreg:$0xe];
	s23 =	simm.s32 $0x1600  }
0x37: {  	[tilespmem:s23], [sflag:$0x1] =	stream.linear.gather [hbm4b:s22+s3], $0x200, $0x38;
	[tilespmem:$0x15400] =	vst v63  }
0x38: {  	s22 =	rddreg [dreg:$0xf];
	s23 =	simm.s32 $0x1800  }
0x39: {  	[tilespmem:s23], [sflag:$0x1] =	stream.linear.gather [hbm4b:s22+s3], $0x200, $0x38;
	[tilespmem:$0x15400] =	vst v63  }
0x3a: {  	s22 =	rddreg [dreg:$0x10];
	s23 =	simm.s32 $0x1A00  }
0x3b: {  	[tilespmem:s23], [sflag:$0x1] =	stream.linear.gather [hbm4b:s22+s3], $0x200, $0x38;
	[tilespmem:$0x15400] =	vst v63  }
0x3c: {  	s22 =	rddreg [dreg:$0x11];
	s23 =	simm.s32 $0x1C00  }
0x3d: {  	[tilespmem:s23], [sflag:$0x1] =	stream.linear.gather [hbm4b:s22+s3], $0x200, $0x38;
	[tilespmem:$0x15400] =	vst v63  }
0x3e: {  	s22 =	rddreg [dreg:$0x12];
	s23 =	simm.s32 $0x1E00  }
0x3f: {  	[tilespmem:s23], [sflag:$0x1] =	stream.linear.gather [hbm4b:s22+s3], $0x200, $0x38;
	[tilespmem:$0x15400] =	vst v63  }
0x40: {  	s22 =	rddreg [dreg:$0x13];
	s23 =	simm.s32 $0x2000  }
0x41: {  	[tilespmem:s23], [sflag:$0x1] =	stream.linear.gather [hbm4b:s22+s3], $0x200, $0x38;
	[tilespmem:$0x15400] =	vst v63  }
0x42: {  	s22 =	rddreg [dreg:$0x14];
	s23 =	simm.s32 $0x2200  }
0x43: {  	[tilespmem:s23], [sflag:$0x1] =	stream.linear.gather [hbm4b:s22+s3], $0x200, $0x38;
	[tilespmem:$0x15400] =	vst v63  }
0x44: {  	s22 =	rddreg [dreg:$0x15];
	s23 =	simm.s32 $0x2400  }
0x45: {  	[tilespmem:s23], [sflag:$0x1] =	stream.linear.gather [hbm4b:s22+s3], $0x200, $0x38;
	[tilespmem:$0x15400] =	vst v63  }
0x46: {  	s23 =	simm.s32 $0x2600  }
0x47: {  	[tilespmem:s23], [sflag:$0x1] =	stream.linear.gather [hbm4b:s24+s3], $0x200, $0x38;
	[tilespmem:$0x15400] =	vst v63  }
0x48: {  	s22 =	simm.s32 $0x2800  }
0x49: {  	[tilespmem:s22], [sflag:$0x1] =	stream.linear.gather [hbm4b:s25+s3], $0x200, $0x38;
	[tilespmem:$0x15400] =	vst v63  }
0x4a: {  	s23 =	simm.s32 $0x2A00  }
0x4b: {  	[tilespmem:s23], [sflag:$0x1] =	stream.linear.gather [hbm4b:s26+s3], $0x200, $0x38;
	[tilespmem:$0x15400] =	vst v63  }
0x4c: {  	s22 =	simm.s32 $0x2C00  }
0x4d: {  	[tilespmem:s22], [sflag:$0x1] =	stream.linear.gather [hbm4b:s28+s3], $0x200, $0x38;
	[tilespmem:$0x15400] =	vst v63  }
0x4e: {  	s23 =	simm.s32 $0x2E00  }
0x4f: {  	[tilespmem:s23], [sflag:$0x1] =	stream.linear.gather [hbm4b:s29+s3], $0x200, $0x38;
	[tilespmem:$0x15400] =	vst v63  }
0x50: {  	s22 =	simm.s32 $0x3000  }
0x51: {  	[tilespmem:s22], [sflag:$0x1] =	stream.linear.gather [hbm4b:s30+s3], $0x200, $0x38;
	[tilespmem:$0x15400] =	vst v63  }
0x52: {  	s21 =	simm.s32 $0x0;
	s23 =	simm.s32 $0x3200;
	s22 =	simm.s32 $0x200  }
0x53: {  	[tilespmem:s23], [sflag:$0x1] =	stream.linear.gather [hbm4b:s31+s3], $0x200, $0x38;
	[tilespmem:$0x15400] =	vst v63  }
.LBB2_2:
0x54: {  	p0 =	sne.s32 s22, $0x3FE00;
	[tilespmem:s21+$0x3470] =	vst v0  }
0x55: {  	[tilespmem:s21+$0x3400] =	vst v0  }
0x56: {  	[tilespmem:s21+$0x3410] =	vst v0  }
.Ltmp0:
0x57: {  	[tilespmem:s21+$0x3420] =	vst v0;
	(pc) =	sbr.rel @p0 .LBB2_2-.Ltmp0, $4  }
0x58: {  	[tilespmem:s21+$0x3430] =	vst v0  }
0x59: {  	[tilespmem:s21+$0x3440] =	vst v0  }
0x5a: {  	[tilespmem:s21+$0x3450] =	vst v0  }
0x5b: {  	[tilespmem:s21+$0x3460] =	vst v0;
	s21 =	sshra.s32 s22, $0x2;
	s22 =	sadd.s32 $0x200, s22  }
0x5c: {  	[tilespmem:s21+$0x3470] =	vst v0  }
0x5d: {  	[tilespmem:s21+$0x3400] =	vst v0  }
0x5e: {  	[tilespmem:s21+$0x3410] =	vst v0  }
0x5f: {  	[tilespmem:s21+$0x3420] =	vst v0  }
0x60: {  	[tilespmem:s21+$0x3430] =	vst v0  }
0x61: {  	[tilespmem:s21+$0x3440] =	vst v0  }
0x62: {  	[tilespmem:s21+$0x3450] =	vst v0  }
0x63: {  	[tilespmem:s21+$0x3460] =	vst v0;
	s21 =	simm.s32 $0x40;
	s22 =	simm.s32 $0x0  }
.LBB2_4:
0x64: {  	p0 =	sne.s32 s21, $0x7FC0;
	[tilespmem:s22+$0x13400] =	vst v0;
	s22 =	smov.u32 s21;
	s21 =	sadd.s32 $0x40, s21  }
.Ltmp1:
0x65: {  	(pc) =	sbr.rel @p0 .LBB2_4-.Ltmp1, $2  }
0x66: {  	_ =	sdelay $0x2  }
0x67: {  	s22 =	sshra.s32 s22, $0x2  }
0x68: {  	[tilespmem:s22+$0x13400] =	vst v0  }
0x69: {  	_ =	swait.ge [sflag:s6], $0x200  }
0x6a: {  	[sflag:s6] =	ssyncset.done $0x0  }
0x6b: {  	[sflag:s6] =	ssyncadd.s32 $0xFFFFFE00  }
0x6c: {  	_ =	swait.ge [sflag:s6], $0x200  }
0x6d: {  	[sflag:s6] =	ssyncset.done $0x0  }
0x6e: {  	[sflag:s6] =	ssyncadd.s32 $0xFFFFFE00  }
0x6f: {  	_ =	swait.ge [sflag:s6], $0x200  }
0x70: {  	[sflag:s6] =	ssyncset.done $0x0  }
0x71: {  	[sflag:s6] =	ssyncadd.s32 $0xFFFFFE00  }
0x72: {  	_ =	swait.ge [sflag:s6], $0x200  }
0x73: {  	[sflag:s6] =	ssyncset.done $0x0  }
0x74: {  	[sflag:s6] =	ssyncadd.s32 $0xFFFFFE00  }
0x75: {  	_ =	swait.ge [sflag:s6], $0x200  }
0x76: {  	[sflag:s6] =	ssyncset.done $0x0  }
0x77: {  	[sflag:s6] =	ssyncadd.s32 $0xFFFFFE00  }
0x78: {  	_ =	swait.ge [sflag:s6], $0x200  }
0x79: {  	[sflag:s6] =	ssyncset.done $0x0  }
0x7a: {  	[sflag:s6] =	ssyncadd.s32 $0xFFFFFE00  }
0x7b: {  	_ =	swait.ge [sflag:s6], $0x200  }
0x7c: {  	[sflag:s6] =	ssyncset.done $0x0  }
0x7d: {  	[sflag:s6] =	ssyncadd.s32 $0xFFFFFE00  }
0x7e: {  	_ =	swait.ge [sflag:s6], $0x200  }
0x7f: {  	[sflag:s6] =	ssyncset.done $0x0  }
0x80: {  	[sflag:s6] =	ssyncadd.s32 $0xFFFFFE00  }
0x81: {  	_ =	swait.ge [sflag:s6], $0x200  }
0x82: {  	[sflag:s6] =	ssyncset.done $0x0  }
0x83: {  	[sflag:s6] =	ssyncadd.s32 $0xFFFFFE00  }
0x84: {  	_ =	swait.ge [sflag:s6], $0x200  }
0x85: {  	[sflag:s6] =	ssyncset.done $0x0  }
0x86: {  	[sflag:s6] =	ssyncadd.s32 $0xFFFFFE00  }
0x87: {  	_ =	swait.ge [sflag:s6], $0x200  }
0x88: {  	[sflag:s6] =	ssyncset.done $0x0  }
0x89: {  	[sflag:s6] =	ssyncadd.s32 $0xFFFFFE00  }
0x8a: {  	_ =	swait.ge [sflag:s6], $0x200  }
0x8b: {  	[sflag:s6] =	ssyncset.done $0x0  }
0x8c: {  	[sflag:s6] =	ssyncadd.s32 $0xFFFFFE00  }
0x8d: {  	_ =	swait.ge [sflag:s6], $0x200  }
0x8e: {  	[sflag:s6] =	ssyncset.done $0x0  }
0x8f: {  	[sflag:s6] =	ssyncadd.s32 $0xFFFFFE00  }
0x90: {  	_ =	swait.ge [sflag:s6], $0x200  }
0x91: {  	[sflag:s6] =	ssyncset.done $0x0  }
0x92: {  	[sflag:s6] =	ssyncadd.s32 $0xFFFFFE00  }
0x93: {  	_ =	swait.ge [sflag:s6], $0x200  }
0x94: {  	[sflag:s6] =	ssyncset.done $0x0  }
0x95: {  	[sflag:s6] =	ssyncadd.s32 $0xFFFFFE00  }
0x96: {  	_ =	swait.ge [sflag:s6], $0x200  }
0x97: {  	[sflag:s6] =	ssyncset.done $0x0  }
0x98: {  	[sflag:s6] =	ssyncadd.s32 $0xFFFFFE00  }
0x99: {  	_ =	swait.ge [sflag:s6], $0x200  }
0x9a: {  	[sflag:s6] =	ssyncset.done $0x0  }
0x9b: {  	[sflag:s6] =	ssyncadd.s32 $0xFFFFFE00  }
0x9c: {  	_ =	swait.ge [sflag:s6], $0x200  }
0x9d: {  	[sflag:s6] =	ssyncset.done $0x0  }
0x9e: {  	[sflag:s6] =	ssyncadd.s32 $0xFFFFFE00  }
0x9f: {  	_ =	swait.ge [sflag:s6], $0x200  }
0xa0: {  	[sflag:s6] =	ssyncset.done $0x0  }
0xa1: {  	[sflag:s6] =	ssyncadd.s32 $0xFFFFFE00  }
0xa2: {  	_ =	swait.ge [sflag:s6], $0x200  }
0xa3: {  	[sflag:s6] =	ssyncset.done $0x0  }
0xa4: {  	[sflag:s6] =	ssyncadd.s32 $0xFFFFFE00  }
0xa5: {  	_ =	swait.ge [sflag:s6], $0x200  }
0xa6: {  	[sflag:s6] =	ssyncset.done $0x0  }
0xa7: {  	[sflag:s6] =	ssyncadd.s32 $0xFFFFFE00  }
0xa8: {  	_ =	swait.ge [sflag:s6], $0x200  }
0xa9: {  	[sflag:s6] =	ssyncset.done $0x0  }
0xaa: {  	[sflag:s6] =	ssyncadd.s32 $0xFFFFFE00  }
0xab: {  	_ =	swait.ge [sflag:s6], $0x200  }
0xac: {  	[sflag:s6] =	ssyncset.done $0x0  }
0xad: {  	[sflag:s6] =	ssyncadd.s32 $0xFFFFFE00  }
0xae: {  	_ =	swait.ge [sflag:s6], $0x200  }
0xaf: {  	[sflag:s6] =	ssyncset.done $0x0  }
0xb0: {  	[sflag:s6] =	ssyncadd.s32 $0xFFFFFE00  }
0xb1: {  	_ =	swait.ge [sflag:s6], $0x200  }
0xb2: {  	[sflag:s6] =	ssyncset.done $0x0  }
0xb3: {  	[sflag:s6] =	ssyncadd.s32 $0xFFFFFE00  }
0xb4: {  	_ =	swait.ge [sflag:s6], $0x200  }
0xb5: {  	[sflag:s6] =	ssyncset.done $0x0  }
0xb6: {  	[sflag:s6] =	ssyncadd.s32 $0xFFFFFE00  }
0xb7: {  	[tilespmem:s8], [sflag:$0x1] =	stream.indirect.gather.add.f32 [hbm:s2], $0x80, s3, s7, $0xb8;
	[tilespmem:$0x15400] =	vst v63  }
0xb8: {  	_ = 	snop  }
0xb9: {  	[tilespmem:s9], [sflag:$0x2] =	stream.indirect.gather.add.f32 [hbm:s4], $0x10, s3, s7, $0xb8;
	[tilespmem:$0x15400] =	vst v63  }
0xba: {  	_ = 	snop  }
0xbb: {  	[tilespmem:s10], [sflag:$0x1] =	stream.indirect.gather.add.f32 [hbm:s2], $0x80, s7, s7, $0xb8;
	[tilespmem:$0x15400] =	vst v63  }
0xbc: {  	_ = 	snop  }
0xbd: {  	[tilespmem:s11], [sflag:$0x2] =	stream.indirect.gather.add.f32 [hbm:s4], $0x10, s7, s7, $0xb8;
	[tilespmem:$0x15400] =	vst v63  }
0xbe: {  	_ = 	snop  }
0xbf: {  	[tilespmem:s13], [sflag:$0x1] =	stream.indirect.gather.add.f32 [hbm:s2], $0x80, s12, s7, $0xb8;
	[tilespmem:$0x15400] =	vst v63  }
0xc0: {  	_ = 	snop  }
0xc1: {  	[tilespmem:s14], [sflag:$0x2] =	stream.indirect.gather.add.f32 [hbm:s4], $0x10, s12, s7, $0xb8;
	[tilespmem:$0x15400] =	vst v63  }
0xc2: {  	_ = 	snop  }
0xc3: {  	[tilespmem:s16], [sflag:$0x1] =	stream.indirect.gather.add.f32 [hbm:s2], $0x80, s15, s7, $0xb8;
	[tilespmem:$0x15400] =	vst v63  }
0xc4: {  	_ = 	snop  }
0xc5: {  	[tilespmem:s17], [sflag:$0x2] =	stream.indirect.gather.add.f32 [hbm:s4], $0x10, s15, s7, $0xb8;
	[tilespmem:$0x15400] =	vst v63  }
0xc6: {  	_ =	swait.ge [sflag:s6], $0x4000  }
0xc7: {  	[sflag:s6] =	ssyncset.done $0x0  }
0xc8: {  	[sflag:s6] =	ssyncadd.s32 $0xFFFFC000  }
0xc9: {  	_ =	swait.ge [sflag:s18], $0x800  }
0xca: {  	[sflag:s18] =	ssyncset.done $0x0  }
0xcb: {  	[sflag:s18] =	ssyncadd.s32 $0xFFFFF800  }
0xcc: {  	_ =	swait.ge [sflag:s6], $0x4000  }
0xcd: {  	[sflag:s6] =	ssyncset.done $0x0  }
0xce: {  	[sflag:s6] =	ssyncadd.s32 $0xFFFFC000  }
0xcf: {  	_ =	swait.ge [sflag:s18], $0x800  }
0xd0: {  	[sflag:s18] =	ssyncset.done $0x0  }
0xd1: {  	[sflag:s18] =	ssyncadd.s32 $0xFFFFF800  }
0xd2: {  	_ =	swait.ge [sflag:s6], $0x4000  }
0xd3: {  	[sflag:s6] =	ssyncset.done $0x0  }
0xd4: {  	[sflag:s6] =	ssyncadd.s32 $0xFFFFC000  }
0xd5: {  	_ =	swait.ge [sflag:s18], $0x800  }
0xd6: {  	[sflag:s18] =	ssyncset.done $0x0  }
0xd7: {  	[sflag:s18] =	ssyncadd.s32 $0xFFFFF800  }
0xd8: {  	_ =	swait.ge [sflag:s6], $0x4000  }
0xd9: {  	[sflag:s6] =	ssyncset.done $0x0  }
0xda: {  	[sflag:s6] =	ssyncadd.s32 $0xFFFFC000  }
0xdb: {  	_ =	swait.ge [sflag:s18], $0x800  }
0xdc: {  	[sflag:s18] =	ssyncset.done $0x0  }
0xdd: {  	s21 =	simm.s32 $0x200;
	[sflag:s18] =	ssyncadd.s32 $0xFFFFF800  }
0xde: {  	[tilespmem:s8], [sflag:$0x1] =	stream.indirect.gather.add.f32 [hbm:s2], $0x80, s21, s7, $0xb8;
	[tilespmem:$0x15400] =	vst v63  }
0xdf: {  	_ = 	snop  }
0xe0: {  	[tilespmem:s9], [sflag:$0x2] =	stream.indirect.gather.add.f32 [hbm:s4], $0x10, s21, s7, $0xb8;
	[tilespmem:$0x15400] =	vst v63  }
0xe1: {  	s22 =	simm.s32 $0x280  }
0xe2: {  	[tilespmem:s10], [sflag:$0x1] =	stream.indirect.gather.add.f32 [hbm:s2], $0x80, s22, s7, $0xb8;
	[tilespmem:$0x15400] =	vst v63  }
0xe3: {  	_ = 	snop  }
0xe4: {  	[tilespmem:s11], [sflag:$0x2] =	stream.indirect.gather.add.f32 [hbm:s4], $0x10, s22, s7, $0xb8;
	[tilespmem:$0x15400] =	vst v63  }
0xe5: {  	s23 =	simm.s32 $0x300  }
0xe6: {  	[tilespmem:s13], [sflag:$0x1] =	stream.indirect.gather.add.f32 [hbm:s2], $0x80, s23, s7, $0xb8;
	[tilespmem:$0x15400] =	vst v63  }
0xe7: {  	_ = 	snop  }
0xe8: {  	[tilespmem:s14], [sflag:$0x2] =	stream.indirect.gather.add.f32 [hbm:s4], $0x10, s23, s7, $0xb8;
	[tilespmem:$0x15400] =	vst v63  }
0xe9: {  	s21 =	simm.s32 $0xFFFF4000;
	s22 =	simm.s32 $0x380  }
0xea: {  	[tilespmem:s16], [sflag:$0x1] =	stream.indirect.gather.add.f32 [hbm:s2], $0x80, s22, s7, $0xb8;
	[tilespmem:$0x15400] =	vst v63  }
.LBB2_6:
0xeb: {  	[tilespmem:s17], [sflag:$0x2] =	stream.indirect.gather.add.f32 [hbm:s4], $0x10, s22, s7, $0xb8;
	[tilespmem:$0x15400] =	vst v63  }
0xec: {  	s22 =	smov.u32 s21  }
0xed: {  	p0 =	sne.s32 s21, $0xFFFFF800;
	s21 =	sadd.s32 $0x800, s21;
	_ =	swait.ge [sflag:s6], $0x4000  }
0xee: {  	[sflag:s6] =	ssyncset.done $0x0  }
0xef: {  	[sflag:s6] =	ssyncadd.s32 $0xFFFFC000  }
0xf0: {  	_ =	swait.ge [sflag:s18], $0x800  }
0xf1: {  	[sflag:s18] =	ssyncset.done $0x0  }
0xf2: {  	[sflag:s18] =	ssyncadd.s32 $0xFFFFF800  }
0xf3: {  	_ =	swait.ge [sflag:s6], $0x4000  }
0xf4: {  	[sflag:s6] =	ssyncset.done $0x0  }
0xf5: {  	[sflag:s6] =	ssyncadd.s32 $0xFFFFC000  }
0xf6: {  	_ =	swait.ge [sflag:s18], $0x800  }
0xf7: {  	[sflag:s18] =	ssyncset.done $0x0  }
0xf8: {  	[sflag:s18] =	ssyncadd.s32 $0xFFFFF800  }
0xf9: {  	_ =	swait.ge [sflag:s6], $0x4000  }
0xfa: {  	[sflag:s6] =	ssyncset.done $0x0  }
0xfb: {  	[sflag:s6] =	ssyncadd.s32 $0xFFFFC000  }
0xfc: {  	_ =	swait.ge [sflag:s18], $0x800  }
0xfd: {  	[sflag:s18] =	ssyncset.done $0x0  }
0xfe: {  	[sflag:s18] =	ssyncadd.s32 $0xFFFFF800  }
0xff: {  	_ =	swait.ge [sflag:s6], $0x4000  }
0x100: {  	[sflag:s6] =	ssyncset.done $0x0  }
0x101: {  	[sflag:s6] =	ssyncadd.s32 $0xFFFFC000  }
0x102: {  	_ =	swait.ge [sflag:s18], $0x800  }
0x103: {  	s22 =	sshra.s32 s22, $0x2;
	[sflag:s18] =	ssyncset.done $0x0  }
0x104: {  	s23 =	sadd.s32 $0x3400, s22;
	[sflag:s18] =	ssyncadd.s32 $0xFFFFF800  }
0x105: {  	[tilespmem:s8], [sflag:$0x1] =	stream.indirect.gather.add.f32 [hbm:s2], $0x80, s23, s7, $0xb8;
	[tilespmem:$0x15400] =	vst v63  }
0x106: {  	_ = 	snop  }
0x107: {  	[tilespmem:s9], [sflag:$0x2] =	stream.indirect.gather.add.f32 [hbm:s4], $0x10, s23, s7, $0xb8;
	[tilespmem:$0x15400] =	vst v63  }
0x108: {  	s23 =	sadd.s32 $0x3480, s22  }
0x109: {  	[tilespmem:s10], [sflag:$0x1] =	stream.indirect.gather.add.f32 [hbm:s2], $0x80, s23, s7, $0xb8;
	[tilespmem:$0x15400] =	vst v63  }
0x10a: {  	_ = 	snop  }
0x10b: {  	[tilespmem:s11], [sflag:$0x2] =	stream.indirect.gather.add.f32 [hbm:s4], $0x10, s23, s7, $0xb8;
	[tilespmem:$0x15400] =	vst v63  }
0x10c: {  	s23 =	sadd.s32 $0x3500, s22  }
0x10d: {  	[tilespmem:s13], [sflag:$0x1] =	stream.indirect.gather.add.f32 [hbm:s2], $0x80, s23, s7, $0xb8;
	[tilespmem:$0x15400] =	vst v63  }
.Ltmp2:
0x10e: {  	_ = 	snop;
	(pc) =	sbr.rel @p0 .LBB2_6-.Ltmp2, $4  }
0x10f: {  	_ = 	snop  }
0x110: {  	[tilespmem:s14], [sflag:$0x2] =	stream.indirect.gather.add.f32 [hbm:s4], $0x10, s23, s7, $0xb8;
	[tilespmem:$0x15400] =	vst v63  }
0x111: {  	s22 =	sadd.s32 $0x3580, s22  }
0x112: {  	[tilespmem:s16], [sflag:$0x1] =	stream.indirect.gather.add.f32 [hbm:s2], $0x80, s22, s7, $0xb8;
	[tilespmem:$0x15400] =	vst v63  }
0x113: {  	[tilespmem:s17], [sflag:$0x2] =	stream.indirect.gather.add.f32 [hbm:s4], $0x10, s22, s7, $0xb8;
	[tilespmem:$0x15400] =	vst v63  }
0x114: {  	_ =	swait.ge [sflag:s6], $0x4000  }
0x115: {  	[sflag:s6] =	ssyncset.done $0x0  }
0x116: {  	[sflag:s6] =	ssyncadd.s32 $0xFFFFC000  }
0x117: {  	_ =	swait.ge [sflag:s18], $0x800  }
0x118: {  	[sflag:s18] =	ssyncset.done $0x0  }
0x119: {  	[sflag:s18] =	ssyncadd.s32 $0xFFFFF800  }
0x11a: {  	_ =	swait.ge [sflag:s6], $0x4000  }
0x11b: {  	[sflag:s6] =	ssyncset.done $0x0  }
0x11c: {  	[sflag:s6] =	ssyncadd.s32 $0xFFFFC000  }
0x11d: {  	_ =	swait.ge [sflag:s18], $0x800  }
0x11e: {  	[sflag:s18] =	ssyncset.done $0x0  }
0x11f: {  	[sflag:s18] =	ssyncadd.s32 $0xFFFFF800  }
0x120: {  	_ =	swait.ge [sflag:s6], $0x4000  }
0x121: {  	[sflag:s6] =	ssyncset.done $0x0  }
0x122: {  	[sflag:s6] =	ssyncadd.s32 $0xFFFFC000  }
0x123: {  	_ =	swait.ge [sflag:s18], $0x800  }
0x124: {  	[sflag:s18] =	ssyncset.done $0x0  }
0x125: {  	[sflag:s18] =	ssyncadd.s32 $0xFFFFF800  }
0x126: {  	_ =	swait.ge [sflag:s6], $0x4000  }
0x127: {  	[sflag:s6] =	ssyncset.done $0x0  }
0x128: {  	[sflag:s6] =	ssyncadd.s32 $0xFFFFC000  }
0x129: {  	_ =	swait.ge [sflag:s18], $0x800  }
0x12a: {  	[sflag:s18] =	ssyncset.done $0x0  }
0x12b: {  	[sflag:s18] =	ssyncadd.s32 $0xFFFFF800  }
0x12c: {  	[hbm4b:s0+s3] =	stream.linear.scatter [tilespmem:s8], [sflag:$0x3], $0x10000, $0x38;
	[tilespmem:$0x15400] =	vst v63  }
0x12d: {  	s20 =	sadd.s32 $0x1, s20;
	_ =	swait.ge [sflag:s19], $0x10000  }
0x12e: {  	p0 =	sne.s32 s20, s5;
	[sflag:s19] =	ssyncset.done $0x0  }
.Ltmp3:
0x12f: {  	[sflag:s19] =	ssyncadd.s32 $0xFFFF0000;
	(pc) =	sbr.rel @p0 .LBB2_1-.Ltmp3, $4  }
0x130: {  	[hbm4b:s1+s3] =	stream.linear.scatter [tilespmem:s9], [sflag:$0x3], $0x2000, $0x38;
	[tilespmem:$0x15400] =	vst v63  }
0x131: {  	_ =	swait.ge [sflag:s19], $0x2000  }
0x132: {  	[sflag:s19] =	ssyncset.done $0x0  }
0x133: {  	[sflag:s19] =	ssyncadd.s32 $0xFFFFE000  }
0x134: {  	_ =	sfence.sel $0x180000  }
0x135: {  	[bflag:$0x0] =	sbarrier.arrive $0xFFFF  }
0x136: {  	_ =	strace $0x9000004A  }
0x137: {  	s0 =	stileid.u32;
	[bflag:$0x2] =	sbarrier.arrive $0xFFFF  }
0x138: {  	p0 =	sne.s32 s0, $0x0;
	s0 =	rddreg [dreg:$0x2]  }
0x139: {  	s0 =	sadd.s32 @!p0 $0x100000, s0  }
0x13a: {  	[sflag:s0] =	ssyncadd.tile.s32 @!p0 $0x1;
	_ =	shalt  }
.Lfunc_end2:
_tile_overlayer_lowered:
.L_overlay_start_2:
0x13b: {  	(tag) =	ssettag $0x2  }
0x13c: {  	s0 =	rddreg [dreg:$0x0];
	s2 =	stileid.u32  }
0x13d: {  	s1 =	rddreg [dreg:$0x1];
	p0 =	sne.s32 s2, $0x0  }
0x13e: {  	s3 =	rddreg [dreg:$0x2];
	[bflag:$0x3] =	sbarrier.arrive $0xFFFF;
	s2 =	simm.s32 @!p0 $0x1C03  }
0x13f: {  	[timem:s3], [sflag:s2] =	dma.local @!p0 [hbm:s0], s1  }
0x140: {  	s0 =	simm.s32 @!p0 $0x3  }
0x141: {  	_ =	swait.ge @!p0 [sflag:s0], s1  }
0x142: {  	s1 =	ssub.s32 @!p0 $0x0, s1;
	[sflag:s0] =	ssyncset.done @!p0 $0x0  }
0x143: {  	[sflag:s0] =	ssyncadd.s32 @!p0 s1  }
0x144: {  	[bflag:$0x3] =	sbarrier.arrive $0xFFFF  }
0x145: {  	_ =	shalt  }

</sc_bundles>
